<compile_context>
chip_gen: v7x
topology: tpu7x:2x2x1
jax: 0.10.2.dev20260603
libtpu: 0.0.44.dev20260713+nightly
codegen_flags: <defaults>
</compile_context>

<pallas_src>
import functools

import jax
import jax.numpy as jnp
from jax import lax
from jax.experimental import pallas as pl
from jax.experimental.pallas import tpu as pltpu
from jax.experimental.pallas import tpu_sc as plsc

N_NODES = 10000
N_EDGES = 320000
D = 128

NC = 2
NS = 16
NW = NC * NS
CHUNK = 125
NCH = 80
NQ = 4
QCH = NCH // NQ
ROWS_PER_TILE = 624
TAIL_ROWS = N_NODES - NS * ROWS_PER_TILE
TAIL_OFF = NS * ROWS_PER_TILE

_DOT = (((1,), (1,)), ((), ()))



def _lin1_body(x_ref, w_ref, b_ref, o_ref):
    o_ref[...] = (
        lax.dot_general(x_ref[...], w_ref[...], _DOT,
                        preferred_element_type=jnp.float32)
        + b_ref[...]
    )


_lin1 = pl.pallas_call(
    _lin1_body,
    grid=(2,),
    in_specs=[
        pl.BlockSpec((5000, D), lambda i: (i, 0)),
        pl.BlockSpec((D, D), lambda i: (0, 0)),
        pl.BlockSpec((1, D), lambda i: (0, 0)),
    ],
    out_specs=pl.BlockSpec((5000, D), lambda i: (i, 0)),
    out_shape=jax.ShapeDtypeStruct((N_NODES, D), jnp.float32),
)



def _sc_body(h_hbm, src_hbm, dst_hbm, z_hbm, out_hbm,
             dst_v, srcq_a, srcq_b, rows_a, rows_b, acc,
             qsem_a, qsem_b, gsem_a, gsem_b, ssem_a, ssem_b):
    c = lax.axis_index("c")
    s = lax.axis_index("s")
    wid = c * NS + s

    qbufs = (srcq_a, srcq_b)
    qsems = (qsem_a, qsem_b)
    rows = (rows_a, rows_b)
    gsems = (gsem_a, gsem_b)

    pltpu.async_copy(src_hbm.at[wid, 0], srcq_a, qsem_a)
    pltpu.async_copy(dst_hbm.at[wid], dst_v, ssem_a)

    pltpu.sync_copy(z_hbm, acc.at[pl.ds(s * ROWS_PER_TILE, ROWS_PER_TILE)])
    @pl.when(s == 0)
    def _():
        pltpu.sync_copy(z_hbm.at[pl.ds(0, TAIL_ROWS)],
                        acc.at[pl.ds(TAIL_OFF, TAIL_ROWS)])

    pltpu.make_async_copy(src_hbm.at[wid, 0], srcq_a, qsem_a).wait()
    pltpu.make_async_copy(dst_hbm.at[wid], dst_v, ssem_a).wait()
    plsc.subcore_barrier()

    def fire_gather(k, qb, p):
        pltpu.async_copy(h_hbm.at[qb.at[k]], rows[p], gsems[p])

    def wait_gather(k, qb, p):
        pltpu.make_async_copy(h_hbm.at[qb.at[k]], rows[p], gsems[p]).wait()

    def step(j, k, qb, p, qb_next=None):
        if qb_next is None:
            fire_gather(k + 1, qb, 1 - p)
        elif qb_next is not False:
            fire_gather(0, qb_next, 1 - p)
        wait_gather(k, qb, p)
        pltpu.sync_copy(rows[p], acc.at[dst_v.at[j]], add=True)

    fire_gather(0, srcq_a, 0)

    for q in range(NQ):
        qb = qbufs[q % 2]
        base = QCH * q
        if q + 1 < NQ:
            nb = qbufs[(q + 1) % 2]
            nsem = qsems[(q + 1) % 2]
            pltpu.async_copy(src_hbm.at[wid, q + 1], nb, nsem)

        def pair(m, carry, qb=qb, base=base):
            k = 2 * m
            step(base + k, k, qb, 0)
            step(base + k + 1, k + 1, qb, 1)
            return carry

        lax.fori_loop(0, QCH // 2 - 1, pair, 0)
        step(base + QCH - 2, QCH - 2, qb, 0)
        if q + 1 < NQ:
            pltpu.make_async_copy(src_hbm.at[wid, q + 1], nb, nsem).wait()
            step(base + QCH - 1, QCH - 1, qb, 1, qb_next=nb)
        else:
            step(base + QCH - 1, QCH - 1, qb, 1, qb_next=False)

    plsc.subcore_barrier()

    pltpu.sync_copy(
        acc.at[pl.ds(s * ROWS_PER_TILE, ROWS_PER_TILE)],
        out_hbm.at[c].at[pl.ds(s * ROWS_PER_TILE, ROWS_PER_TILE)],
    )
    @pl.when(s == 0)
    def _():
        pltpu.sync_copy(acc.at[pl.ds(TAIL_OFF, TAIL_ROWS)],
                        out_hbm.at[c].at[pl.ds(TAIL_OFF, TAIL_ROWS)])


_sc_scatter = functools.partial(
    pl.kernel,
    out_type=jax.ShapeDtypeStruct((NC, N_NODES, D), jnp.float32),
    mesh=plsc.VectorSubcoreMesh(core_axis_name="c", subcore_axis_name="s"),
    scratch_types=[
        pltpu.VMEM((NCH, CHUNK), jnp.int32),
        pltpu.VMEM((QCH, CHUNK), jnp.int32),
        pltpu.VMEM((QCH, CHUNK), jnp.int32),
        pltpu.VMEM((CHUNK, D), jnp.float32),
        pltpu.VMEM((CHUNK, D), jnp.float32),
        pltpu.VMEM_SHARED((N_NODES, D), jnp.float32),
        pltpu.SemaphoreType.DMA,
        pltpu.SemaphoreType.DMA,
        pltpu.SemaphoreType.DMA,
        pltpu.SemaphoreType.DMA,
        pltpu.SemaphoreType.DMA,
        pltpu.SemaphoreType.DMA,
    ],
)(_sc_body)



def _lin2_body(p_ref, w_ref, b_ref, o_ref):
    a = jnp.maximum(p_ref[0] + p_ref[1], 0.0)
    o_ref[...] = (
        lax.dot_general(a, w_ref[...], _DOT,
                        preferred_element_type=jnp.float32)
        + b_ref[...]
    )


_lin2 = pl.pallas_call(
    _lin2_body,
    grid=(2,),
    in_specs=[
        pl.BlockSpec((NC, 5000, D), lambda i: (0, i, 0)),
        pl.BlockSpec((D, D), lambda i: (0, 0)),
        pl.BlockSpec((1, D), lambda i: (0, 0)),
    ],
    out_specs=pl.BlockSpec((5000, D), lambda i: (i, 0)),
    out_shape=jax.ShapeDtypeStruct((N_NODES, D), jnp.float32),
)


def kernel(x, edge_index, W1, b1, W2, b2):
    src = edge_index[0].astype(jnp.int32).reshape(NW, NQ, QCH, CHUNK)
    dst = edge_index[1].astype(jnp.int32).reshape(NW, NCH, CHUNK)
    zeros = jnp.zeros((ROWS_PER_TILE, D), jnp.float32)
    h = _lin1(x, W1, b1.reshape(1, D))
    partials = _sc_scatter(h, src, dst, zeros)
    return _lin2(partials, W2, b2.reshape(1, D))

# --- scband reference (transcript-rebuilt; emitter-appended) ---
"""Pipeline reference for scband-gnnencoder-13099650253146 (READ-ONLY COPY).

The authoritative reference and input builder live on the scoring server;
editing this copy changes nothing except your own understanding.
"""

import jax, jax.numpy as jnp
import numpy as np

N_NODES = 10000
N_EDGES = 320000
D_IN = 128
D_HID = 128
D_OUT = 128


def setup_inputs(seed: int = 0) -> dict:
    key = jax.random.key(seed)
    k1, k2, k3, k4, k5, k6 = jax.random.split(key, 6)
    x = jax.random.normal(k1, (N_NODES, D_IN), dtype=jnp.float32)
    edge_index = jax.random.randint(k2, (2, N_EDGES), 0, N_NODES, dtype=jnp.int64 if jax.config.jax_enable_x64 else jnp.int32)
    # Linear layers (torch nn.Linear style: y = x @ W.T + b)
    lim1 = 1.0 / np.sqrt(D_IN)
    W1 = jax.random.uniform(k3, (D_HID, D_IN), minval=-lim1, maxval=lim1, dtype=jnp.float32)
    b1 = jax.random.uniform(k4, (D_HID,), minval=-lim1, maxval=lim1, dtype=jnp.float32)
    lim2 = 1.0 / np.sqrt(D_HID)
    W2 = jax.random.uniform(k5, (D_OUT, D_HID), minval=-lim2, maxval=lim2, dtype=jnp.float32)
    b2 = jax.random.uniform(k6, (D_OUT,), minval=-lim2, maxval=lim2, dtype=jnp.float32)
    return {"x": x, "edge_index": edge_index, "W1": W1, "b1": b1, "W2": W2, "b2": b2}


def reference(x, edge_index, W1, b1, W2, b2):
    # GNNEncoder(model_type='MPNN', aggr='add'), no batch/layer norm
    h = x @ W1.T + b1                     # lin1
    src = edge_index[0]
    dst = edge_index[1]
    msg = jnp.take(h, src, axis=0)        # message: x_j (gather source nodes)
    agg = jax.ops.segment_sum(msg, dst, num_segments=x.shape[0])  # aggr='add' scatter-add to dst
    h = jax.nn.relu(agg)                  # F.relu
    out = h @ W2.T + b2                   # lin2
    return out

if __name__ == "__main__":
    import jax
    _d = setup_inputs()
    print(jax.jit(kernel)(*tuple(_d.values())))

</pallas_src>

<mosaic_0001>
#map = affine_map<(d0, d1) -> (0, 0)>
#map1 = affine_map<(d0, d1) -> (0, 0, 0, 0)>
#map2 = affine_map<(d0, d1) -> (0, 0, 0)>
module attributes {stable_mosaic.version = 14 : i64} {
  func.func @_sc_body(%arg0: i32, %arg1: i32, %arg2: memref<10000x128xf32, #tpu.memory_space<hbm>>, %arg3: memref<32x4x20x125xi32, #tpu.memory_space<hbm>>, %arg4: memref<32x80x125xi32, #tpu.memory_space<hbm>>, %arg5: memref<624x128xf32, #tpu.memory_space<hbm>>, %arg6: memref<2x10000x128xf32, #tpu.memory_space<hbm>>, %arg7: memref<80x125xi32, #tpu.memory_space<vmem>>, %arg8: memref<20x125xi32, #tpu.memory_space<vmem>>, %arg9: memref<20x125xi32, #tpu.memory_space<vmem>>, %arg10: memref<125x128xf32, #tpu.memory_space<vmem>>, %arg11: memref<125x128xf32, #tpu.memory_space<vmem>>, %arg12: memref<10000x128xf32, #tpu.memory_space<vmem_shared>>, %arg13: memref<!tpu.dma_semaphore, #tpu.memory_space<semaphore_mem>>, %arg14: memref<!tpu.dma_semaphore, #tpu.memory_space<semaphore_mem>>, %arg15: memref<!tpu.dma_semaphore, #tpu.memory_space<semaphore_mem>>, %arg16: memref<!tpu.dma_semaphore, #tpu.memory_space<semaphore_mem>>, %arg17: memref<!tpu.dma_semaphore, #tpu.memory_space<semaphore_mem>>, %arg18: memref<!tpu.dma_semaphore, #tpu.memory_space<semaphore_mem>>) attributes {dimension_semantics = [#tpu.dimension_semantics<core_parallel>, #tpu.dimension_semantics<subcore_parallel>], iteration_bounds = array<i64: 2, 16>, scalar_prefetch = 0 : i64, scratch_operands = 12 : i64, tpu.core_type = #tpu.core_type<sc_vector_subcore>, window_params = [{transform_indices = #map}, {transform_indices = #map1}, {transform_indices = #map2}, {transform_indices = #map}, {transform_indices = #map2}]} {
    %mul3A = arith.constant 16 : i32
    %mul3A_0 = arith.muli %arg0, %mul3A : i32
    %add3A = arith.addi %mul3A_0, %arg1 : i32
    %dma_start3A = arith.constant 0 : i32
    %dma_start3A_1 = arith.constant 0 : i32
    %dma_start3A_2 = arith.constant 0 : i32
    %dma_start3A_3 = tpu.memref_slice %arg3[%add3A, %dma_start3A, %dma_start3A_1, %dma_start3A_2] : memref<32x4x20x125xi32, #tpu.memory_space<hbm>> -> memref<1x1x20x125xi32, #tpu.memory_space<hbm>>
    %dma_start3A_4 = tpu.memref_squeeze %dma_start3A_3 : memref<1x1x20x125xi32, #tpu.memory_space<hbm>> -> memref<20x125xi32, #tpu.memory_space<hbm>>
    %dma_start3A_5 = arith.constant 0 : i32
    %dma_start3A_6 = arith.constant 0 : i32
    %dma_start3A_7 = tpu.memref_slice %arg3[%add3A, %dma_start3A, %dma_start3A_5, %dma_start3A_6] : memref<32x4x20x125xi32, #tpu.memory_space<hbm>> -> memref<1x1x20x125xi32, #tpu.memory_space<hbm>>
    %dma_start3A_8 = tpu.memref_squeeze %dma_start3A_7 : memref<1x1x20x125xi32, #tpu.memory_space<hbm>> -> memref<20x125xi32, #tpu.memory_space<hbm>>
    tpu.enqueue_dma source(%dma_start3A_8 : memref<20x125xi32, #tpu.memory_space<hbm>>) target(%arg8 : memref<20x125xi32, #tpu.memory_space<vmem>>) target_semaphore(%arg13 : memref<!tpu.dma_semaphore, #tpu.memory_space<semaphore_mem>>)
    %dma_start3A_9 = arith.constant 0 : i32
    %dma_start3A_10 = arith.constant 0 : i32
    %dma_start3A_11 = tpu.memref_slice %arg4[%add3A, %dma_start3A_9, %dma_start3A_10] : memref<32x80x125xi32, #tpu.memory_space<hbm>> -> memref<1x80x125xi32, #tpu.memory_space<hbm>>
    %dma_start3A_12 = tpu.memref_squeeze %dma_start3A_11 : memref<1x80x125xi32, #tpu.memory_space<hbm>> -> memref<80x125xi32, #tpu.memory_space<hbm>>
    %dma_start3A_13 = arith.constant 0 : i32
    %dma_start3A_14 = arith.constant 0 : i32
    %dma_start3A_15 = tpu.memref_slice %arg4[%add3A, %dma_start3A_13, %dma_start3A_14] : memref<32x80x125xi32, #tpu.memory_space<hbm>> -> memref<1x80x125xi32, #tpu.memory_space<hbm>>
    %dma_start3A_16 = tpu.memref_squeeze %dma_start3A_15 : memref<1x80x125xi32, #tpu.memory_space<hbm>> -> memref<80x125xi32, #tpu.memory_space<hbm>>
    tpu.enqueue_dma source(%dma_start3A_16 : memref<80x125xi32, #tpu.memory_space<hbm>>) target(%arg7 : memref<80x125xi32, #tpu.memory_space<vmem>>) target_semaphore(%arg17 : memref<!tpu.dma_semaphore, #tpu.memory_space<semaphore_mem>>)
    %mul3A_17 = arith.constant 624 : i32
    %mul3A_18 = arith.muli %arg1, %mul3A_17 : i32
    "tpu.region"() ({
      %run_scoped3A_243 = tpu.sem_alloc : memref<!tpu.dma_semaphore, #tpu.memory_space<semaphore_mem>>
      %dma_start3A_244 = arith.constant 0 : i32
      %dma_start3A_245 = tpu.memref_slice %arg12[%mul3A_18, %dma_start3A_244] : memref<10000x128xf32, #tpu.memory_space<vmem_shared>> -> memref<624x128xf32, #tpu.memory_space<vmem_shared>>
      tpu.enqueue_dma source(%arg5 : memref<624x128xf32, #tpu.memory_space<hbm>>) target(%dma_start3A_245 : memref<624x128xf32, #tpu.memory_space<vmem_shared>>) target_semaphore(%run_scoped3A_243 : memref<!tpu.dma_semaphore, #tpu.memory_space<semaphore_mem>>)
      %dma_wait3A_246 = arith.constant 0 : i32
      %dma_wait3A_247 = tpu.memref_slice %arg12[%mul3A_18, %dma_wait3A_246] : memref<10000x128xf32, #tpu.memory_space<vmem_shared>> -> memref<624x128xf32, #tpu.memory_space<vmem_shared>>
      tpu.wait_dma2 semaphore(%run_scoped3A_243 : memref<!tpu.dma_semaphore, #tpu.memory_space<semaphore_mem>>) src(%arg5 : memref<624x128xf32, #tpu.memory_space<hbm>>) dst(%dma_wait3A_247 : memref<624x128xf32, #tpu.memory_space<vmem_shared>>)
      tpu.yield
    }) : () -> ()
    %eq3A = arith.constant 0 : i32
    %eq3A_19 = arith.cmpi eq, %arg1, %eq3A : i32
    %convert_element_type3A = arith.extui %eq3A_19 : i1 to i32
    %cond3A = arith.constant 0 : i32
    %cond3A_20 = arith.cmpi ne, %convert_element_type3A, %cond3A : i32
    scf.if %cond3A_20 {
      "tpu.region"() ({
        %run_scoped3A_243 = tpu.sem_alloc : memref<!tpu.dma_semaphore, #tpu.memory_space<semaphore_mem>>
        %dma_start3A_244 = arith.constant 9984 : i32
        %dma_start3A_245 = arith.constant 0 : i32
        %dma_start3A_246 = tpu.memref_slice %arg12[%dma_start3A_244, %dma_start3A_245] : memref<10000x128xf32, #tpu.memory_space<vmem_shared>> -> memref<16x128xf32, #tpu.memory_space<vmem_shared>>
        %dma_start3A_247 = arith.constant 0 : i32
        %dma_start3A_248 = arith.constant 0 : i32
        %dma_start3A_249 = tpu.memref_slice %arg5[%dma_start3A_247, %dma_start3A_248] : memref<624x128xf32, #tpu.memory_space<hbm>> -> memref<16x128xf32, #tpu.memory_space<hbm>>
        tpu.enqueue_dma source(%dma_start3A_249 : memref<16x128xf32, #tpu.memory_space<hbm>>) target(%dma_start3A_246 : memref<16x128xf32, #tpu.memory_space<vmem_shared>>) target_semaphore(%run_scoped3A_243 : memref<!tpu.dma_semaphore, #tpu.memory_space<semaphore_mem>>)
        %dma_wait3A_250 = arith.constant 9984 : i32
        %dma_wait3A_251 = arith.constant 0 : i32
        %dma_wait3A_252 = tpu.memref_slice %arg12[%dma_wait3A_250, %dma_wait3A_251] : memref<10000x128xf32, #tpu.memory_space<vmem_shared>> -> memref<16x128xf32, #tpu.memory_space<vmem_shared>>
        %dma_wait3A_253 = arith.constant 0 : i32
        %dma_wait3A_254 = arith.constant 0 : i32
        %dma_wait3A_255 = tpu.memref_slice %arg5[%dma_wait3A_253, %dma_wait3A_254] : memref<624x128xf32, #tpu.memory_space<hbm>> -> memref<16x128xf32, #tpu.memory_space<hbm>>
        tpu.wait_dma2 semaphore(%run_scoped3A_243 : memref<!tpu.dma_semaphore, #tpu.memory_space<semaphore_mem>>) src(%dma_wait3A_255 : memref<16x128xf32, #tpu.memory_space<hbm>>) dst(%dma_wait3A_252 : memref<16x128xf32, #tpu.memory_space<vmem_shared>>)
        tpu.yield
      }) : () -> ()
    } else {
    }
    %dma_wait3A = arith.constant 0 : i32
    %dma_wait3A_21 = arith.constant 0 : i32
    %dma_wait3A_22 = arith.constant 0 : i32
    %dma_wait3A_23 = tpu.memref_slice %arg3[%add3A, %dma_wait3A, %dma_wait3A_21, %dma_wait3A_22] : memref<32x4x20x125xi32, #tpu.memory_space<hbm>> -> memref<1x1x20x125xi32, #tpu.memory_space<hbm>>
    %dma_wait3A_24 = tpu.memref_squeeze %dma_wait3A_23 : memref<1x1x20x125xi32, #tpu.memory_space<hbm>> -> memref<20x125xi32, #tpu.memory_space<hbm>>
    %dma_wait3A_25 = arith.constant 0 : i32
    %dma_wait3A_26 = arith.constant 0 : i32
    %dma_wait3A_27 = tpu.memref_slice %arg3[%add3A, %dma_wait3A, %dma_wait3A_25, %dma_wait3A_26] : memref<32x4x20x125xi32, #tpu.memory_space<hbm>> -> memref<1x1x20x125xi32, #tpu.memory_space<hbm>>
    %dma_wait3A_28 = tpu.memref_squeeze %dma_wait3A_27 : memref<1x1x20x125xi32, #tpu.memory_space<hbm>> -> memref<20x125xi32, #tpu.memory_space<hbm>>
    tpu.wait_dma2 semaphore(%arg13 : memref<!tpu.dma_semaphore, #tpu.memory_space<semaphore_mem>>) src(%dma_wait3A_28 : memref<20x125xi32, #tpu.memory_space<hbm>>) dst(%arg8 : memref<20x125xi32, #tpu.memory_space<vmem>>)
    %dma_wait3A_29 = arith.constant 0 : i32
    %dma_wait3A_30 = arith.constant 0 : i32
    %dma_wait3A_31 = tpu.memref_slice %arg4[%add3A, %dma_wait3A_29, %dma_wait3A_30] : memref<32x80x125xi32, #tpu.memory_space<hbm>> -> memref<1x80x125xi32, #tpu.memory_space<hbm>>
    %dma_wait3A_32 = tpu.memref_squeeze %dma_wait3A_31 : memref<1x80x125xi32, #tpu.memory_space<hbm>> -> memref<80x125xi32, #tpu.memory_space<hbm>>
    %dma_wait3A_33 = arith.constant 0 : i32
    %dma_wait3A_34 = arith.constant 0 : i32
    %dma_wait3A_35 = tpu.memref_slice %arg4[%add3A, %dma_wait3A_33, %dma_wait3A_34] : memref<32x80x125xi32, #tpu.memory_space<hbm>> -> memref<1x80x125xi32, #tpu.memory_space<hbm>>
    %dma_wait3A_36 = tpu.memref_squeeze %dma_wait3A_35 : memref<1x80x125xi32, #tpu.memory_space<hbm>> -> memref<80x125xi32, #tpu.memory_space<hbm>>
    tpu.wait_dma2 semaphore(%arg17 : memref<!tpu.dma_semaphore, #tpu.memory_space<semaphore_mem>>) src(%dma_wait3A_36 : memref<80x125xi32, #tpu.memory_space<hbm>>) dst(%arg7 : memref<80x125xi32, #tpu.memory_space<vmem>>)
    %barrier3A = arith.constant 0 : index
    tpu.barrier barrier_id(%barrier3A)
    %dma_start3A_37 = arith.constant 0 : i32
    %dma_start3A_38 = arith.constant 0 : i32
    %dma_start3A_39 = tpu.memref_slice %arg8[%dma_start3A_37, %dma_start3A_38] : memref<20x125xi32, #tpu.memory_space<vmem>> -> memref<1x125xi32, #tpu.memory_space<vmem>>
    %dma_start3A_40 = tpu.memref_squeeze %dma_start3A_39 : memref<1x125xi32, #tpu.memory_space<vmem>> -> memref<125xi32, #tpu.memory_space<vmem>>
    %dma_start3A_41 = arith.constant 0 : i32
    %dma_start3A_42 = arith.constant 0 : i32
    %dma_start3A_43 = tpu.memref_slice %arg2[%dma_start3A_41, %dma_start3A_42] : memref<10000x128xf32, #tpu.memory_space<hbm>> -> memref<10000x128xf32, #tpu.memory_space<hbm>>
    tpu.enqueue_indirect_dma source(%dma_start3A_43 : memref<10000x128xf32, #tpu.memory_space<hbm>>) target(%arg10 : memref<125x128xf32, #tpu.memory_space<vmem>>) offsets(%dma_start3A_40 : memref<125xi32, #tpu.memory_space<vmem>>) semaphore(%arg15 : memref<!tpu.dma_semaphore, #tpu.memory_space<semaphore_mem>>)
    %dma_start3A_44 = arith.constant 1 : i32
    %dma_start3A_45 = arith.constant 0 : i32
    %dma_start3A_46 = arith.constant 0 : i32
    %dma_start3A_47 = tpu.memref_slice %arg3[%add3A, %dma_start3A_44, %dma_start3A_45, %dma_start3A_46] : memref<32x4x20x125xi32, #tpu.memory_space<hbm>> -> memref<1x1x20x125xi32, #tpu.memory_space<hbm>>
    %dma_start3A_48 = tpu.memref_squeeze %dma_start3A_47 : memref<1x1x20x125xi32, #tpu.memory_space<hbm>> -> memref<20x125xi32, #tpu.memory_space<hbm>>
    %dma_start3A_49 = arith.constant 0 : i32
    %dma_start3A_50 = arith.constant 0 : i32
    %dma_start3A_51 = tpu.memref_slice %arg3[%add3A, %dma_start3A_44, %dma_start3A_49, %dma_start3A_50] : memref<32x4x20x125xi32, #tpu.memory_space<hbm>> -> memref<1x1x20x125xi32, #tpu.memory_space<hbm>>
    %dma_start3A_52 = tpu.memref_squeeze %dma_start3A_51 : memref<1x1x20x125xi32, #tpu.memory_space<hbm>> -> memref<20x125xi32, #tpu.memory_space<hbm>>
    tpu.enqueue_dma source(%dma_start3A_52 : memref<20x125xi32, #tpu.memory_space<hbm>>) target(%arg9 : memref<20x125xi32, #tpu.memory_space<vmem>>) target_semaphore(%arg14 : memref<!tpu.dma_semaphore, #tpu.memory_space<semaphore_mem>>)
    %scan3A = arith.constant 0 : i32
    %scan3A_53 = arith.constant 0 : i32
    %scan3A_54 = arith.constant 9 : i32
    %scan3A_55 = arith.addi %scan3A_53, %scan3A_54 : i32
    %scan3A_56 = arith.constant 1 : i32
    scf.for %scan3A_243 = %scan3A_53 to %scan3A_55 step %scan3A_56  : i32 {
      %mul3A_244 = arith.constant 2 : i32
      %mul3A_245 = arith.muli %mul3A_244, %scan3A_243 : i32
      %add3A_246 = arith.constant 0 : i32
      %add3A_247 = arith.addi %add3A_246, %mul3A_245 : i32
      %add3A_248 = arith.constant 1 : i32
      %add3A_249 = arith.addi %mul3A_245, %add3A_248 : i32
      %dma_start3A_250 = arith.constant 0 : i32
      %dma_start3A_251 = tpu.memref_slice %arg8[%add3A_249, %dma_start3A_250] : memref<20x125xi32, #tpu.memory_space<vmem>> -> memref<1x125xi32, #tpu.memory_space<vmem>>
      %dma_start3A_252 = tpu.memref_squeeze %dma_start3A_251 : memref<1x125xi32, #tpu.memory_space<vmem>> -> memref<125xi32, #tpu.memory_space<vmem>>
      %dma_start3A_253 = arith.constant 0 : i32
      %dma_start3A_254 = arith.constant 0 : i32
      %dma_start3A_255 = tpu.memref_slice %arg2[%dma_start3A_253, %dma_start3A_254] : memref<10000x128xf32, #tpu.memory_space<hbm>> -> memref<10000x128xf32, #tpu.memory_space<hbm>>
      tpu.enqueue_indirect_dma source(%dma_start3A_255 : memref<10000x128xf32, #tpu.memory_space<hbm>>) target(%arg11 : memref<125x128xf32, #tpu.memory_space<vmem>>) offsets(%dma_start3A_252 : memref<125xi32, #tpu.memory_space<vmem>>) semaphore(%arg16 : memref<!tpu.dma_semaphore, #tpu.memory_space<semaphore_mem>>)
      %dma_wait3A_256 = arith.constant 0 : i32
      %dma_wait3A_257 = tpu.memref_slice %arg8[%mul3A_245, %dma_wait3A_256] : memref<20x125xi32, #tpu.memory_space<vmem>> -> memref<1x125xi32, #tpu.memory_space<vmem>>
      %dma_wait3A_258 = tpu.memref_squeeze %dma_wait3A_257 : memref<1x125xi32, #tpu.memory_space<vmem>> -> memref<125xi32, #tpu.memory_space<vmem>>
      %dma_wait3A_259 = arith.constant 0 : i32
      %dma_wait3A_260 = arith.constant 0 : i32
      %dma_wait3A_261 = tpu.memref_slice %arg2[%dma_wait3A_259, %dma_wait3A_260] : memref<10000x128xf32, #tpu.memory_space<hbm>> -> memref<10000x128xf32, #tpu.memory_space<hbm>>
      tpu.wait_indirect_dma semaphore(%arg15 : memref<!tpu.dma_semaphore, #tpu.memory_space<semaphore_mem>>) src(%dma_wait3A_261 : memref<10000x128xf32, #tpu.memory_space<hbm>>) dst(%arg10 : memref<125x128xf32, #tpu.memory_space<vmem>>)
      "tpu.region"() ({
        %run_scoped3A_282 = tpu.sem_alloc : memref<!tpu.dma_semaphore, #tpu.memory_space<semaphore_mem>>
        %dma_start3A_283 = arith.constant 0 : i32
        %dma_start3A_284 = tpu.memref_slice %arg7[%add3A_247, %dma_start3A_283] : memref<80x125xi32, #tpu.memory_space<vmem>> -> memref<1x125xi32, #tpu.memory_space<vmem>>
        %dma_start3A_285 = tpu.memref_squeeze %dma_start3A_284 : memref<1x125xi32, #tpu.memory_space<vmem>> -> memref<125xi32, #tpu.memory_space<vmem>>
        %dma_start3A_286 = arith.constant 0 : i32
        %dma_start3A_287 = arith.constant 0 : i32
        %dma_start3A_288 = tpu.memref_slice %arg12[%dma_start3A_286, %dma_start3A_287] : memref<10000x128xf32, #tpu.memory_space<vmem_shared>> -> memref<10000x128xf32, #tpu.memory_space<vmem_shared>>
        tpu.enqueue_indirect_dma source(%arg10 : memref<125x128xf32, #tpu.memory_space<vmem>>) target(%dma_start3A_288 : memref<10000x128xf32, #tpu.memory_space<vmem_shared>>) offsets(%dma_start3A_285 : memref<125xi32, #tpu.memory_space<vmem>>) semaphore(%run_scoped3A_282 : memref<!tpu.dma_semaphore, #tpu.memory_space<semaphore_mem>>) {add = true}
        %dma_wait3A_289 = arith.constant 0 : i32
        %dma_wait3A_290 = tpu.memref_slice %arg7[%add3A_247, %dma_wait3A_289] : memref<80x125xi32, #tpu.memory_space<vmem>> -> memref<1x125xi32, #tpu.memory_space<vmem>>
        %dma_wait3A_291 = tpu.memref_squeeze %dma_wait3A_290 : memref<1x125xi32, #tpu.memory_space<vmem>> -> memref<125xi32, #tpu.memory_space<vmem>>
        %dma_wait3A_292 = arith.constant 0 : i32
        %dma_wait3A_293 = arith.constant 0 : i32
        %dma_wait3A_294 = tpu.memref_slice %arg12[%dma_wait3A_292, %dma_wait3A_293] : memref<10000x128xf32, #tpu.memory_space<vmem_shared>> -> memref<10000x128xf32, #tpu.memory_space<vmem_shared>>
        tpu.wait_indirect_dma semaphore(%run_scoped3A_282 : memref<!tpu.dma_semaphore, #tpu.memory_space<semaphore_mem>>) src(%arg10 : memref<125x128xf32, #tpu.memory_space<vmem>>) dst(%dma_wait3A_294 : memref<10000x128xf32, #tpu.memory_space<vmem_shared>>)
        tpu.yield
      }) : () -> ()
      %add3A_262 = arith.constant 0 : i32
      %add3A_263 = arith.addi %add3A_262, %mul3A_245 : i32
      %add3A_264 = arith.constant 1 : i32
      %add3A_265 = arith.addi %add3A_263, %add3A_264 : i32
      %add3A_266 = arith.constant 1 : i32
      %add3A_267 = arith.addi %mul3A_245, %add3A_266 : i32
      %add3A_268 = arith.constant 1 : i32
      %add3A_269 = arith.addi %add3A_267, %add3A_268 : i32
      %dma_start3A_270 = arith.constant 0 : i32
      %dma_start3A_271 = tpu.memref_slice %arg8[%add3A_269, %dma_start3A_270] : memref<20x125xi32, #tpu.memory_space<vmem>> -> memref<1x125xi32, #tpu.memory_space<vmem>>
      %dma_start3A_272 = tpu.memref_squeeze %dma_start3A_271 : memref<1x125xi32, #tpu.memory_space<vmem>> -> memref<125xi32, #tpu.memory_space<vmem>>
      %dma_start3A_273 = arith.constant 0 : i32
      %dma_start3A_274 = arith.constant 0 : i32
      %dma_start3A_275 = tpu.memref_slice %arg2[%dma_start3A_273, %dma_start3A_274] : memref<10000x128xf32, #tpu.memory_space<hbm>> -> memref<10000x128xf32, #tpu.memory_space<hbm>>
      tpu.enqueue_indirect_dma source(%dma_start3A_275 : memref<10000x128xf32, #tpu.memory_space<hbm>>) target(%arg10 : memref<125x128xf32, #tpu.memory_space<vmem>>) offsets(%dma_start3A_272 : memref<125xi32, #tpu.memory_space<vmem>>) semaphore(%arg15 : memref<!tpu.dma_semaphore, #tpu.memory_space<semaphore_mem>>)
      %dma_wait3A_276 = arith.constant 0 : i32
      %dma_wait3A_277 = tpu.memref_slice %arg8[%add3A_267, %dma_wait3A_276] : memref<20x125xi32, #tpu.memory_space<vmem>> -> memref<1x125xi32, #tpu.memory_space<vmem>>
      %dma_wait3A_278 = tpu.memref_squeeze %dma_wait3A_277 : memref<1x125xi32, #tpu.memory_space<vmem>> -> memref<125xi32, #tpu.memory_space<vmem>>
      %dma_wait3A_279 = arith.constant 0 : i32
      %dma_wait3A_280 = arith.constant 0 : i32
      %dma_wait3A_281 = tpu.memref_slice %arg2[%dma_wait3A_279, %dma_wait3A_280] : memref<10000x128xf32, #tpu.memory_space<hbm>> -> memref<10000x128xf32, #tpu.memory_space<hbm>>
      tpu.wait_indirect_dma semaphore(%arg16 : memref<!tpu.dma_semaphore, #tpu.memory_space<semaphore_mem>>) src(%dma_wait3A_281 : memref<10000x128xf32, #tpu.memory_space<hbm>>) dst(%arg11 : memref<125x128xf32, #tpu.memory_space<vmem>>)
      "tpu.region"() ({
        %run_scoped3A_282 = tpu.sem_alloc : memref<!tpu.dma_semaphore, #tpu.memory_space<semaphore_mem>>
        %dma_start3A_283 = arith.constant 0 : i32
        %dma_start3A_284 = tpu.memref_slice %arg7[%add3A_265, %dma_start3A_283] : memref<80x125xi32, #tpu.memory_space<vmem>> -> memref<1x125xi32, #tpu.memory_space<vmem>>
        %dma_start3A_285 = tpu.memref_squeeze %dma_start3A_284 : memref<1x125xi32, #tpu.memory_space<vmem>> -> memref<125xi32, #tpu.memory_space<vmem>>
        %dma_start3A_286 = arith.constant 0 : i32
        %dma_start3A_287 = arith.constant 0 : i32
        %dma_start3A_288 = tpu.memref_slice %arg12[%dma_start3A_286, %dma_start3A_287] : memref<10000x128xf32, #tpu.memory_space<vmem_shared>> -> memref<10000x128xf32, #tpu.memory_space<vmem_shared>>
        tpu.enqueue_indirect_dma source(%arg11 : memref<125x128xf32, #tpu.memory_space<vmem>>) target(%dma_start3A_288 : memref<10000x128xf32, #tpu.memory_space<vmem_shared>>) offsets(%dma_start3A_285 : memref<125xi32, #tpu.memory_space<vmem>>) semaphore(%run_scoped3A_282 : memref<!tpu.dma_semaphore, #tpu.memory_space<semaphore_mem>>) {add = true}
        %dma_wait3A_289 = arith.constant 0 : i32
        %dma_wait3A_290 = tpu.memref_slice %arg7[%add3A_265, %dma_wait3A_289] : memref<80x125xi32, #tpu.memory_space<vmem>> -> memref<1x125xi32, #tpu.memory_space<vmem>>
        %dma_wait3A_291 = tpu.memref_squeeze %dma_wait3A_290 : memref<1x125xi32, #tpu.memory_space<vmem>> -> memref<125xi32, #tpu.memory_space<vmem>>
        %dma_wait3A_292 = arith.constant 0 : i32
        %dma_wait3A_293 = arith.constant 0 : i32
        %dma_wait3A_294 = tpu.memref_slice %arg12[%dma_wait3A_292, %dma_wait3A_293] : memref<10000x128xf32, #tpu.memory_space<vmem_shared>> -> memref<10000x128xf32, #tpu.memory_space<vmem_shared>>
        tpu.wait_indirect_dma semaphore(%run_scoped3A_282 : memref<!tpu.dma_semaphore, #tpu.memory_space<semaphore_mem>>) src(%arg11 : memref<125x128xf32, #tpu.memory_space<vmem>>) dst(%dma_wait3A_294 : memref<10000x128xf32, #tpu.memory_space<vmem_shared>>)
        tpu.yield
      }) : () -> ()
    }
    %scan3A_57 = arith.constant 9 : i32
    %dma_start3A_58 = arith.constant 19 : i32
    %dma_start3A_59 = arith.constant 0 : i32
    %dma_start3A_60 = tpu.memref_slice %arg8[%dma_start3A_58, %dma_start3A_59] : memref<20x125xi32, #tpu.memory_space<vmem>> -> memref<1x125xi32, #tpu.memory_space<vmem>>
    %dma_start3A_61 = tpu.memref_squeeze %dma_start3A_60 : memref<1x125xi32, #tpu.memory_space<vmem>> -> memref<125xi32, #tpu.memory_space<vmem>>
    %dma_start3A_62 = arith.constant 0 : i32
    %dma_start3A_63 = arith.constant 0 : i32
    %dma_start3A_64 = tpu.memref_slice %arg2[%dma_start3A_62, %dma_start3A_63] : memref<10000x128xf32, #tpu.memory_space<hbm>> -> memref<10000x128xf32, #tpu.memory_space<hbm>>
    tpu.enqueue_indirect_dma source(%dma_start3A_64 : memref<10000x128xf32, #tpu.memory_space<hbm>>) target(%arg11 : memref<125x128xf32, #tpu.memory_space<vmem>>) offsets(%dma_start3A_61 : memref<125xi32, #tpu.memory_space<vmem>>) semaphore(%arg16 : memref<!tpu.dma_semaphore, #tpu.memory_space<semaphore_mem>>)
    %dma_wait3A_65 = arith.constant 18 : i32
    %dma_wait3A_66 = arith.constant 0 : i32
    %dma_wait3A_67 = tpu.memref_slice %arg8[%dma_wait3A_65, %dma_wait3A_66] : memref<20x125xi32, #tpu.memory_space<vmem>> -> memref<1x125xi32, #tpu.memory_space<vmem>>
    %dma_wait3A_68 = tpu.memref_squeeze %dma_wait3A_67 : memref<1x125xi32, #tpu.memory_space<vmem>> -> memref<125xi32, #tpu.memory_space<vmem>>
    %dma_wait3A_69 = arith.constant 0 : i32
    %dma_wait3A_70 = arith.constant 0 : i32
    %dma_wait3A_71 = tpu.memref_slice %arg2[%dma_wait3A_69, %dma_wait3A_70] : memref<10000x128xf32, #tpu.memory_space<hbm>> -> memref<10000x128xf32, #tpu.memory_space<hbm>>
    tpu.wait_indirect_dma semaphore(%arg15 : memref<!tpu.dma_semaphore, #tpu.memory_space<semaphore_mem>>) src(%dma_wait3A_71 : memref<10000x128xf32, #tpu.memory_space<hbm>>) dst(%arg10 : memref<125x128xf32, #tpu.memory_space<vmem>>)
    %run_scoped3A = arith.constant 18 : i32
    "tpu.region"() ({
      %run_scoped3A_243 = tpu.sem_alloc : memref<!tpu.dma_semaphore, #tpu.memory_space<semaphore_mem>>
      %dma_start3A_244 = arith.constant 0 : i32
      %dma_start3A_245 = tpu.memref_slice %arg7[%run_scoped3A, %dma_start3A_244] : memref<80x125xi32, #tpu.memory_space<vmem>> -> memref<1x125xi32, #tpu.memory_space<vmem>>
      %dma_start3A_246 = tpu.memref_squeeze %dma_start3A_245 : memref<1x125xi32, #tpu.memory_space<vmem>> -> memref<125xi32, #tpu.memory_space<vmem>>
      %dma_start3A_247 = arith.constant 0 : i32
      %dma_start3A_248 = arith.constant 0 : i32
      %dma_start3A_249 = tpu.memref_slice %arg12[%dma_start3A_247, %dma_start3A_248] : memref<10000x128xf32, #tpu.memory_space<vmem_shared>> -> memref<10000x128xf32, #tpu.memory_space<vmem_shared>>
      tpu.enqueue_indirect_dma source(%arg10 : memref<125x128xf32, #tpu.memory_space<vmem>>) target(%dma_start3A_249 : memref<10000x128xf32, #tpu.memory_space<vmem_shared>>) offsets(%dma_start3A_246 : memref<125xi32, #tpu.memory_space<vmem>>) semaphore(%run_scoped3A_243 : memref<!tpu.dma_semaphore, #tpu.memory_space<semaphore_mem>>) {add = true}
      %dma_wait3A_250 = arith.constant 0 : i32
      %dma_wait3A_251 = tpu.memref_slice %arg7[%run_scoped3A, %dma_wait3A_250] : memref<80x125xi32, #tpu.memory_space<vmem>> -> memref<1x125xi32, #tpu.memory_space<vmem>>
      %dma_wait3A_252 = tpu.memref_squeeze %dma_wait3A_251 : memref<1x125xi32, #tpu.memory_space<vmem>> -> memref<125xi32, #tpu.memory_space<vmem>>
      %dma_wait3A_253 = arith.constant 0 : i32
      %dma_wait3A_254 = arith.constant 0 : i32
      %dma_wait3A_255 = tpu.memref_slice %arg12[%dma_wait3A_253, %dma_wait3A_254] : memref<10000x128xf32, #tpu.memory_space<vmem_shared>> -> memref<10000x128xf32, #tpu.memory_space<vmem_shared>>
      tpu.wait_indirect_dma semaphore(%run_scoped3A_243 : memref<!tpu.dma_semaphore, #tpu.memory_space<semaphore_mem>>) src(%arg10 : memref<125x128xf32, #tpu.memory_space<vmem>>) dst(%dma_wait3A_255 : memref<10000x128xf32, #tpu.memory_space<vmem_shared>>)
      tpu.yield
    }) : () -> ()
    %dma_wait3A_72 = arith.constant 1 : i32
    %dma_wait3A_73 = arith.constant 0 : i32
    %dma_wait3A_74 = arith.constant 0 : i32
    %dma_wait3A_75 = tpu.memref_slice %arg3[%add3A, %dma_wait3A_72, %dma_wait3A_73, %dma_wait3A_74] : memref<32x4x20x125xi32, #tpu.memory_space<hbm>> -> memref<1x1x20x125xi32, #tpu.memory_space<hbm>>
    %dma_wait3A_76 = tpu.memref_squeeze %dma_wait3A_75 : memref<1x1x20x125xi32, #tpu.memory_space<hbm>> -> memref<20x125xi32, #tpu.memory_space<hbm>>
    %dma_wait3A_77 = arith.constant 0 : i32
    %dma_wait3A_78 = arith.constant 0 : i32
    %dma_wait3A_79 = tpu.memref_slice %arg3[%add3A, %dma_wait3A_72, %dma_wait3A_77, %dma_wait3A_78] : memref<32x4x20x125xi32, #tpu.memory_space<hbm>> -> memref<1x1x20x125xi32, #tpu.memory_space<hbm>>
    %dma_wait3A_80 = tpu.memref_squeeze %dma_wait3A_79 : memref<1x1x20x125xi32, #tpu.memory_space<hbm>> -> memref<20x125xi32, #tpu.memory_space<hbm>>
    tpu.wait_dma2 semaphore(%arg14 : memref<!tpu.dma_semaphore, #tpu.memory_space<semaphore_mem>>) src(%dma_wait3A_80 : memref<20x125xi32, #tpu.memory_space<hbm>>) dst(%arg9 : memref<20x125xi32, #tpu.memory_space<vmem>>)
    %dma_start3A_81 = arith.constant 0 : i32
    %dma_start3A_82 = arith.constant 0 : i32
    %dma_start3A_83 = tpu.memref_slice %arg9[%dma_start3A_81, %dma_start3A_82] : memref<20x125xi32, #tpu.memory_space<vmem>> -> memref<1x125xi32, #tpu.memory_space<vmem>>
    %dma_start3A_84 = tpu.memref_squeeze %dma_start3A_83 : memref<1x125xi32, #tpu.memory_space<vmem>> -> memref<125xi32, #tpu.memory_space<vmem>>
    %dma_start3A_85 = arith.constant 0 : i32
    %dma_start3A_86 = arith.constant 0 : i32
    %dma_start3A_87 = tpu.memref_slice %arg2[%dma_start3A_85, %dma_start3A_86] : memref<10000x128xf32, #tpu.memory_space<hbm>> -> memref<10000x128xf32, #tpu.memory_space<hbm>>
    tpu.enqueue_indirect_dma source(%dma_start3A_87 : memref<10000x128xf32, #tpu.memory_space<hbm>>) target(%arg10 : memref<125x128xf32, #tpu.memory_space<vmem>>) offsets(%dma_start3A_84 : memref<125xi32, #tpu.memory_space<vmem>>) semaphore(%arg15 : memref<!tpu.dma_semaphore, #tpu.memory_space<semaphore_mem>>)
    %dma_wait3A_88 = arith.constant 19 : i32
    %dma_wait3A_89 = arith.constant 0 : i32
    %dma_wait3A_90 = tpu.memref_slice %arg8[%dma_wait3A_88, %dma_wait3A_89] : memref<20x125xi32, #tpu.memory_space<vmem>> -> memref<1x125xi32, #tpu.memory_space<vmem>>
    %dma_wait3A_91 = tpu.memref_squeeze %dma_wait3A_90 : memref<1x125xi32, #tpu.memory_space<vmem>> -> memref<125xi32, #tpu.memory_space<vmem>>
    %dma_wait3A_92 = arith.constant 0 : i32
    %dma_wait3A_93 = arith.constant 0 : i32
    %dma_wait3A_94 = tpu.memref_slice %arg2[%dma_wait3A_92, %dma_wait3A_93] : memref<10000x128xf32, #tpu.memory_space<hbm>> -> memref<10000x128xf32, #tpu.memory_space<hbm>>
    tpu.wait_indirect_dma semaphore(%arg16 : memref<!tpu.dma_semaphore, #tpu.memory_space<semaphore_mem>>) src(%dma_wait3A_94 : memref<10000x128xf32, #tpu.memory_space<hbm>>) dst(%arg11 : memref<125x128xf32, #tpu.memory_space<vmem>>)
    %run_scoped3A_95 = arith.constant 19 : i32
    "tpu.region"() ({
      %run_scoped3A_243 = tpu.sem_alloc : memref<!tpu.dma_semaphore, #tpu.memory_space<semaphore_mem>>
      %dma_start3A_244 = arith.constant 0 : i32
      %dma_start3A_245 = tpu.memref_slice %arg7[%run_scoped3A_95, %dma_start3A_244] : memref<80x125xi32, #tpu.memory_space<vmem>> -> memref<1x125xi32, #tpu.memory_space<vmem>>
      %dma_start3A_246 = tpu.memref_squeeze %dma_start3A_245 : memref<1x125xi32, #tpu.memory_space<vmem>> -> memref<125xi32, #tpu.memory_space<vmem>>
      %dma_start3A_247 = arith.constant 0 : i32
      %dma_start3A_248 = arith.constant 0 : i32
      %dma_start3A_249 = tpu.memref_slice %arg12[%dma_start3A_247, %dma_start3A_248] : memref<10000x128xf32, #tpu.memory_space<vmem_shared>> -> memref<10000x128xf32, #tpu.memory_space<vmem_shared>>
      tpu.enqueue_indirect_dma source(%arg11 : memref<125x128xf32, #tpu.memory_space<vmem>>) target(%dma_start3A_249 : memref<10000x128xf32, #tpu.memory_space<vmem_shared>>) offsets(%dma_start3A_246 : memref<125xi32, #tpu.memory_space<vmem>>) semaphore(%run_scoped3A_243 : memref<!tpu.dma_semaphore, #tpu.memory_space<semaphore_mem>>) {add = true}
      %dma_wait3A_250 = arith.constant 0 : i32
      %dma_wait3A_251 = tpu.memref_slice %arg7[%run_scoped3A_95, %dma_wait3A_250] : memref<80x125xi32, #tpu.memory_space<vmem>> -> memref<1x125xi32, #tpu.memory_space<vmem>>
      %dma_wait3A_252 = tpu.memref_squeeze %dma_wait3A_251 : memref<1x125xi32, #tpu.memory_space<vmem>> -> memref<125xi32, #tpu.memory_space<vmem>>
      %dma_wait3A_253 = arith.constant 0 : i32
      %dma_wait3A_254 = arith.constant 0 : i32
      %dma_wait3A_255 = tpu.memref_slice %arg12[%dma_wait3A_253, %dma_wait3A_254] : memref<10000x128xf32, #tpu.memory_space<vmem_shared>> -> memref<10000x128xf32, #tpu.memory_space<vmem_shared>>
      tpu.wait_indirect_dma semaphore(%run_scoped3A_243 : memref<!tpu.dma_semaphore, #tpu.memory_space<semaphore_mem>>) src(%arg11 : memref<125x128xf32, #tpu.memory_space<vmem>>) dst(%dma_wait3A_255 : memref<10000x128xf32, #tpu.memory_space<vmem_shared>>)
      tpu.yield
    }) : () -> ()
    %dma_start3A_96 = arith.constant 2 : i32
    %dma_start3A_97 = arith.constant 0 : i32
    %dma_start3A_98 = arith.constant 0 : i32
    %dma_start3A_99 = tpu.memref_slice %arg3[%add3A, %dma_start3A_96, %dma_start3A_97, %dma_start3A_98] : memref<32x4x20x125xi32, #tpu.memory_space<hbm>> -> memref<1x1x20x125xi32, #tpu.memory_space<hbm>>
    %dma_start3A_100 = tpu.memref_squeeze %dma_start3A_99 : memref<1x1x20x125xi32, #tpu.memory_space<hbm>> -> memref<20x125xi32, #tpu.memory_space<hbm>>
    %dma_start3A_101 = arith.constant 0 : i32
    %dma_start3A_102 = arith.constant 0 : i32
    %dma_start3A_103 = tpu.memref_slice %arg3[%add3A, %dma_start3A_96, %dma_start3A_101, %dma_start3A_102] : memref<32x4x20x125xi32, #tpu.memory_space<hbm>> -> memref<1x1x20x125xi32, #tpu.memory_space<hbm>>
    %dma_start3A_104 = tpu.memref_squeeze %dma_start3A_103 : memref<1x1x20x125xi32, #tpu.memory_space<hbm>> -> memref<20x125xi32, #tpu.memory_space<hbm>>
    tpu.enqueue_dma source(%dma_start3A_104 : memref<20x125xi32, #tpu.memory_space<hbm>>) target(%arg8 : memref<20x125xi32, #tpu.memory_space<vmem>>) target_semaphore(%arg13 : memref<!tpu.dma_semaphore, #tpu.memory_space<semaphore_mem>>)
    %scan3A_105 = arith.constant 0 : i32
    %scan3A_106 = arith.constant 0 : i32
    %scan3A_107 = arith.constant 9 : i32
    %scan3A_108 = arith.addi %scan3A_106, %scan3A_107 : i32
    %scan3A_109 = arith.constant 1 : i32
    scf.for %scan3A_243 = %scan3A_106 to %scan3A_108 step %scan3A_109  : i32 {
      %mul3A_244 = arith.constant 2 : i32
      %mul3A_245 = arith.muli %mul3A_244, %scan3A_243 : i32
      %add3A_246 = arith.constant 20 : i32
      %add3A_247 = arith.addi %add3A_246, %mul3A_245 : i32
      %add3A_248 = arith.constant 1 : i32
      %add3A_249 = arith.addi %mul3A_245, %add3A_248 : i32
      %dma_start3A_250 = arith.constant 0 : i32
      %dma_start3A_251 = tpu.memref_slice %arg9[%add3A_249, %dma_start3A_250] : memref<20x125xi32, #tpu.memory_space<vmem>> -> memref<1x125xi32, #tpu.memory_space<vmem>>
      %dma_start3A_252 = tpu.memref_squeeze %dma_start3A_251 : memref<1x125xi32, #tpu.memory_space<vmem>> -> memref<125xi32, #tpu.memory_space<vmem>>
      %dma_start3A_253 = arith.constant 0 : i32
      %dma_start3A_254 = arith.constant 0 : i32
      %dma_start3A_255 = tpu.memref_slice %arg2[%dma_start3A_253, %dma_start3A_254] : memref<10000x128xf32, #tpu.memory_space<hbm>> -> memref<10000x128xf32, #tpu.memory_space<hbm>>
      tpu.enqueue_indirect_dma source(%dma_start3A_255 : memref<10000x128xf32, #tpu.memory_space<hbm>>) target(%arg11 : memref<125x128xf32, #tpu.memory_space<vmem>>) offsets(%dma_start3A_252 : memref<125xi32, #tpu.memory_space<vmem>>) semaphore(%arg16 : memref<!tpu.dma_semaphore, #tpu.memory_space<semaphore_mem>>)
      %dma_wait3A_256 = arith.constant 0 : i32
      %dma_wait3A_257 = tpu.memref_slice %arg9[%mul3A_245, %dma_wait3A_256] : memref<20x125xi32, #tpu.memory_space<vmem>> -> memref<1x125xi32, #tpu.memory_space<vmem>>
      %dma_wait3A_258 = tpu.memref_squeeze %dma_wait3A_257 : memref<1x125xi32, #tpu.memory_space<vmem>> -> memref<125xi32, #tpu.memory_space<vmem>>
      %dma_wait3A_259 = arith.constant 0 : i32
      %dma_wait3A_260 = arith.constant 0 : i32
      %dma_wait3A_261 = tpu.memref_slice %arg2[%dma_wait3A_259, %dma_wait3A_260] : memref<10000x128xf32, #tpu.memory_space<hbm>> -> memref<10000x128xf32, #tpu.memory_space<hbm>>
      tpu.wait_indirect_dma semaphore(%arg15 : memref<!tpu.dma_semaphore, #tpu.memory_space<semaphore_mem>>) src(%dma_wait3A_261 : memref<10000x128xf32, #tpu.memory_space<hbm>>) dst(%arg10 : memref<125x128xf32, #tpu.memory_space<vmem>>)
      "tpu.region"() ({
        %run_scoped3A_282 = tpu.sem_alloc : memref<!tpu.dma_semaphore, #tpu.memory_space<semaphore_mem>>
        %dma_start3A_283 = arith.constant 0 : i32
        %dma_start3A_284 = tpu.memref_slice %arg7[%add3A_247, %dma_start3A_283] : memref<80x125xi32, #tpu.memory_space<vmem>> -> memref<1x125xi32, #tpu.memory_space<vmem>>
        %dma_start3A_285 = tpu.memref_squeeze %dma_start3A_284 : memref<1x125xi32, #tpu.memory_space<vmem>> -> memref<125xi32, #tpu.memory_space<vmem>>
        %dma_start3A_286 = arith.constant 0 : i32
        %dma_start3A_287 = arith.constant 0 : i32
        %dma_start3A_288 = tpu.memref_slice %arg12[%dma_start3A_286, %dma_start3A_287] : memref<10000x128xf32, #tpu.memory_space<vmem_shared>> -> memref<10000x128xf32, #tpu.memory_space<vmem_shared>>
        tpu.enqueue_indirect_dma source(%arg10 : memref<125x128xf32, #tpu.memory_space<vmem>>) target(%dma_start3A_288 : memref<10000x128xf32, #tpu.memory_space<vmem_shared>>) offsets(%dma_start3A_285 : memref<125xi32, #tpu.memory_space<vmem>>) semaphore(%run_scoped3A_282 : memref<!tpu.dma_semaphore, #tpu.memory_space<semaphore_mem>>) {add = true}
        %dma_wait3A_289 = arith.constant 0 : i32
        %dma_wait3A_290 = tpu.memref_slice %arg7[%add3A_247, %dma_wait3A_289] : memref<80x125xi32, #tpu.memory_space<vmem>> -> memref<1x125xi32, #tpu.memory_space<vmem>>
        %dma_wait3A_291 = tpu.memref_squeeze %dma_wait3A_290 : memref<1x125xi32, #tpu.memory_space<vmem>> -> memref<125xi32, #tpu.memory_space<vmem>>
        %dma_wait3A_292 = arith.constant 0 : i32
        %dma_wait3A_293 = arith.constant 0 : i32
        %dma_wait3A_294 = tpu.memref_slice %arg12[%dma_wait3A_292, %dma_wait3A_293] : memref<10000x128xf32, #tpu.memory_space<vmem_shared>> -> memref<10000x128xf32, #tpu.memory_space<vmem_shared>>
        tpu.wait_indirect_dma semaphore(%run_scoped3A_282 : memref<!tpu.dma_semaphore, #tpu.memory_space<semaphore_mem>>) src(%arg10 : memref<125x128xf32, #tpu.memory_space<vmem>>) dst(%dma_wait3A_294 : memref<10000x128xf32, #tpu.memory_space<vmem_shared>>)
        tpu.yield
      }) : () -> ()
      %add3A_262 = arith.constant 20 : i32
      %add3A_263 = arith.addi %add3A_262, %mul3A_245 : i32
      %add3A_264 = arith.constant 1 : i32
      %add3A_265 = arith.addi %add3A_263, %add3A_264 : i32
      %add3A_266 = arith.constant 1 : i32
      %add3A_267 = arith.addi %mul3A_245, %add3A_266 : i32
      %add3A_268 = arith.constant 1 : i32
      %add3A_269 = arith.addi %add3A_267, %add3A_268 : i32
      %dma_start3A_270 = arith.constant 0 : i32
      %dma_start3A_271 = tpu.memref_slice %arg9[%add3A_269, %dma_start3A_270] : memref<20x125xi32, #tpu.memory_space<vmem>> -> memref<1x125xi32, #tpu.memory_space<vmem>>
      %dma_start3A_272 = tpu.memref_squeeze %dma_start3A_271 : memref<1x125xi32, #tpu.memory_space<vmem>> -> memref<125xi32, #tpu.memory_space<vmem>>
      %dma_start3A_273 = arith.constant 0 : i32
      %dma_start3A_274 = arith.constant 0 : i32
      %dma_start3A_275 = tpu.memref_slice %arg2[%dma_start3A_273, %dma_start3A_274] : memref<10000x128xf32, #tpu.memory_space<hbm>> -> memref<10000x128xf32, #tpu.memory_space<hbm>>
      tpu.enqueue_indirect_dma source(%dma_start3A_275 : memref<10000x128xf32, #tpu.memory_space<hbm>>) target(%arg10 : memref<125x128xf32, #tpu.memory_space<vmem>>) offsets(%dma_start3A_272 : memref<125xi32, #tpu.memory_space<vmem>>) semaphore(%arg15 : memref<!tpu.dma_semaphore, #tpu.memory_space<semaphore_mem>>)
      %dma_wait3A_276 = arith.constant 0 : i32
      %dma_wait3A_277 = tpu.memref_slice %arg9[%add3A_267, %dma_wait3A_276] : memref<20x125xi32, #tpu.memory_space<vmem>> -> memref<1x125xi32, #tpu.memory_space<vmem>>
      %dma_wait3A_278 = tpu.memref_squeeze %dma_wait3A_277 : memref<1x125xi32, #tpu.memory_space<vmem>> -> memref<125xi32, #tpu.memory_space<vmem>>
      %dma_wait3A_279 = arith.constant 0 : i32
      %dma_wait3A_280 = arith.constant 0 : i32
      %dma_wait3A_281 = tpu.memref_slice %arg2[%dma_wait3A_279, %dma_wait3A_280] : memref<10000x128xf32, #tpu.memory_space<hbm>> -> memref<10000x128xf32, #tpu.memory_space<hbm>>
      tpu.wait_indirect_dma semaphore(%arg16 : memref<!tpu.dma_semaphore, #tpu.memory_space<semaphore_mem>>) src(%dma_wait3A_281 : memref<10000x128xf32, #tpu.memory_space<hbm>>) dst(%arg11 : memref<125x128xf32, #tpu.memory_space<vmem>>)
      "tpu.region"() ({
        %run_scoped3A_282 = tpu.sem_alloc : memref<!tpu.dma_semaphore, #tpu.memory_space<semaphore_mem>>
        %dma_start3A_283 = arith.constant 0 : i32
        %dma_start3A_284 = tpu.memref_slice %arg7[%add3A_265, %dma_start3A_283] : memref<80x125xi32, #tpu.memory_space<vmem>> -> memref<1x125xi32, #tpu.memory_space<vmem>>
        %dma_start3A_285 = tpu.memref_squeeze %dma_start3A_284 : memref<1x125xi32, #tpu.memory_space<vmem>> -> memref<125xi32, #tpu.memory_space<vmem>>
        %dma_start3A_286 = arith.constant 0 : i32
        %dma_start3A_287 = arith.constant 0 : i32
        %dma_start3A_288 = tpu.memref_slice %arg12[%dma_start3A_286, %dma_start3A_287] : memref<10000x128xf32, #tpu.memory_space<vmem_shared>> -> memref<10000x128xf32, #tpu.memory_space<vmem_shared>>
        tpu.enqueue_indirect_dma source(%arg11 : memref<125x128xf32, #tpu.memory_space<vmem>>) target(%dma_start3A_288 : memref<10000x128xf32, #tpu.memory_space<vmem_shared>>) offsets(%dma_start3A_285 : memref<125xi32, #tpu.memory_space<vmem>>) semaphore(%run_scoped3A_282 : memref<!tpu.dma_semaphore, #tpu.memory_space<semaphore_mem>>) {add = true}
        %dma_wait3A_289 = arith.constant 0 : i32
        %dma_wait3A_290 = tpu.memref_slice %arg7[%add3A_265, %dma_wait3A_289] : memref<80x125xi32, #tpu.memory_space<vmem>> -> memref<1x125xi32, #tpu.memory_space<vmem>>
        %dma_wait3A_291 = tpu.memref_squeeze %dma_wait3A_290 : memref<1x125xi32, #tpu.memory_space<vmem>> -> memref<125xi32, #tpu.memory_space<vmem>>
        %dma_wait3A_292 = arith.constant 0 : i32
        %dma_wait3A_293 = arith.constant 0 : i32
        %dma_wait3A_294 = tpu.memref_slice %arg12[%dma_wait3A_292, %dma_wait3A_293] : memref<10000x128xf32, #tpu.memory_space<vmem_shared>> -> memref<10000x128xf32, #tpu.memory_space<vmem_shared>>
        tpu.wait_indirect_dma semaphore(%run_scoped3A_282 : memref<!tpu.dma_semaphore, #tpu.memory_space<semaphore_mem>>) src(%arg11 : memref<125x128xf32, #tpu.memory_space<vmem>>) dst(%dma_wait3A_294 : memref<10000x128xf32, #tpu.memory_space<vmem_shared>>)
        tpu.yield
      }) : () -> ()
    }
    %scan3A_110 = arith.constant 9 : i32
    %dma_start3A_111 = arith.constant 19 : i32
    %dma_start3A_112 = arith.constant 0 : i32
    %dma_start3A_113 = tpu.memref_slice %arg9[%dma_start3A_111, %dma_start3A_112] : memref<20x125xi32, #tpu.memory_space<vmem>> -> memref<1x125xi32, #tpu.memory_space<vmem>>
    %dma_start3A_114 = tpu.memref_squeeze %dma_start3A_113 : memref<1x125xi32, #tpu.memory_space<vmem>> -> memref<125xi32, #tpu.memory_space<vmem>>
    %dma_start3A_115 = arith.constant 0 : i32
    %dma_start3A_116 = arith.constant 0 : i32
    %dma_start3A_117 = tpu.memref_slice %arg2[%dma_start3A_115, %dma_start3A_116] : memref<10000x128xf32, #tpu.memory_space<hbm>> -> memref<10000x128xf32, #tpu.memory_space<hbm>>
    tpu.enqueue_indirect_dma source(%dma_start3A_117 : memref<10000x128xf32, #tpu.memory_space<hbm>>) target(%arg11 : memref<125x128xf32, #tpu.memory_space<vmem>>) offsets(%dma_start3A_114 : memref<125xi32, #tpu.memory_space<vmem>>) semaphore(%arg16 : memref<!tpu.dma_semaphore, #tpu.memory_space<semaphore_mem>>)
    %dma_wait3A_118 = arith.constant 18 : i32
    %dma_wait3A_119 = arith.constant 0 : i32
    %dma_wait3A_120 = tpu.memref_slice %arg9[%dma_wait3A_118, %dma_wait3A_119] : memref<20x125xi32, #tpu.memory_space<vmem>> -> memref<1x125xi32, #tpu.memory_space<vmem>>
    %dma_wait3A_121 = tpu.memref_squeeze %dma_wait3A_120 : memref<1x125xi32, #tpu.memory_space<vmem>> -> memref<125xi32, #tpu.memory_space<vmem>>
    %dma_wait3A_122 = arith.constant 0 : i32
    %dma_wait3A_123 = arith.constant 0 : i32
    %dma_wait3A_124 = tpu.memref_slice %arg2[%dma_wait3A_122, %dma_wait3A_123] : memref<10000x128xf32, #tpu.memory_space<hbm>> -> memref<10000x128xf32, #tpu.memory_space<hbm>>
    tpu.wait_indirect_dma semaphore(%arg15 : memref<!tpu.dma_semaphore, #tpu.memory_space<semaphore_mem>>) src(%dma_wait3A_124 : memref<10000x128xf32, #tpu.memory_space<hbm>>) dst(%arg10 : memref<125x128xf32, #tpu.memory_space<vmem>>)
    %run_scoped3A_125 = arith.constant 38 : i32
    "tpu.region"() ({
      %run_scoped3A_243 = tpu.sem_alloc : memref<!tpu.dma_semaphore, #tpu.memory_space<semaphore_mem>>
      %dma_start3A_244 = arith.constant 0 : i32
      %dma_start3A_245 = tpu.memref_slice %arg7[%run_scoped3A_125, %dma_start3A_244] : memref<80x125xi32, #tpu.memory_space<vmem>> -> memref<1x125xi32, #tpu.memory_space<vmem>>
      %dma_start3A_246 = tpu.memref_squeeze %dma_start3A_245 : memref<1x125xi32, #tpu.memory_space<vmem>> -> memref<125xi32, #tpu.memory_space<vmem>>
      %dma_start3A_247 = arith.constant 0 : i32
      %dma_start3A_248 = arith.constant 0 : i32
      %dma_start3A_249 = tpu.memref_slice %arg12[%dma_start3A_247, %dma_start3A_248] : memref<10000x128xf32, #tpu.memory_space<vmem_shared>> -> memref<10000x128xf32, #tpu.memory_space<vmem_shared>>
      tpu.enqueue_indirect_dma source(%arg10 : memref<125x128xf32, #tpu.memory_space<vmem>>) target(%dma_start3A_249 : memref<10000x128xf32, #tpu.memory_space<vmem_shared>>) offsets(%dma_start3A_246 : memref<125xi32, #tpu.memory_space<vmem>>) semaphore(%run_scoped3A_243 : memref<!tpu.dma_semaphore, #tpu.memory_space<semaphore_mem>>) {add = true}
      %dma_wait3A_250 = arith.constant 0 : i32
      %dma_wait3A_251 = tpu.memref_slice %arg7[%run_scoped3A_125, %dma_wait3A_250] : memref<80x125xi32, #tpu.memory_space<vmem>> -> memref<1x125xi32, #tpu.memory_space<vmem>>
      %dma_wait3A_252 = tpu.memref_squeeze %dma_wait3A_251 : memref<1x125xi32, #tpu.memory_space<vmem>> -> memref<125xi32, #tpu.memory_space<vmem>>
      %dma_wait3A_253 = arith.constant 0 : i32
      %dma_wait3A_254 = arith.constant 0 : i32
      %dma_wait3A_255 = tpu.memref_slice %arg12[%dma_wait3A_253, %dma_wait3A_254] : memref<10000x128xf32, #tpu.memory_space<vmem_shared>> -> memref<10000x128xf32, #tpu.memory_space<vmem_shared>>
      tpu.wait_indirect_dma semaphore(%run_scoped3A_243 : memref<!tpu.dma_semaphore, #tpu.memory_space<semaphore_mem>>) src(%arg10 : memref<125x128xf32, #tpu.memory_space<vmem>>) dst(%dma_wait3A_255 : memref<10000x128xf32, #tpu.memory_space<vmem_shared>>)
      tpu.yield
    }) : () -> ()
    %dma_wait3A_126 = arith.constant 2 : i32
    %dma_wait3A_127 = arith.constant 0 : i32
    %dma_wait3A_128 = arith.constant 0 : i32
    %dma_wait3A_129 = tpu.memref_slice %arg3[%add3A, %dma_wait3A_126, %dma_wait3A_127, %dma_wait3A_128] : memref<32x4x20x125xi32, #tpu.memory_space<hbm>> -> memref<1x1x20x125xi32, #tpu.memory_space<hbm>>
    %dma_wait3A_130 = tpu.memref_squeeze %dma_wait3A_129 : memref<1x1x20x125xi32, #tpu.memory_space<hbm>> -> memref<20x125xi32, #tpu.memory_space<hbm>>
    %dma_wait3A_131 = arith.constant 0 : i32
    %dma_wait3A_132 = arith.constant 0 : i32
    %dma_wait3A_133 = tpu.memref_slice %arg3[%add3A, %dma_wait3A_126, %dma_wait3A_131, %dma_wait3A_132] : memref<32x4x20x125xi32, #tpu.memory_space<hbm>> -> memref<1x1x20x125xi32, #tpu.memory_space<hbm>>
    %dma_wait3A_134 = tpu.memref_squeeze %dma_wait3A_133 : memref<1x1x20x125xi32, #tpu.memory_space<hbm>> -> memref<20x125xi32, #tpu.memory_space<hbm>>
    tpu.wait_dma2 semaphore(%arg13 : memref<!tpu.dma_semaphore, #tpu.memory_space<semaphore_mem>>) src(%dma_wait3A_134 : memref<20x125xi32, #tpu.memory_space<hbm>>) dst(%arg8 : memref<20x125xi32, #tpu.memory_space<vmem>>)
    %dma_start3A_135 = arith.constant 0 : i32
    %dma_start3A_136 = arith.constant 0 : i32
    %dma_start3A_137 = tpu.memref_slice %arg8[%dma_start3A_135, %dma_start3A_136] : memref<20x125xi32, #tpu.memory_space<vmem>> -> memref<1x125xi32, #tpu.memory_space<vmem>>
    %dma_start3A_138 = tpu.memref_squeeze %dma_start3A_137 : memref<1x125xi32, #tpu.memory_space<vmem>> -> memref<125xi32, #tpu.memory_space<vmem>>
    %dma_start3A_139 = arith.constant 0 : i32
    %dma_start3A_140 = arith.constant 0 : i32
    %dma_start3A_141 = tpu.memref_slice %arg2[%dma_start3A_139, %dma_start3A_140] : memref<10000x128xf32, #tpu.memory_space<hbm>> -> memref<10000x128xf32, #tpu.memory_space<hbm>>
    tpu.enqueue_indirect_dma source(%dma_start3A_141 : memref<10000x128xf32, #tpu.memory_space<hbm>>) target(%arg10 : memref<125x128xf32, #tpu.memory_space<vmem>>) offsets(%dma_start3A_138 : memref<125xi32, #tpu.memory_space<vmem>>) semaphore(%arg15 : memref<!tpu.dma_semaphore, #tpu.memory_space<semaphore_mem>>)
    %dma_wait3A_142 = arith.constant 19 : i32
    %dma_wait3A_143 = arith.constant 0 : i32
    %dma_wait3A_144 = tpu.memref_slice %arg9[%dma_wait3A_142, %dma_wait3A_143] : memref<20x125xi32, #tpu.memory_space<vmem>> -> memref<1x125xi32, #tpu.memory_space<vmem>>
    %dma_wait3A_145 = tpu.memref_squeeze %dma_wait3A_144 : memref<1x125xi32, #tpu.memory_space<vmem>> -> memref<125xi32, #tpu.memory_space<vmem>>
    %dma_wait3A_146 = arith.constant 0 : i32
    %dma_wait3A_147 = arith.constant 0 : i32
    %dma_wait3A_148 = tpu.memref_slice %arg2[%dma_wait3A_146, %dma_wait3A_147] : memref<10000x128xf32, #tpu.memory_space<hbm>> -> memref<10000x128xf32, #tpu.memory_space<hbm>>
    tpu.wait_indirect_dma semaphore(%arg16 : memref<!tpu.dma_semaphore, #tpu.memory_space<semaphore_mem>>) src(%dma_wait3A_148 : memref<10000x128xf32, #tpu.memory_space<hbm>>) dst(%arg11 : memref<125x128xf32, #tpu.memory_space<vmem>>)
    %run_scoped3A_149 = arith.constant 39 : i32
    "tpu.region"() ({
      %run_scoped3A_243 = tpu.sem_alloc : memref<!tpu.dma_semaphore, #tpu.memory_space<semaphore_mem>>
      %dma_start3A_244 = arith.constant 0 : i32
      %dma_start3A_245 = tpu.memref_slice %arg7[%run_scoped3A_149, %dma_start3A_244] : memref<80x125xi32, #tpu.memory_space<vmem>> -> memref<1x125xi32, #tpu.memory_space<vmem>>
      %dma_start3A_246 = tpu.memref_squeeze %dma_start3A_245 : memref<1x125xi32, #tpu.memory_space<vmem>> -> memref<125xi32, #tpu.memory_space<vmem>>
      %dma_start3A_247 = arith.constant 0 : i32
      %dma_start3A_248 = arith.constant 0 : i32
      %dma_start3A_249 = tpu.memref_slice %arg12[%dma_start3A_247, %dma_start3A_248] : memref<10000x128xf32, #tpu.memory_space<vmem_shared>> -> memref<10000x128xf32, #tpu.memory_space<vmem_shared>>
      tpu.enqueue_indirect_dma source(%arg11 : memref<125x128xf32, #tpu.memory_space<vmem>>) target(%dma_start3A_249 : memref<10000x128xf32, #tpu.memory_space<vmem_shared>>) offsets(%dma_start3A_246 : memref<125xi32, #tpu.memory_space<vmem>>) semaphore(%run_scoped3A_243 : memref<!tpu.dma_semaphore, #tpu.memory_space<semaphore_mem>>) {add = true}
      %dma_wait3A_250 = arith.constant 0 : i32
      %dma_wait3A_251 = tpu.memref_slice %arg7[%run_scoped3A_149, %dma_wait3A_250] : memref<80x125xi32, #tpu.memory_space<vmem>> -> memref<1x125xi32, #tpu.memory_space<vmem>>
      %dma_wait3A_252 = tpu.memref_squeeze %dma_wait3A_251 : memref<1x125xi32, #tpu.memory_space<vmem>> -> memref<125xi32, #tpu.memory_space<vmem>>
      %dma_wait3A_253 = arith.constant 0 : i32
      %dma_wait3A_254 = arith.constant 0 : i32
      %dma_wait3A_255 = tpu.memref_slice %arg12[%dma_wait3A_253, %dma_wait3A_254] : memref<10000x128xf32, #tpu.memory_space<vmem_shared>> -> memref<10000x128xf32, #tpu.memory_space<vmem_shared>>
      tpu.wait_indirect_dma semaphore(%run_scoped3A_243 : memref<!tpu.dma_semaphore, #tpu.memory_space<semaphore_mem>>) src(%arg11 : memref<125x128xf32, #tpu.memory_space<vmem>>) dst(%dma_wait3A_255 : memref<10000x128xf32, #tpu.memory_space<vmem_shared>>)
      tpu.yield
    }) : () -> ()
    %dma_start3A_150 = arith.constant 3 : i32
    %dma_start3A_151 = arith.constant 0 : i32
    %dma_start3A_152 = arith.constant 0 : i32
    %dma_start3A_153 = tpu.memref_slice %arg3[%add3A, %dma_start3A_150, %dma_start3A_151, %dma_start3A_152] : memref<32x4x20x125xi32, #tpu.memory_space<hbm>> -> memref<1x1x20x125xi32, #tpu.memory_space<hbm>>
    %dma_start3A_154 = tpu.memref_squeeze %dma_start3A_153 : memref<1x1x20x125xi32, #tpu.memory_space<hbm>> -> memref<20x125xi32, #tpu.memory_space<hbm>>
    %dma_start3A_155 = arith.constant 0 : i32
    %dma_start3A_156 = arith.constant 0 : i32
    %dma_start3A_157 = tpu.memref_slice %arg3[%add3A, %dma_start3A_150, %dma_start3A_155, %dma_start3A_156] : memref<32x4x20x125xi32, #tpu.memory_space<hbm>> -> memref<1x1x20x125xi32, #tpu.memory_space<hbm>>
    %dma_start3A_158 = tpu.memref_squeeze %dma_start3A_157 : memref<1x1x20x125xi32, #tpu.memory_space<hbm>> -> memref<20x125xi32, #tpu.memory_space<hbm>>
    tpu.enqueue_dma source(%dma_start3A_158 : memref<20x125xi32, #tpu.memory_space<hbm>>) target(%arg9 : memref<20x125xi32, #tpu.memory_space<vmem>>) target_semaphore(%arg14 : memref<!tpu.dma_semaphore, #tpu.memory_space<semaphore_mem>>)
    %scan3A_159 = arith.constant 0 : i32
    %scan3A_160 = arith.constant 0 : i32
    %scan3A_161 = arith.constant 9 : i32
    %scan3A_162 = arith.addi %scan3A_160, %scan3A_161 : i32
    %scan3A_163 = arith.constant 1 : i32
    scf.for %scan3A_243 = %scan3A_160 to %scan3A_162 step %scan3A_163  : i32 {
      %mul3A_244 = arith.constant 2 : i32
      %mul3A_245 = arith.muli %mul3A_244, %scan3A_243 : i32
      %add3A_246 = arith.constant 40 : i32
      %add3A_247 = arith.addi %add3A_246, %mul3A_245 : i32
      %add3A_248 = arith.constant 1 : i32
      %add3A_249 = arith.addi %mul3A_245, %add3A_248 : i32
      %dma_start3A_250 = arith.constant 0 : i32
      %dma_start3A_251 = tpu.memref_slice %arg8[%add3A_249, %dma_start3A_250] : memref<20x125xi32, #tpu.memory_space<vmem>> -> memref<1x125xi32, #tpu.memory_space<vmem>>
      %dma_start3A_252 = tpu.memref_squeeze %dma_start3A_251 : memref<1x125xi32, #tpu.memory_space<vmem>> -> memref<125xi32, #tpu.memory_space<vmem>>
      %dma_start3A_253 = arith.constant 0 : i32
      %dma_start3A_254 = arith.constant 0 : i32
      %dma_start3A_255 = tpu.memref_slice %arg2[%dma_start3A_253, %dma_start3A_254] : memref<10000x128xf32, #tpu.memory_space<hbm>> -> memref<10000x128xf32, #tpu.memory_space<hbm>>
      tpu.enqueue_indirect_dma source(%dma_start3A_255 : memref<10000x128xf32, #tpu.memory_space<hbm>>) target(%arg11 : memref<125x128xf32, #tpu.memory_space<vmem>>) offsets(%dma_start3A_252 : memref<125xi32, #tpu.memory_space<vmem>>) semaphore(%arg16 : memref<!tpu.dma_semaphore, #tpu.memory_space<semaphore_mem>>)
      %dma_wait3A_256 = arith.constant 0 : i32
      %dma_wait3A_257 = tpu.memref_slice %arg8[%mul3A_245, %dma_wait3A_256] : memref<20x125xi32, #tpu.memory_space<vmem>> -> memref<1x125xi32, #tpu.memory_space<vmem>>
      %dma_wait3A_258 = tpu.memref_squeeze %dma_wait3A_257 : memref<1x125xi32, #tpu.memory_space<vmem>> -> memref<125xi32, #tpu.memory_space<vmem>>
      %dma_wait3A_259 = arith.constant 0 : i32
      %dma_wait3A_260 = arith.constant 0 : i32
      %dma_wait3A_261 = tpu.memref_slice %arg2[%dma_wait3A_259, %dma_wait3A_260] : memref<10000x128xf32, #tpu.memory_space<hbm>> -> memref<10000x128xf32, #tpu.memory_space<hbm>>
      tpu.wait_indirect_dma semaphore(%arg15 : memref<!tpu.dma_semaphore, #tpu.memory_space<semaphore_mem>>) src(%dma_wait3A_261 : memref<10000x128xf32, #tpu.memory_space<hbm>>) dst(%arg10 : memref<125x128xf32, #tpu.memory_space<vmem>>)
      "tpu.region"() ({
        %run_scoped3A_282 = tpu.sem_alloc : memref<!tpu.dma_semaphore, #tpu.memory_space<semaphore_mem>>
        %dma_start3A_283 = arith.constant 0 : i32
        %dma_start3A_284 = tpu.memref_slice %arg7[%add3A_247, %dma_start3A_283] : memref<80x125xi32, #tpu.memory_space<vmem>> -> memref<1x125xi32, #tpu.memory_space<vmem>>
        %dma_start3A_285 = tpu.memref_squeeze %dma_start3A_284 : memref<1x125xi32, #tpu.memory_space<vmem>> -> memref<125xi32, #tpu.memory_space<vmem>>
        %dma_start3A_286 = arith.constant 0 : i32
        %dma_start3A_287 = arith.constant 0 : i32
        %dma_start3A_288 = tpu.memref_slice %arg12[%dma_start3A_286, %dma_start3A_287] : memref<10000x128xf32, #tpu.memory_space<vmem_shared>> -> memref<10000x128xf32, #tpu.memory_space<vmem_shared>>
        tpu.enqueue_indirect_dma source(%arg10 : memref<125x128xf32, #tpu.memory_space<vmem>>) target(%dma_start3A_288 : memref<10000x128xf32, #tpu.memory_space<vmem_shared>>) offsets(%dma_start3A_285 : memref<125xi32, #tpu.memory_space<vmem>>) semaphore(%run_scoped3A_282 : memref<!tpu.dma_semaphore, #tpu.memory_space<semaphore_mem>>) {add = true}
        %dma_wait3A_289 = arith.constant 0 : i32
        %dma_wait3A_290 = tpu.memref_slice %arg7[%add3A_247, %dma_wait3A_289] : memref<80x125xi32, #tpu.memory_space<vmem>> -> memref<1x125xi32, #tpu.memory_space<vmem>>
        %dma_wait3A_291 = tpu.memref_squeeze %dma_wait3A_290 : memref<1x125xi32, #tpu.memory_space<vmem>> -> memref<125xi32, #tpu.memory_space<vmem>>
        %dma_wait3A_292 = arith.constant 0 : i32
        %dma_wait3A_293 = arith.constant 0 : i32
        %dma_wait3A_294 = tpu.memref_slice %arg12[%dma_wait3A_292, %dma_wait3A_293] : memref<10000x128xf32, #tpu.memory_space<vmem_shared>> -> memref<10000x128xf32, #tpu.memory_space<vmem_shared>>
        tpu.wait_indirect_dma semaphore(%run_scoped3A_282 : memref<!tpu.dma_semaphore, #tpu.memory_space<semaphore_mem>>) src(%arg10 : memref<125x128xf32, #tpu.memory_space<vmem>>) dst(%dma_wait3A_294 : memref<10000x128xf32, #tpu.memory_space<vmem_shared>>)
        tpu.yield
      }) : () -> ()
      %add3A_262 = arith.constant 40 : i32
      %add3A_263 = arith.addi %add3A_262, %mul3A_245 : i32
      %add3A_264 = arith.constant 1 : i32
      %add3A_265 = arith.addi %add3A_263, %add3A_264 : i32
      %add3A_266 = arith.constant 1 : i32
      %add3A_267 = arith.addi %mul3A_245, %add3A_266 : i32
      %add3A_268 = arith.constant 1 : i32
      %add3A_269 = arith.addi %add3A_267, %add3A_268 : i32
      %dma_start3A_270 = arith.constant 0 : i32
      %dma_start3A_271 = tpu.memref_slice %arg8[%add3A_269, %dma_start3A_270] : memref<20x125xi32, #tpu.memory_space<vmem>> -> memref<1x125xi32, #tpu.memory_space<vmem>>
      %dma_start3A_272 = tpu.memref_squeeze %dma_start3A_271 : memref<1x125xi32, #tpu.memory_space<vmem>> -> memref<125xi32, #tpu.memory_space<vmem>>
      %dma_start3A_273 = arith.constant 0 : i32
      %dma_start3A_274 = arith.constant 0 : i32
      %dma_start3A_275 = tpu.memref_slice %arg2[%dma_start3A_273, %dma_start3A_274] : memref<10000x128xf32, #tpu.memory_space<hbm>> -> memref<10000x128xf32, #tpu.memory_space<hbm>>
      tpu.enqueue_indirect_dma source(%dma_start3A_275 : memref<10000x128xf32, #tpu.memory_space<hbm>>) target(%arg10 : memref<125x128xf32, #tpu.memory_space<vmem>>) offsets(%dma_start3A_272 : memref<125xi32, #tpu.memory_space<vmem>>) semaphore(%arg15 : memref<!tpu.dma_semaphore, #tpu.memory_space<semaphore_mem>>)
      %dma_wait3A_276 = arith.constant 0 : i32
      %dma_wait3A_277 = tpu.memref_slice %arg8[%add3A_267, %dma_wait3A_276] : memref<20x125xi32, #tpu.memory_space<vmem>> -> memref<1x125xi32, #tpu.memory_space<vmem>>
      %dma_wait3A_278 = tpu.memref_squeeze %dma_wait3A_277 : memref<1x125xi32, #tpu.memory_space<vmem>> -> memref<125xi32, #tpu.memory_space<vmem>>
      %dma_wait3A_279 = arith.constant 0 : i32
      %dma_wait3A_280 = arith.constant 0 : i32
      %dma_wait3A_281 = tpu.memref_slice %arg2[%dma_wait3A_279, %dma_wait3A_280] : memref<10000x128xf32, #tpu.memory_space<hbm>> -> memref<10000x128xf32, #tpu.memory_space<hbm>>
      tpu.wait_indirect_dma semaphore(%arg16 : memref<!tpu.dma_semaphore, #tpu.memory_space<semaphore_mem>>) src(%dma_wait3A_281 : memref<10000x128xf32, #tpu.memory_space<hbm>>) dst(%arg11 : memref<125x128xf32, #tpu.memory_space<vmem>>)
      "tpu.region"() ({
        %run_scoped3A_282 = tpu.sem_alloc : memref<!tpu.dma_semaphore, #tpu.memory_space<semaphore_mem>>
        %dma_start3A_283 = arith.constant 0 : i32
        %dma_start3A_284 = tpu.memref_slice %arg7[%add3A_265, %dma_start3A_283] : memref<80x125xi32, #tpu.memory_space<vmem>> -> memref<1x125xi32, #tpu.memory_space<vmem>>
        %dma_start3A_285 = tpu.memref_squeeze %dma_start3A_284 : memref<1x125xi32, #tpu.memory_space<vmem>> -> memref<125xi32, #tpu.memory_space<vmem>>
        %dma_start3A_286 = arith.constant 0 : i32
        %dma_start3A_287 = arith.constant 0 : i32
        %dma_start3A_288 = tpu.memref_slice %arg12[%dma_start3A_286, %dma_start3A_287] : memref<10000x128xf32, #tpu.memory_space<vmem_shared>> -> memref<10000x128xf32, #tpu.memory_space<vmem_shared>>
        tpu.enqueue_indirect_dma source(%arg11 : memref<125x128xf32, #tpu.memory_space<vmem>>) target(%dma_start3A_288 : memref<10000x128xf32, #tpu.memory_space<vmem_shared>>) offsets(%dma_start3A_285 : memref<125xi32, #tpu.memory_space<vmem>>) semaphore(%run_scoped3A_282 : memref<!tpu.dma_semaphore, #tpu.memory_space<semaphore_mem>>) {add = true}
        %dma_wait3A_289 = arith.constant 0 : i32
        %dma_wait3A_290 = tpu.memref_slice %arg7[%add3A_265, %dma_wait3A_289] : memref<80x125xi32, #tpu.memory_space<vmem>> -> memref<1x125xi32, #tpu.memory_space<vmem>>
        %dma_wait3A_291 = tpu.memref_squeeze %dma_wait3A_290 : memref<1x125xi32, #tpu.memory_space<vmem>> -> memref<125xi32, #tpu.memory_space<vmem>>
        %dma_wait3A_292 = arith.constant 0 : i32
        %dma_wait3A_293 = arith.constant 0 : i32
        %dma_wait3A_294 = tpu.memref_slice %arg12[%dma_wait3A_292, %dma_wait3A_293] : memref<10000x128xf32, #tpu.memory_space<vmem_shared>> -> memref<10000x128xf32, #tpu.memory_space<vmem_shared>>
        tpu.wait_indirect_dma semaphore(%run_scoped3A_282 : memref<!tpu.dma_semaphore, #tpu.memory_space<semaphore_mem>>) src(%arg11 : memref<125x128xf32, #tpu.memory_space<vmem>>) dst(%dma_wait3A_294 : memref<10000x128xf32, #tpu.memory_space<vmem_shared>>)
        tpu.yield
      }) : () -> ()
    }
    %scan3A_164 = arith.constant 9 : i32
    %dma_start3A_165 = arith.constant 19 : i32
    %dma_start3A_166 = arith.constant 0 : i32
    %dma_start3A_167 = tpu.memref_slice %arg8[%dma_start3A_165, %dma_start3A_166] : memref<20x125xi32, #tpu.memory_space<vmem>> -> memref<1x125xi32, #tpu.memory_space<vmem>>
    %dma_start3A_168 = tpu.memref_squeeze %dma_start3A_167 : memref<1x125xi32, #tpu.memory_space<vmem>> -> memref<125xi32, #tpu.memory_space<vmem>>
    %dma_start3A_169 = arith.constant 0 : i32
    %dma_start3A_170 = arith.constant 0 : i32
    %dma_start3A_171 = tpu.memref_slice %arg2[%dma_start3A_169, %dma_start3A_170] : memref<10000x128xf32, #tpu.memory_space<hbm>> -> memref<10000x128xf32, #tpu.memory_space<hbm>>
    tpu.enqueue_indirect_dma source(%dma_start3A_171 : memref<10000x128xf32, #tpu.memory_space<hbm>>) target(%arg11 : memref<125x128xf32, #tpu.memory_space<vmem>>) offsets(%dma_start3A_168 : memref<125xi32, #tpu.memory_space<vmem>>) semaphore(%arg16 : memref<!tpu.dma_semaphore, #tpu.memory_space<semaphore_mem>>)
    %dma_wait3A_172 = arith.constant 18 : i32
    %dma_wait3A_173 = arith.constant 0 : i32
    %dma_wait3A_174 = tpu.memref_slice %arg8[%dma_wait3A_172, %dma_wait3A_173] : memref<20x125xi32, #tpu.memory_space<vmem>> -> memref<1x125xi32, #tpu.memory_space<vmem>>
    %dma_wait3A_175 = tpu.memref_squeeze %dma_wait3A_174 : memref<1x125xi32, #tpu.memory_space<vmem>> -> memref<125xi32, #tpu.memory_space<vmem>>
    %dma_wait3A_176 = arith.constant 0 : i32
    %dma_wait3A_177 = arith.constant 0 : i32
    %dma_wait3A_178 = tpu.memref_slice %arg2[%dma_wait3A_176, %dma_wait3A_177] : memref<10000x128xf32, #tpu.memory_space<hbm>> -> memref<10000x128xf32, #tpu.memory_space<hbm>>
    tpu.wait_indirect_dma semaphore(%arg15 : memref<!tpu.dma_semaphore, #tpu.memory_space<semaphore_mem>>) src(%dma_wait3A_178 : memref<10000x128xf32, #tpu.memory_space<hbm>>) dst(%arg10 : memref<125x128xf32, #tpu.memory_space<vmem>>)
    %run_scoped3A_179 = arith.constant 58 : i32
    "tpu.region"() ({
      %run_scoped3A_243 = tpu.sem_alloc : memref<!tpu.dma_semaphore, #tpu.memory_space<semaphore_mem>>
      %dma_start3A_244 = arith.constant 0 : i32
      %dma_start3A_245 = tpu.memref_slice %arg7[%run_scoped3A_179, %dma_start3A_244] : memref<80x125xi32, #tpu.memory_space<vmem>> -> memref<1x125xi32, #tpu.memory_space<vmem>>
      %dma_start3A_246 = tpu.memref_squeeze %dma_start3A_245 : memref<1x125xi32, #tpu.memory_space<vmem>> -> memref<125xi32, #tpu.memory_space<vmem>>
      %dma_start3A_247 = arith.constant 0 : i32
      %dma_start3A_248 = arith.constant 0 : i32
      %dma_start3A_249 = tpu.memref_slice %arg12[%dma_start3A_247, %dma_start3A_248] : memref<10000x128xf32, #tpu.memory_space<vmem_shared>> -> memref<10000x128xf32, #tpu.memory_space<vmem_shared>>
      tpu.enqueue_indirect_dma source(%arg10 : memref<125x128xf32, #tpu.memory_space<vmem>>) target(%dma_start3A_249 : memref<10000x128xf32, #tpu.memory_space<vmem_shared>>) offsets(%dma_start3A_246 : memref<125xi32, #tpu.memory_space<vmem>>) semaphore(%run_scoped3A_243 : memref<!tpu.dma_semaphore, #tpu.memory_space<semaphore_mem>>) {add = true}
      %dma_wait3A_250 = arith.constant 0 : i32
      %dma_wait3A_251 = tpu.memref_slice %arg7[%run_scoped3A_179, %dma_wait3A_250] : memref<80x125xi32, #tpu.memory_space<vmem>> -> memref<1x125xi32, #tpu.memory_space<vmem>>
      %dma_wait3A_252 = tpu.memref_squeeze %dma_wait3A_251 : memref<1x125xi32, #tpu.memory_space<vmem>> -> memref<125xi32, #tpu.memory_space<vmem>>
      %dma_wait3A_253 = arith.constant 0 : i32
      %dma_wait3A_254 = arith.constant 0 : i32
      %dma_wait3A_255 = tpu.memref_slice %arg12[%dma_wait3A_253, %dma_wait3A_254] : memref<10000x128xf32, #tpu.memory_space<vmem_shared>> -> memref<10000x128xf32, #tpu.memory_space<vmem_shared>>
      tpu.wait_indirect_dma semaphore(%run_scoped3A_243 : memref<!tpu.dma_semaphore, #tpu.memory_space<semaphore_mem>>) src(%arg10 : memref<125x128xf32, #tpu.memory_space<vmem>>) dst(%dma_wait3A_255 : memref<10000x128xf32, #tpu.memory_space<vmem_shared>>)
      tpu.yield
    }) : () -> ()
    %dma_wait3A_180 = arith.constant 3 : i32
    %dma_wait3A_181 = arith.constant 0 : i32
    %dma_wait3A_182 = arith.constant 0 : i32
    %dma_wait3A_183 = tpu.memref_slice %arg3[%add3A, %dma_wait3A_180, %dma_wait3A_181, %dma_wait3A_182] : memref<32x4x20x125xi32, #tpu.memory_space<hbm>> -> memref<1x1x20x125xi32, #tpu.memory_space<hbm>>
    %dma_wait3A_184 = tpu.memref_squeeze %dma_wait3A_183 : memref<1x1x20x125xi32, #tpu.memory_space<hbm>> -> memref<20x125xi32, #tpu.memory_space<hbm>>
    %dma_wait3A_185 = arith.constant 0 : i32
    %dma_wait3A_186 = arith.constant 0 : i32
    %dma_wait3A_187 = tpu.memref_slice %arg3[%add3A, %dma_wait3A_180, %dma_wait3A_185, %dma_wait3A_186] : memref<32x4x20x125xi32, #tpu.memory_space<hbm>> -> memref<1x1x20x125xi32, #tpu.memory_space<hbm>>
    %dma_wait3A_188 = tpu.memref_squeeze %dma_wait3A_187 : memref<1x1x20x125xi32, #tpu.memory_space<hbm>> -> memref<20x125xi32, #tpu.memory_space<hbm>>
    tpu.wait_dma2 semaphore(%arg14 : memref<!tpu.dma_semaphore, #tpu.memory_space<semaphore_mem>>) src(%dma_wait3A_188 : memref<20x125xi32, #tpu.memory_space<hbm>>) dst(%arg9 : memref<20x125xi32, #tpu.memory_space<vmem>>)
    %dma_start3A_189 = arith.constant 0 : i32
    %dma_start3A_190 = arith.constant 0 : i32
    %dma_start3A_191 = tpu.memref_slice %arg9[%dma_start3A_189, %dma_start3A_190] : memref<20x125xi32, #tpu.memory_space<vmem>> -> memref<1x125xi32, #tpu.memory_space<vmem>>
    %dma_start3A_192 = tpu.memref_squeeze %dma_start3A_191 : memref<1x125xi32, #tpu.memory_space<vmem>> -> memref<125xi32, #tpu.memory_space<vmem>>
    %dma_start3A_193 = arith.constant 0 : i32
    %dma_start3A_194 = arith.constant 0 : i32
    %dma_start3A_195 = tpu.memref_slice %arg2[%dma_start3A_193, %dma_start3A_194] : memref<10000x128xf32, #tpu.memory_space<hbm>> -> memref<10000x128xf32, #tpu.memory_space<hbm>>
    tpu.enqueue_indirect_dma source(%dma_start3A_195 : memref<10000x128xf32, #tpu.memory_space<hbm>>) target(%arg10 : memref<125x128xf32, #tpu.memory_space<vmem>>) offsets(%dma_start3A_192 : memref<125xi32, #tpu.memory_space<vmem>>) semaphore(%arg15 : memref<!tpu.dma_semaphore, #tpu.memory_space<semaphore_mem>>)
    %dma_wait3A_196 = arith.constant 19 : i32
    %dma_wait3A_197 = arith.constant 0 : i32
    %dma_wait3A_198 = tpu.memref_slice %arg8[%dma_wait3A_196, %dma_wait3A_197] : memref<20x125xi32, #tpu.memory_space<vmem>> -> memref<1x125xi32, #tpu.memory_space<vmem>>
    %dma_wait3A_199 = tpu.memref_squeeze %dma_wait3A_198 : memref<1x125xi32, #tpu.memory_space<vmem>> -> memref<125xi32, #tpu.memory_space<vmem>>
    %dma_wait3A_200 = arith.constant 0 : i32
    %dma_wait3A_201 = arith.constant 0 : i32
    %dma_wait3A_202 = tpu.memref_slice %arg2[%dma_wait3A_200, %dma_wait3A_201] : memref<10000x128xf32, #tpu.memory_space<hbm>> -> memref<10000x128xf32, #tpu.memory_space<hbm>>
    tpu.wait_indirect_dma semaphore(%arg16 : memref<!tpu.dma_semaphore, #tpu.memory_space<semaphore_mem>>) src(%dma_wait3A_202 : memref<10000x128xf32, #tpu.memory_space<hbm>>) dst(%arg11 : memref<125x128xf32, #tpu.memory_space<vmem>>)
    %run_scoped3A_203 = arith.constant 59 : i32
    "tpu.region"() ({
      %run_scoped3A_243 = tpu.sem_alloc : memref<!tpu.dma_semaphore, #tpu.memory_space<semaphore_mem>>
      %dma_start3A_244 = arith.constant 0 : i32
      %dma_start3A_245 = tpu.memref_slice %arg7[%run_scoped3A_203, %dma_start3A_244] : memref<80x125xi32, #tpu.memory_space<vmem>> -> memref<1x125xi32, #tpu.memory_space<vmem>>
      %dma_start3A_246 = tpu.memref_squeeze %dma_start3A_245 : memref<1x125xi32, #tpu.memory_space<vmem>> -> memref<125xi32, #tpu.memory_space<vmem>>
      %dma_start3A_247 = arith.constant 0 : i32
      %dma_start3A_248 = arith.constant 0 : i32
      %dma_start3A_249 = tpu.memref_slice %arg12[%dma_start3A_247, %dma_start3A_248] : memref<10000x128xf32, #tpu.memory_space<vmem_shared>> -> memref<10000x128xf32, #tpu.memory_space<vmem_shared>>
      tpu.enqueue_indirect_dma source(%arg11 : memref<125x128xf32, #tpu.memory_space<vmem>>) target(%dma_start3A_249 : memref<10000x128xf32, #tpu.memory_space<vmem_shared>>) offsets(%dma_start3A_246 : memref<125xi32, #tpu.memory_space<vmem>>) semaphore(%run_scoped3A_243 : memref<!tpu.dma_semaphore, #tpu.memory_space<semaphore_mem>>) {add = true}
      %dma_wait3A_250 = arith.constant 0 : i32
      %dma_wait3A_251 = tpu.memref_slice %arg7[%run_scoped3A_203, %dma_wait3A_250] : memref<80x125xi32, #tpu.memory_space<vmem>> -> memref<1x125xi32, #tpu.memory_space<vmem>>
      %dma_wait3A_252 = tpu.memref_squeeze %dma_wait3A_251 : memref<1x125xi32, #tpu.memory_space<vmem>> -> memref<125xi32, #tpu.memory_space<vmem>>
      %dma_wait3A_253 = arith.constant 0 : i32
      %dma_wait3A_254 = arith.constant 0 : i32
      %dma_wait3A_255 = tpu.memref_slice %arg12[%dma_wait3A_253, %dma_wait3A_254] : memref<10000x128xf32, #tpu.memory_space<vmem_shared>> -> memref<10000x128xf32, #tpu.memory_space<vmem_shared>>
      tpu.wait_indirect_dma semaphore(%run_scoped3A_243 : memref<!tpu.dma_semaphore, #tpu.memory_space<semaphore_mem>>) src(%arg11 : memref<125x128xf32, #tpu.memory_space<vmem>>) dst(%dma_wait3A_255 : memref<10000x128xf32, #tpu.memory_space<vmem_shared>>)
      tpu.yield
    }) : () -> ()
    %scan3A_204 = arith.constant 0 : i32
    %scan3A_205 = arith.constant 0 : i32
    %scan3A_206 = arith.constant 9 : i32
    %scan3A_207 = arith.addi %scan3A_205, %scan3A_206 : i32
    %scan3A_208 = arith.constant 1 : i32
    scf.for %scan3A_243 = %scan3A_205 to %scan3A_207 step %scan3A_208  : i32 {
      %mul3A_244 = arith.constant 2 : i32
      %mul3A_245 = arith.muli %mul3A_244, %scan3A_243 : i32
      %add3A_246 = arith.constant 60 : i32
      %add3A_247 = arith.addi %add3A_246, %mul3A_245 : i32
      %add3A_248 = arith.constant 1 : i32
      %add3A_249 = arith.addi %mul3A_245, %add3A_248 : i32
      %dma_start3A_250 = arith.constant 0 : i32
      %dma_start3A_251 = tpu.memref_slice %arg9[%add3A_249, %dma_start3A_250] : memref<20x125xi32, #tpu.memory_space<vmem>> -> memref<1x125xi32, #tpu.memory_space<vmem>>
      %dma_start3A_252 = tpu.memref_squeeze %dma_start3A_251 : memref<1x125xi32, #tpu.memory_space<vmem>> -> memref<125xi32, #tpu.memory_space<vmem>>
      %dma_start3A_253 = arith.constant 0 : i32
      %dma_start3A_254 = arith.constant 0 : i32
      %dma_start3A_255 = tpu.memref_slice %arg2[%dma_start3A_253, %dma_start3A_254] : memref<10000x128xf32, #tpu.memory_space<hbm>> -> memref<10000x128xf32, #tpu.memory_space<hbm>>
      tpu.enqueue_indirect_dma source(%dma_start3A_255 : memref<10000x128xf32, #tpu.memory_space<hbm>>) target(%arg11 : memref<125x128xf32, #tpu.memory_space<vmem>>) offsets(%dma_start3A_252 : memref<125xi32, #tpu.memory_space<vmem>>) semaphore(%arg16 : memref<!tpu.dma_semaphore, #tpu.memory_space<semaphore_mem>>)
      %dma_wait3A_256 = arith.constant 0 : i32
      %dma_wait3A_257 = tpu.memref_slice %arg9[%mul3A_245, %dma_wait3A_256] : memref<20x125xi32, #tpu.memory_space<vmem>> -> memref<1x125xi32, #tpu.memory_space<vmem>>
      %dma_wait3A_258 = tpu.memref_squeeze %dma_wait3A_257 : memref<1x125xi32, #tpu.memory_space<vmem>> -> memref<125xi32, #tpu.memory_space<vmem>>
      %dma_wait3A_259 = arith.constant 0 : i32
      %dma_wait3A_260 = arith.constant 0 : i32
      %dma_wait3A_261 = tpu.memref_slice %arg2[%dma_wait3A_259, %dma_wait3A_260] : memref<10000x128xf32, #tpu.memory_space<hbm>> -> memref<10000x128xf32, #tpu.memory_space<hbm>>
      tpu.wait_indirect_dma semaphore(%arg15 : memref<!tpu.dma_semaphore, #tpu.memory_space<semaphore_mem>>) src(%dma_wait3A_261 : memref<10000x128xf32, #tpu.memory_space<hbm>>) dst(%arg10 : memref<125x128xf32, #tpu.memory_space<vmem>>)
      "tpu.region"() ({
        %run_scoped3A_282 = tpu.sem_alloc : memref<!tpu.dma_semaphore, #tpu.memory_space<semaphore_mem>>
        %dma_start3A_283 = arith.constant 0 : i32
        %dma_start3A_284 = tpu.memref_slice %arg7[%add3A_247, %dma_start3A_283] : memref<80x125xi32, #tpu.memory_space<vmem>> -> memref<1x125xi32, #tpu.memory_space<vmem>>
        %dma_start3A_285 = tpu.memref_squeeze %dma_start3A_284 : memref<1x125xi32, #tpu.memory_space<vmem>> -> memref<125xi32, #tpu.memory_space<vmem>>
        %dma_start3A_286 = arith.constant 0 : i32
        %dma_start3A_287 = arith.constant 0 : i32
        %dma_start3A_288 = tpu.memref_slice %arg12[%dma_start3A_286, %dma_start3A_287] : memref<10000x128xf32, #tpu.memory_space<vmem_shared>> -> memref<10000x128xf32, #tpu.memory_space<vmem_shared>>
        tpu.enqueue_indirect_dma source(%arg10 : memref<125x128xf32, #tpu.memory_space<vmem>>) target(%dma_start3A_288 : memref<10000x128xf32, #tpu.memory_space<vmem_shared>>) offsets(%dma_start3A_285 : memref<125xi32, #tpu.memory_space<vmem>>) semaphore(%run_scoped3A_282 : memref<!tpu.dma_semaphore, #tpu.memory_space<semaphore_mem>>) {add = true}
        %dma_wait3A_289 = arith.constant 0 : i32
        %dma_wait3A_290 = tpu.memref_slice %arg7[%add3A_247, %dma_wait3A_289] : memref<80x125xi32, #tpu.memory_space<vmem>> -> memref<1x125xi32, #tpu.memory_space<vmem>>
        %dma_wait3A_291 = tpu.memref_squeeze %dma_wait3A_290 : memref<1x125xi32, #tpu.memory_space<vmem>> -> memref<125xi32, #tpu.memory_space<vmem>>
        %dma_wait3A_292 = arith.constant 0 : i32
        %dma_wait3A_293 = arith.constant 0 : i32
        %dma_wait3A_294 = tpu.memref_slice %arg12[%dma_wait3A_292, %dma_wait3A_293] : memref<10000x128xf32, #tpu.memory_space<vmem_shared>> -> memref<10000x128xf32, #tpu.memory_space<vmem_shared>>
        tpu.wait_indirect_dma semaphore(%run_scoped3A_282 : memref<!tpu.dma_semaphore, #tpu.memory_space<semaphore_mem>>) src(%arg10 : memref<125x128xf32, #tpu.memory_space<vmem>>) dst(%dma_wait3A_294 : memref<10000x128xf32, #tpu.memory_space<vmem_shared>>)
        tpu.yield
      }) : () -> ()
      %add3A_262 = arith.constant 60 : i32
      %add3A_263 = arith.addi %add3A_262, %mul3A_245 : i32
      %add3A_264 = arith.constant 1 : i32
      %add3A_265 = arith.addi %add3A_263, %add3A_264 : i32
      %add3A_266 = arith.constant 1 : i32
      %add3A_267 = arith.addi %mul3A_245, %add3A_266 : i32
      %add3A_268 = arith.constant 1 : i32
      %add3A_269 = arith.addi %add3A_267, %add3A_268 : i32
      %dma_start3A_270 = arith.constant 0 : i32
      %dma_start3A_271 = tpu.memref_slice %arg9[%add3A_269, %dma_start3A_270] : memref<20x125xi32, #tpu.memory_space<vmem>> -> memref<1x125xi32, #tpu.memory_space<vmem>>
      %dma_start3A_272 = tpu.memref_squeeze %dma_start3A_271 : memref<1x125xi32, #tpu.memory_space<vmem>> -> memref<125xi32, #tpu.memory_space<vmem>>
      %dma_start3A_273 = arith.constant 0 : i32
      %dma_start3A_274 = arith.constant 0 : i32
      %dma_start3A_275 = tpu.memref_slice %arg2[%dma_start3A_273, %dma_start3A_274] : memref<10000x128xf32, #tpu.memory_space<hbm>> -> memref<10000x128xf32, #tpu.memory_space<hbm>>
      tpu.enqueue_indirect_dma source(%dma_start3A_275 : memref<10000x128xf32, #tpu.memory_space<hbm>>) target(%arg10 : memref<125x128xf32, #tpu.memory_space<vmem>>) offsets(%dma_start3A_272 : memref<125xi32, #tpu.memory_space<vmem>>) semaphore(%arg15 : memref<!tpu.dma_semaphore, #tpu.memory_space<semaphore_mem>>)
      %dma_wait3A_276 = arith.constant 0 : i32
      %dma_wait3A_277 = tpu.memref_slice %arg9[%add3A_267, %dma_wait3A_276] : memref<20x125xi32, #tpu.memory_space<vmem>> -> memref<1x125xi32, #tpu.memory_space<vmem>>
      %dma_wait3A_278 = tpu.memref_squeeze %dma_wait3A_277 : memref<1x125xi32, #tpu.memory_space<vmem>> -> memref<125xi32, #tpu.memory_space<vmem>>
      %dma_wait3A_279 = arith.constant 0 : i32
      %dma_wait3A_280 = arith.constant 0 : i32
      %dma_wait3A_281 = tpu.memref_slice %arg2[%dma_wait3A_279, %dma_wait3A_280] : memref<10000x128xf32, #tpu.memory_space<hbm>> -> memref<10000x128xf32, #tpu.memory_space<hbm>>
      tpu.wait_indirect_dma semaphore(%arg16 : memref<!tpu.dma_semaphore, #tpu.memory_space<semaphore_mem>>) src(%dma_wait3A_281 : memref<10000x128xf32, #tpu.memory_space<hbm>>) dst(%arg11 : memref<125x128xf32, #tpu.memory_space<vmem>>)
      "tpu.region"() ({
        %run_scoped3A_282 = tpu.sem_alloc : memref<!tpu.dma_semaphore, #tpu.memory_space<semaphore_mem>>
        %dma_start3A_283 = arith.constant 0 : i32
        %dma_start3A_284 = tpu.memref_slice %arg7[%add3A_265, %dma_start3A_283] : memref<80x125xi32, #tpu.memory_space<vmem>> -> memref<1x125xi32, #tpu.memory_space<vmem>>
        %dma_start3A_285 = tpu.memref_squeeze %dma_start3A_284 : memref<1x125xi32, #tpu.memory_space<vmem>> -> memref<125xi32, #tpu.memory_space<vmem>>
        %dma_start3A_286 = arith.constant 0 : i32
        %dma_start3A_287 = arith.constant 0 : i32
        %dma_start3A_288 = tpu.memref_slice %arg12[%dma_start3A_286, %dma_start3A_287] : memref<10000x128xf32, #tpu.memory_space<vmem_shared>> -> memref<10000x128xf32, #tpu.memory_space<vmem_shared>>
        tpu.enqueue_indirect_dma source(%arg11 : memref<125x128xf32, #tpu.memory_space<vmem>>) target(%dma_start3A_288 : memref<10000x128xf32, #tpu.memory_space<vmem_shared>>) offsets(%dma_start3A_285 : memref<125xi32, #tpu.memory_space<vmem>>) semaphore(%run_scoped3A_282 : memref<!tpu.dma_semaphore, #tpu.memory_space<semaphore_mem>>) {add = true}
        %dma_wait3A_289 = arith.constant 0 : i32
        %dma_wait3A_290 = tpu.memref_slice %arg7[%add3A_265, %dma_wait3A_289] : memref<80x125xi32, #tpu.memory_space<vmem>> -> memref<1x125xi32, #tpu.memory_space<vmem>>
        %dma_wait3A_291 = tpu.memref_squeeze %dma_wait3A_290 : memref<1x125xi32, #tpu.memory_space<vmem>> -> memref<125xi32, #tpu.memory_space<vmem>>
        %dma_wait3A_292 = arith.constant 0 : i32
        %dma_wait3A_293 = arith.constant 0 : i32
        %dma_wait3A_294 = tpu.memref_slice %arg12[%dma_wait3A_292, %dma_wait3A_293] : memref<10000x128xf32, #tpu.memory_space<vmem_shared>> -> memref<10000x128xf32, #tpu.memory_space<vmem_shared>>
        tpu.wait_indirect_dma semaphore(%run_scoped3A_282 : memref<!tpu.dma_semaphore, #tpu.memory_space<semaphore_mem>>) src(%arg11 : memref<125x128xf32, #tpu.memory_space<vmem>>) dst(%dma_wait3A_294 : memref<10000x128xf32, #tpu.memory_space<vmem_shared>>)
        tpu.yield
      }) : () -> ()
    }
    %scan3A_209 = arith.constant 9 : i32
    %dma_start3A_210 = arith.constant 19 : i32
    %dma_start3A_211 = arith.constant 0 : i32
    %dma_start3A_212 = tpu.memref_slice %arg9[%dma_start3A_210, %dma_start3A_211] : memref<20x125xi32, #tpu.memory_space<vmem>> -> memref<1x125xi32, #tpu.memory_space<vmem>>
    %dma_start3A_213 = tpu.memref_squeeze %dma_start3A_212 : memref<1x125xi32, #tpu.memory_space<vmem>> -> memref<125xi32, #tpu.memory_space<vmem>>
    %dma_start3A_214 = arith.constant 0 : i32
    %dma_start3A_215 = arith.constant 0 : i32
    %dma_start3A_216 = tpu.memref_slice %arg2[%dma_start3A_214, %dma_start3A_215] : memref<10000x128xf32, #tpu.memory_space<hbm>> -> memref<10000x128xf32, #tpu.memory_space<hbm>>
    tpu.enqueue_indirect_dma source(%dma_start3A_216 : memref<10000x128xf32, #tpu.memory_space<hbm>>) target(%arg11 : memref<125x128xf32, #tpu.memory_space<vmem>>) offsets(%dma_start3A_213 : memref<125xi32, #tpu.memory_space<vmem>>) semaphore(%arg16 : memref<!tpu.dma_semaphore, #tpu.memory_space<semaphore_mem>>)
    %dma_wait3A_217 = arith.constant 18 : i32
    %dma_wait3A_218 = arith.constant 0 : i32
    %dma_wait3A_219 = tpu.memref_slice %arg9[%dma_wait3A_217, %dma_wait3A_218] : memref<20x125xi32, #tpu.memory_space<vmem>> -> memref<1x125xi32, #tpu.memory_space<vmem>>
    %dma_wait3A_220 = tpu.memref_squeeze %dma_wait3A_219 : memref<1x125xi32, #tpu.memory_space<vmem>> -> memref<125xi32, #tpu.memory_space<vmem>>
    %dma_wait3A_221 = arith.constant 0 : i32
    %dma_wait3A_222 = arith.constant 0 : i32
    %dma_wait3A_223 = tpu.memref_slice %arg2[%dma_wait3A_221, %dma_wait3A_222] : memref<10000x128xf32, #tpu.memory_space<hbm>> -> memref<10000x128xf32, #tpu.memory_space<hbm>>
    tpu.wait_indirect_dma semaphore(%arg15 : memref<!tpu.dma_semaphore, #tpu.memory_space<semaphore_mem>>) src(%dma_wait3A_223 : memref<10000x128xf32, #tpu.memory_space<hbm>>) dst(%arg10 : memref<125x128xf32, #tpu.memory_space<vmem>>)
    %run_scoped3A_224 = arith.constant 78 : i32
    "tpu.region"() ({
      %run_scoped3A_243 = tpu.sem_alloc : memref<!tpu.dma_semaphore, #tpu.memory_space<semaphore_mem>>
      %dma_start3A_244 = arith.constant 0 : i32
      %dma_start3A_245 = tpu.memref_slice %arg7[%run_scoped3A_224, %dma_start3A_244] : memref<80x125xi32, #tpu.memory_space<vmem>> -> memref<1x125xi32, #tpu.memory_space<vmem>>
      %dma_start3A_246 = tpu.memref_squeeze %dma_start3A_245 : memref<1x125xi32, #tpu.memory_space<vmem>> -> memref<125xi32, #tpu.memory_space<vmem>>
      %dma_start3A_247 = arith.constant 0 : i32
      %dma_start3A_248 = arith.constant 0 : i32
      %dma_start3A_249 = tpu.memref_slice %arg12[%dma_start3A_247, %dma_start3A_248] : memref<10000x128xf32, #tpu.memory_space<vmem_shared>> -> memref<10000x128xf32, #tpu.memory_space<vmem_shared>>
      tpu.enqueue_indirect_dma source(%arg10 : memref<125x128xf32, #tpu.memory_space<vmem>>) target(%dma_start3A_249 : memref<10000x128xf32, #tpu.memory_space<vmem_shared>>) offsets(%dma_start3A_246 : memref<125xi32, #tpu.memory_space<vmem>>) semaphore(%run_scoped3A_243 : memref<!tpu.dma_semaphore, #tpu.memory_space<semaphore_mem>>) {add = true}
      %dma_wait3A_250 = arith.constant 0 : i32
      %dma_wait3A_251 = tpu.memref_slice %arg7[%run_scoped3A_224, %dma_wait3A_250] : memref<80x125xi32, #tpu.memory_space<vmem>> -> memref<1x125xi32, #tpu.memory_space<vmem>>
      %dma_wait3A_252 = tpu.memref_squeeze %dma_wait3A_251 : memref<1x125xi32, #tpu.memory_space<vmem>> -> memref<125xi32, #tpu.memory_space<vmem>>
      %dma_wait3A_253 = arith.constant 0 : i32
      %dma_wait3A_254 = arith.constant 0 : i32
      %dma_wait3A_255 = tpu.memref_slice %arg12[%dma_wait3A_253, %dma_wait3A_254] : memref<10000x128xf32, #tpu.memory_space<vmem_shared>> -> memref<10000x128xf32, #tpu.memory_space<vmem_shared>>
      tpu.wait_indirect_dma semaphore(%run_scoped3A_243 : memref<!tpu.dma_semaphore, #tpu.memory_space<semaphore_mem>>) src(%arg10 : memref<125x128xf32, #tpu.memory_space<vmem>>) dst(%dma_wait3A_255 : memref<10000x128xf32, #tpu.memory_space<vmem_shared>>)
      tpu.yield
    }) : () -> ()
    %dma_wait3A_225 = arith.constant 19 : i32
    %dma_wait3A_226 = arith.constant 0 : i32
    %dma_wait3A_227 = tpu.memref_slice %arg9[%dma_wait3A_225, %dma_wait3A_226] : memref<20x125xi32, #tpu.memory_space<vmem>> -> memref<1x125xi32, #tpu.memory_space<vmem>>
    %dma_wait3A_228 = tpu.memref_squeeze %dma_wait3A_227 : memref<1x125xi32, #tpu.memory_space<vmem>> -> memref<125xi32, #tpu.memory_space<vmem>>
    %dma_wait3A_229 = arith.constant 0 : i32
    %dma_wait3A_230 = arith.constant 0 : i32
    %dma_wait3A_231 = tpu.memref_slice %arg2[%dma_wait3A_229, %dma_wait3A_230] : memref<10000x128xf32, #tpu.memory_space<hbm>> -> memref<10000x128xf32, #tpu.memory_space<hbm>>
    tpu.wait_indirect_dma semaphore(%arg16 : memref<!tpu.dma_semaphore, #tpu.memory_space<semaphore_mem>>) src(%dma_wait3A_231 : memref<10000x128xf32, #tpu.memory_space<hbm>>) dst(%arg11 : memref<125x128xf32, #tpu.memory_space<vmem>>)
    %run_scoped3A_232 = arith.constant 79 : i32
    "tpu.region"() ({
      %run_scoped3A_243 = tpu.sem_alloc : memref<!tpu.dma_semaphore, #tpu.memory_space<semaphore_mem>>
      %dma_start3A_244 = arith.constant 0 : i32
      %dma_start3A_245 = tpu.memref_slice %arg7[%run_scoped3A_232, %dma_start3A_244] : memref<80x125xi32, #tpu.memory_space<vmem>> -> memref<1x125xi32, #tpu.memory_space<vmem>>
      %dma_start3A_246 = tpu.memref_squeeze %dma_start3A_245 : memref<1x125xi32, #tpu.memory_space<vmem>> -> memref<125xi32, #tpu.memory_space<vmem>>
      %dma_start3A_247 = arith.constant 0 : i32
      %dma_start3A_248 = arith.constant 0 : i32
      %dma_start3A_249 = tpu.memref_slice %arg12[%dma_start3A_247, %dma_start3A_248] : memref<10000x128xf32, #tpu.memory_space<vmem_shared>> -> memref<10000x128xf32, #tpu.memory_space<vmem_shared>>
      tpu.enqueue_indirect_dma source(%arg11 : memref<125x128xf32, #tpu.memory_space<vmem>>) target(%dma_start3A_249 : memref<10000x128xf32, #tpu.memory_space<vmem_shared>>) offsets(%dma_start3A_246 : memref<125xi32, #tpu.memory_space<vmem>>) semaphore(%run_scoped3A_243 : memref<!tpu.dma_semaphore, #tpu.memory_space<semaphore_mem>>) {add = true}
      %dma_wait3A_250 = arith.constant 0 : i32
      %dma_wait3A_251 = tpu.memref_slice %arg7[%run_scoped3A_232, %dma_wait3A_250] : memref<80x125xi32, #tpu.memory_space<vmem>> -> memref<1x125xi32, #tpu.memory_space<vmem>>
      %dma_wait3A_252 = tpu.memref_squeeze %dma_wait3A_251 : memref<1x125xi32, #tpu.memory_space<vmem>> -> memref<125xi32, #tpu.memory_space<vmem>>
      %dma_wait3A_253 = arith.constant 0 : i32
      %dma_wait3A_254 = arith.constant 0 : i32
      %dma_wait3A_255 = tpu.memref_slice %arg12[%dma_wait3A_253, %dma_wait3A_254] : memref<10000x128xf32, #tpu.memory_space<vmem_shared>> -> memref<10000x128xf32, #tpu.memory_space<vmem_shared>>
      tpu.wait_indirect_dma semaphore(%run_scoped3A_243 : memref<!tpu.dma_semaphore, #tpu.memory_space<semaphore_mem>>) src(%arg11 : memref<125x128xf32, #tpu.memory_space<vmem>>) dst(%dma_wait3A_255 : memref<10000x128xf32, #tpu.memory_space<vmem_shared>>)
      tpu.yield
    }) : () -> ()
    %barrier3A_233 = arith.constant 0 : index
    tpu.barrier barrier_id(%barrier3A_233)
    %mul3A_234 = arith.constant 624 : i32
    %mul3A_235 = arith.muli %arg1, %mul3A_234 : i32
    %mul3A_236 = arith.constant 624 : i32
    %mul3A_237 = arith.muli %arg1, %mul3A_236 : i32
    "tpu.region"() ({
      %run_scoped3A_243 = tpu.sem_alloc : memref<!tpu.dma_semaphore, #tpu.memory_space<semaphore_mem>>
      %dma_start3A_244 = arith.constant 0 : i32
      %dma_start3A_245 = arith.constant 0 : i32
      %dma_start3A_246 = tpu.memref_slice %arg6[%arg0, %dma_start3A_244, %dma_start3A_245] : memref<2x10000x128xf32, #tpu.memory_space<hbm>> -> memref<1x10000x128xf32, #tpu.memory_space<hbm>>
      %dma_start3A_247 = tpu.memref_squeeze %dma_start3A_246 : memref<1x10000x128xf32, #tpu.memory_space<hbm>> -> memref<10000x128xf32, #tpu.memory_space<hbm>>
      %dma_start3A_248 = arith.constant 0 : i32
      %dma_start3A_249 = tpu.memref_slice %dma_start3A_247[%mul3A_237, %dma_start3A_248] : memref<10000x128xf32, #tpu.memory_space<hbm>> -> memref<624x128xf32, #tpu.memory_space<hbm>>
      %dma_start3A_250 = arith.constant 0 : i32
      %dma_start3A_251 = tpu.memref_slice %arg12[%mul3A_235, %dma_start3A_250] : memref<10000x128xf32, #tpu.memory_space<vmem_shared>> -> memref<624x128xf32, #tpu.memory_space<vmem_shared>>
      tpu.enqueue_dma source(%dma_start3A_251 : memref<624x128xf32, #tpu.memory_space<vmem_shared>>) target(%dma_start3A_249 : memref<624x128xf32, #tpu.memory_space<hbm>>) target_semaphore(%run_scoped3A_243 : memref<!tpu.dma_semaphore, #tpu.memory_space<semaphore_mem>>)
      %dma_wait3A_252 = arith.constant 0 : i32
      %dma_wait3A_253 = arith.constant 0 : i32
      %dma_wait3A_254 = tpu.memref_slice %arg6[%arg0, %dma_wait3A_252, %dma_wait3A_253] : memref<2x10000x128xf32, #tpu.memory_space<hbm>> -> memref<1x10000x128xf32, #tpu.memory_space<hbm>>
      %dma_wait3A_255 = tpu.memref_squeeze %dma_wait3A_254 : memref<1x10000x128xf32, #tpu.memory_space<hbm>> -> memref<10000x128xf32, #tpu.memory_space<hbm>>
      %dma_wait3A_256 = arith.constant 0 : i32
      %dma_wait3A_257 = tpu.memref_slice %dma_wait3A_255[%mul3A_237, %dma_wait3A_256] : memref<10000x128xf32, #tpu.memory_space<hbm>> -> memref<624x128xf32, #tpu.memory_space<hbm>>
      %dma_wait3A_258 = arith.constant 0 : i32
      %dma_wait3A_259 = tpu.memref_slice %arg12[%mul3A_235, %dma_wait3A_258] : memref<10000x128xf32, #tpu.memory_space<vmem_shared>> -> memref<624x128xf32, #tpu.memory_space<vmem_shared>>
      tpu.wait_dma2 semaphore(%run_scoped3A_243 : memref<!tpu.dma_semaphore, #tpu.memory_space<semaphore_mem>>) src(%dma_wait3A_259 : memref<624x128xf32, #tpu.memory_space<vmem_shared>>) dst(%dma_wait3A_257 : memref<624x128xf32, #tpu.memory_space<hbm>>)
      tpu.yield
    }) : () -> ()
    %eq3A_238 = arith.constant 0 : i32
    %eq3A_239 = arith.cmpi eq, %arg1, %eq3A_238 : i32
    %convert_element_type3A_240 = arith.extui %eq3A_239 : i1 to i32
    %cond3A_241 = arith.constant 0 : i32
    %cond3A_242 = arith.cmpi ne, %convert_element_type3A_240, %cond3A_241 : i32
    scf.if %cond3A_242 {
      "tpu.region"() ({
        %run_scoped3A_243 = tpu.sem_alloc : memref<!tpu.dma_semaphore, #tpu.memory_space<semaphore_mem>>
        %dma_start3A_244 = arith.constant 0 : i32
        %dma_start3A_245 = arith.constant 0 : i32
        %dma_start3A_246 = tpu.memref_slice %arg6[%arg0, %dma_start3A_244, %dma_start3A_245] : memref<2x10000x128xf32, #tpu.memory_space<hbm>> -> memref<1x10000x128xf32, #tpu.memory_space<hbm>>
        %dma_start3A_247 = tpu.memref_squeeze %dma_start3A_246 : memref<1x10000x128xf32, #tpu.memory_space<hbm>> -> memref<10000x128xf32, #tpu.memory_space<hbm>>
        %dma_start3A_248 = arith.constant 9984 : i32
        %dma_start3A_249 = arith.constant 0 : i32
        %dma_start3A_250 = tpu.memref_slice %dma_start3A_247[%dma_start3A_248, %dma_start3A_249] : memref<10000x128xf32, #tpu.memory_space<hbm>> -> memref<16x128xf32, #tpu.memory_space<hbm>>
        %dma_start3A_251 = arith.constant 9984 : i32
        %dma_start3A_252 = arith.constant 0 : i32
        %dma_start3A_253 = tpu.memref_slice %arg12[%dma_start3A_251, %dma_start3A_252] : memref<10000x128xf32, #tpu.memory_space<vmem_shared>> -> memref<16x128xf32, #tpu.memory_space<vmem_shared>>
        tpu.enqueue_dma source(%dma_start3A_253 : memref<16x128xf32, #tpu.memory_space<vmem_shared>>) target(%dma_start3A_250 : memref<16x128xf32, #tpu.memory_space<hbm>>) target_semaphore(%run_scoped3A_243 : memref<!tpu.dma_semaphore, #tpu.memory_space<semaphore_mem>>)
        %dma_wait3A_254 = arith.constant 0 : i32
        %dma_wait3A_255 = arith.constant 0 : i32
        %dma_wait3A_256 = tpu.memref_slice %arg6[%arg0, %dma_wait3A_254, %dma_wait3A_255] : memref<2x10000x128xf32, #tpu.memory_space<hbm>> -> memref<1x10000x128xf32, #tpu.memory_space<hbm>>
        %dma_wait3A_257 = tpu.memref_squeeze %dma_wait3A_256 : memref<1x10000x128xf32, #tpu.memory_space<hbm>> -> memref<10000x128xf32, #tpu.memory_space<hbm>>
        %dma_wait3A_258 = arith.constant 9984 : i32
        %dma_wait3A_259 = arith.constant 0 : i32
        %dma_wait3A_260 = tpu.memref_slice %dma_wait3A_257[%dma_wait3A_258, %dma_wait3A_259] : memref<10000x128xf32, #tpu.memory_space<hbm>> -> memref<16x128xf32, #tpu.memory_space<hbm>>
        %dma_wait3A_261 = arith.constant 9984 : i32
        %dma_wait3A_262 = arith.constant 0 : i32
        %dma_wait3A_263 = tpu.memref_slice %arg12[%dma_wait3A_261, %dma_wait3A_262] : memref<10000x128xf32, #tpu.memory_space<vmem_shared>> -> memref<16x128xf32, #tpu.memory_space<vmem_shared>>
        tpu.wait_dma2 semaphore(%run_scoped3A_243 : memref<!tpu.dma_semaphore, #tpu.memory_space<semaphore_mem>>) src(%dma_wait3A_263 : memref<16x128xf32, #tpu.memory_space<vmem_shared>>) dst(%dma_wait3A_260 : memref<16x128xf32, #tpu.memory_space<hbm>>)
        tpu.yield
      }) : () -> ()
    } else {
    }
    return
  }
}

module attributes {stable_mosaic.version = 14 : i64} {
  func.func @_lin1_body(%arg0: i32, %arg1: memref<5000x128xf32, #tpu.memory_space<vmem>>, %arg2: memref<128x128xf32, #tpu.memory_space<vmem>>, %arg3: memref<1x128xf32, #tpu.memory_space<vmem>>, %arg4: memref<5000x128xf32, #tpu.memory_space<vmem>>) attributes {dimension_semantics = [#tpu.dimension_semantics<arbitrary>], iteration_bounds = array<i64: 2>, scalar_prefetch = 0 : i64, scratch_operands = 0 : i64, tpu.core_type = #tpu.core_type<tc>, window_params = [{transform_indices = @transform_0, window_bounds = array<i64: 5000, 128>}, {pipeline_mode = #tpu.pipeline_mode<synchronous>, transform_indices = @transform_1, window_bounds = array<i64: 128, 128>}, {pipeline_mode = #tpu.pipeline_mode<synchronous>, transform_indices = @transform_2, window_bounds = array<i64: 1, 128>}, {transform_indices = @transform_3, window_bounds = array<i64: 5000, 128>}]} {
    %get3A = arith.constant 0 : index
    %get3A_0 = arith.constant 0 : index
    %get3A_1 = vector.load %arg1[%get3A, %get3A_0] : memref<5000x128xf32, #tpu.memory_space<vmem>>, vector<5000x128xf32>
    %get3A_2 = arith.constant 0 : index
    %get3A_3 = arith.constant 0 : index
    %get3A_4 = vector.load %arg2[%get3A_2, %get3A_3] : memref<128x128xf32, #tpu.memory_space<vmem>>, vector<128x128xf32>
    %dot_general3A = arith.constant dense<0.000000e+00> : vector<5000x128xf32>
    %dot_general3A_5 = tpu.matmul %get3A_1, %get3A_4, %dot_general3A {dimension_numbers = #tpu.dot_dimension_numbers<[1], [1], [0], [0], [0, 0, 1, 0], [], []>, transpose_lhs_hint = false} : vector<5000x128xf32>, vector<128x128xf32>, vector<5000x128xf32> -> vector<5000x128xf32>
    %get3A_6 = arith.constant 0 : index
    %get3A_7 = arith.constant 0 : index
    %get3A_8 = vector.load %arg3[%get3A_6, %get3A_7] : memref<1x128xf32, #tpu.memory_space<vmem>>, vector<1x128xf32>
    %add3A = vector.broadcast %get3A_8 : vector<1x128xf32> to vector<5000x128xf32>
    %add3A_9 = arith.addf %dot_general3A_5, %add3A : vector<5000x128xf32>
    %swap3A = arith.constant 0 : index
    %swap3A_10 = arith.constant 0 : index
    %swap3A_11 = vector.load %arg4[%swap3A, %swap3A_10] : memref<5000x128xf32, #tpu.memory_space<vmem>>, vector<5000x128xf32>
    tpu.vector_store %arg4[%swap3A, %swap3A_10], %add3A_9 {strides = array<i32>} : memref<5000x128xf32, #tpu.memory_space<vmem>>, vector<5000x128xf32>,
    return
  }
  func.func @transform_0(%arg0: i32) -> (i32, i32) {
    %c0_i32 = arith.constant 0 : i32
    %c0_i32_0 = arith.constant 0 : i32
    return %arg0, %c0_i32 : i32, i32
  }
  func.func @transform_1(%arg0: i32) -> (i32, i32) {
    %c0_i32 = arith.constant 0 : i32
    %c0_i32_0 = arith.constant 0 : i32
    %c0_i32_1 = arith.constant 0 : i32
    return %c0_i32, %c0_i32_0 : i32, i32
  }
  func.func @transform_2(%arg0: i32) -> (i32, i32) {
    %c0_i32 = arith.constant 0 : i32
    %c0_i32_0 = arith.constant 0 : i32
    %c0_i32_1 = arith.constant 0 : i32
    return %c0_i32, %c0_i32_0 : i32, i32
  }
  func.func @transform_3(%arg0: i32) -> (i32, i32) {
    %c0_i32 = arith.constant 0 : i32
    %c0_i32_0 = arith.constant 0 : i32
    return %arg0, %c0_i32 : i32, i32
  }
}

module attributes {stable_mosaic.version = 14 : i64} {
  func.func @_lin2_body(%arg0: i32, %arg1: memref<2x5000x128xf32, #tpu.memory_space<vmem>>, %arg2: memref<128x128xf32, #tpu.memory_space<vmem>>, %arg3: memref<1x128xf32, #tpu.memory_space<vmem>>, %arg4: memref<5000x128xf32, #tpu.memory_space<vmem>>) attributes {dimension_semantics = [#tpu.dimension_semantics<arbitrary>], iteration_bounds = array<i64: 2>, scalar_prefetch = 0 : i64, scratch_operands = 0 : i64, tpu.core_type = #tpu.core_type<tc>, window_params = [{transform_indices = @transform_0, window_bounds = array<i64: 2, 5000, 128>}, {pipeline_mode = #tpu.pipeline_mode<synchronous>, transform_indices = @transform_1, window_bounds = array<i64: 128, 128>}, {pipeline_mode = #tpu.pipeline_mode<synchronous>, transform_indices = @transform_2, window_bounds = array<i64: 1, 128>}, {transform_indices = @transform_3, window_bounds = array<i64: 5000, 128>}]} {
    %get3A = arith.constant 0 : index
    %get3A_0 = arith.constant 0 : index
    %get3A_1 = arith.constant 0 : index
    %get3A_2 = vector.load %arg1[%get3A, %get3A_0, %get3A_1] : memref<2x5000x128xf32, #tpu.memory_space<vmem>>, vector<1x5000x128xf32>
    %get3A_3 = vector.shape_cast %get3A_2 : vector<1x5000x128xf32> to vector<5000x128xf32>
    %get3A_4 = arith.constant 1 : index
    %get3A_5 = arith.constant 0 : index
    %get3A_6 = arith.constant 0 : index
    %get3A_7 = vector.load %arg1[%get3A_4, %get3A_5, %get3A_6] : memref<2x5000x128xf32, #tpu.memory_space<vmem>>, vector<1x5000x128xf32>
    %get3A_8 = vector.shape_cast %get3A_7 : vector<1x5000x128xf32> to vector<5000x128xf32>
    %add3A = arith.addf %get3A_3, %get3A_8 : vector<5000x128xf32>
    %max3A = arith.constant 0.000000e+00 : f32
    %max3A_9 = vector.broadcast %max3A : f32 to vector<5000x128xf32>
    %max3A_10 = arith.maximumf %add3A, %max3A_9 : vector<5000x128xf32>
    %get3A_11 = arith.constant 0 : index
    %get3A_12 = arith.constant 0 : index
    %get3A_13 = vector.load %arg2[%get3A_11, %get3A_12] : memref<128x128xf32, #tpu.memory_space<vmem>>, vector<128x128xf32>
    %dot_general3A = arith.constant dense<0.000000e+00> : vector<5000x128xf32>
    %dot_general3A_14 = tpu.matmul %max3A_10, %get3A_13, %dot_general3A {dimension_numbers = #tpu.dot_dimension_numbers<[1], [1], [0], [0], [0, 0, 1, 0], [], []>, transpose_lhs_hint = false} : vector<5000x128xf32>, vector<128x128xf32>, vector<5000x128xf32> -> vector<5000x128xf32>
    %get3A_15 = arith.constant 0 : index
    %get3A_16 = arith.constant 0 : index
    %get3A_17 = vector.load %arg3[%get3A_15, %get3A_16] : memref<1x128xf32, #tpu.memory_space<vmem>>, vector<1x128xf32>
    %add3A_18 = vector.broadcast %get3A_17 : vector<1x128xf32> to vector<5000x128xf32>
    %add3A_19 = arith.addf %dot_general3A_14, %add3A_18 : vector<5000x128xf32>
    %swap3A = arith.constant 0 : index
    %swap3A_20 = arith.constant 0 : index
    %swap3A_21 = vector.load %arg4[%swap3A, %swap3A_20] : memref<5000x128xf32, #tpu.memory_space<vmem>>, vector<5000x128xf32>
    tpu.vector_store %arg4[%swap3A, %swap3A_20], %add3A_19 {strides = array<i32>} : memref<5000x128xf32, #tpu.memory_space<vmem>>, vector<5000x128xf32>,
    return
  }
  func.func @transform_0(%arg0: i32) -> (i32, i32, i32) {
    %c0_i32 = arith.constant 0 : i32
    %c0_i32_0 = arith.constant 0 : i32
    %c0_i32_1 = arith.constant 0 : i32
    return %c0_i32, %arg0, %c0_i32_0 : i32, i32, i32
  }
  func.func @transform_1(%arg0: i32) -> (i32, i32) {
    %c0_i32 = arith.constant 0 : i32
    %c0_i32_0 = arith.constant 0 : i32
    %c0_i32_1 = arith.constant 0 : i32
    return %c0_i32, %c0_i32_0 : i32, i32
  }
  func.func @transform_2(%arg0: i32) -> (i32, i32) {
    %c0_i32 = arith.constant 0 : i32
    %c0_i32_0 = arith.constant 0 : i32
    %c0_i32_1 = arith.constant 0 : i32
    return %c0_i32, %c0_i32_0 : i32, i32
  }
  func.func @transform_3(%arg0: i32) -> (i32, i32) {
    %c0_i32 = arith.constant 0 : i32
    %c0_i32_0 = arith.constant 0 : i32
    return %arg0, %c0_i32 : i32, i32
  }
}

</mosaic_0001>

<sc_bundles>
// kernel: kernel.5.cloned.1.call-start
scs
__scs_entry_jumppad:
0x0: {  	(pc) =	sbr.rel $0x88, $3  }
0x1: {  	(tag) =	ssettag $0x0;
	lr =	simm.s32 $0x1  }
0x2: {  	[smem:$0x3F9B] =	sst lr;
	_ =	strace $0xD0000000  }
0x3: {  	_ = 	snop  }
0x4: {  	_ = 	snop  }
0x5: {  	_ = 	snop  }
0x6: {  	_ = 	snop  }
0x7: {  	_ = 	snop  }
__scs_overlays_trampoline_lowered:
0x8: {  	[smem:$0x3FAA] =	sst s0  }
0x9: {  	[smem:$0x3FAB] =	sst s1  }
0xa: {  	[smem:$0x3FAC] =	sst s2  }
0xb: {  	[smem:$0x3FAD] =	sst s3  }
0xc: {  	[smem:$0x3FAE] =	sst s4  }
0xd: {  	[smem:$0x3FAF] =	sst s5  }
0xe: {  	[smem:$0x3FB0] =	sst s6  }
0xf: {  	[smem:$0x3FB1] =	sst s7  }
0x10: {  	[smem:$0x3FB2] =	sst s8  }
0x11: {  	[smem:$0x3FB3] =	sst s9;
	s0 =	simm.s32 @!p0 $0x0  }
0x12: {  	s1 =	sld [smem:$0x3F99];
	s0 =	simm.s32 @p0 $0x1  }
0x13: {  	[smem:$0x3FB4] =	sst s0;
	s0 =	simm.s32 @!p1 $0x0  }
0x14: {  	s2 =	sld [smem:$0x3F98];
	s0 =	simm.s32 @p1 $0x1  }
0x15: {  	[smem:$0x3FB5] =	sst s0;
	s0 =	simm.s32 @!p2 $0x0  }
0x16: {  	s3 =	sld [smem:$0x3FDB];
	s0 =	simm.s32 @p2 $0x1  }
0x17: {  	s4 =	simm.s32 $0x1BF5;
	[smem:$0x3FB7] =	sst s0  }
0x18: {  	s0 =	sld [smem:$0x3F9A];
	_ =	swait.ge [sflag:s4], $0x0  }
0x19: {  	s7 =	sld [smem:$0x3F9B]  }
0x1a: {  	s8 =	sadd.s32 $0xFFFFE003, lr  }
0x1b: {  	s9 =	sadd.s32 $0xFFFFFEF7, lr;
	s5 =	simm.s32 $0xFFFFFFFF;
	p2 =	slt.u32 s8, $0xFFFFF086  }
0x1c: {  	p1 =	slt.u32 s9, $0xF7A;
	s5 =	simm.s32 @!p2 $0x0  }
0x1d: {  	s5 =	simm.s32 @p1 $0x1;
	p0 =	seq.s32 s7, s2  }
0x1e: {  	s7 =	smul.u32 @!p0 $0xF7A, s2;
	p2 =	seq.s32 @!p0 s5, $0x0  }
0x1f: {  	s9 =	smul.u32 $0xF7A, s1;
	s8 =	simm.s32 @!p0 $0x1BF5;
	p2 =	por !p2, p0  }
0x20: {  	[sflag:s8] =	ssyncset.s32 @!p0 $0xFFFFF086;
	s6 =	sadd.s32 @!p0 s3, s7;
	s7 =	simm.s32 @!p0 $0x108  }
0x21: {  	s3 =	sadd.s32 s3, s9;
	s6 =	sadd.s32 @!p0 $0x88, s6;
	s7 =	simm.s32 @p2 $0x1082  }
0x22: {  	[simem:s7], [sflag:s8] =	dma.local @!p0 [hbm:s6], $0xF7A  }
0x23: {  	s9 =	sor.u32 $0xD0000000, s2;
	s6 =	simm.s32 $0x108;
	_ =	swait.ge @!p0 [sflag:s8], $0x0  }
0x24: {  	s3 =	sadd.s32 $0x88, s3;
	s6 =	simm.s32 @!p1 $0x1082;
	[sflag:s4] =	ssyncset.s32 $0xFFFFF086  }
0x25: {  	[simem:s6], [sflag:s4] =	dma.local [hbm:s3], $0xF7A  }
0x26: {  	[smem:$0x3F9B] =	sst s1;
	(tag) =	ssettag s2;
	_ =	strace s9  }
0x27: {  	s1 =	sld [smem:$0x3FAB]  }
0x28: {  	s2 =	sld [smem:$0x3FAC]  }
0x29: {  	s4 =	sld [smem:$0x3FAE]  }
0x2a: {  	p0 =	seq.s32 s5, $0x0;
	s5 =	sld [smem:$0x3FAF]  }
0x2b: {  	s6 =	sld [smem:$0x3FB0]  }
0x2c: {  	s7 =	sld [smem:$0x3FB1]  }
0x2d: {  	s3 =	simm.s32 $0x108;
	s8 =	sld [smem:$0x3FB2]  }
0x2e: {  	s3 =	simm.s32 @!p0 $0x1082;
	s9 =	sld [smem:$0x3FB3]  }
0x2f: {  	lr =	sadd.s32 s0, s3;
	s0 =	sld [smem:$0x3FAA]  }
0x30: {  	s3 =	sld [smem:$0x3FAD]  }
0x31: {  	[smem:$0x3FB6] =	sst s10  }
0x32: {  	s10 =	sld [smem:$0x3FB4];
	_ =	sdelay $0x3  }
0x33: {  	p0 =	seq.s32 s10, $0x1;
	s10 =	sld [smem:$0x3FB6];
	_ =	sdelay $0x3  }
0x34: {  	[smem:$0x3FB6] =	sst s10  }
0x35: {  	s10 =	sld [smem:$0x3FB5];
	_ =	sdelay $0x3  }
0x36: {  	p1 =	seq.s32 s10, $0x1;
	s10 =	sld [smem:$0x3FB6];
	_ =	sdelay $0x3  }
0x37: {  	[smem:$0x3FB6] =	sst s10  }
0x38: {  	s10 =	sld [smem:$0x3FB7]  }
0x39: {  	_ = 	snop;
	(pc) =	sbr.ind lr, $3  }
0x3a: {  	_ = 	snop  }
0x3b: {  	_ = 	snop  }
0x3c: {  	p2 =	seq.s32 s10, $0x1;
	s10 =	sld [smem:$0x3FB6]  }
0x3d: {  	_ =	shalt  }
0x3e: {  	_ =	shalt  }
0x3f: {  	_ =	shalt  }
0x40: {  	_ =	shalt  }
0x41: {  	_ =	shalt  }
0x42: {  	_ =	shalt  }
0x43: {  	_ =	shalt  }
0x44: {  	_ =	shalt  }
0x45: {  	_ =	shalt  }
0x46: {  	_ =	shalt  }
0x47: {  	_ =	shalt  }
0x48: {  	_ =	shalt  }
0x49: {  	_ =	shalt  }
0x4a: {  	_ =	shalt  }
0x4b: {  	_ =	shalt  }
0x4c: {  	_ =	shalt  }
0x4d: {  	_ =	shalt  }
0x4e: {  	_ =	shalt  }
0x4f: {  	_ =	shalt  }
0x50: {  	_ =	shalt  }
0x51: {  	_ =	shalt  }
0x52: {  	_ =	shalt  }
0x53: {  	_ =	shalt  }
0x54: {  	_ =	shalt  }
0x55: {  	_ =	shalt  }
0x56: {  	_ =	shalt  }
0x57: {  	_ =	shalt  }
0x58: {  	_ =	shalt  }
0x59: {  	_ =	shalt  }
0x5a: {  	_ =	shalt  }
0x5b: {  	_ =	shalt  }
0x5c: {  	_ =	shalt  }
0x5d: {  	_ =	shalt  }
0x5e: {  	_ =	shalt  }
0x5f: {  	_ =	shalt  }
0x60: {  	_ =	shalt  }
0x61: {  	_ =	shalt  }
0x62: {  	_ =	shalt  }
0x63: {  	_ =	shalt  }
0x64: {  	_ =	shalt  }
0x65: {  	_ =	shalt  }
0x66: {  	_ =	shalt  }
0x67: {  	_ =	shalt  }
0x68: {  	_ =	shalt  }
0x69: {  	_ =	shalt  }
0x6a: {  	_ =	shalt  }
0x6b: {  	_ =	shalt  }
0x6c: {  	_ =	shalt  }
0x6d: {  	_ =	shalt  }
0x6e: {  	_ =	shalt  }
0x6f: {  	_ =	shalt  }
0x70: {  	_ =	shalt  }
0x71: {  	_ =	shalt  }
0x72: {  	_ =	shalt  }
0x73: {  	_ =	shalt  }
0x74: {  	_ =	shalt  }
0x75: {  	_ =	shalt  }
0x76: {  	_ =	shalt  }
0x77: {  	_ =	shalt  }
0x78: {  	_ =	shalt  }
0x79: {  	_ =	shalt  }
0x7a: {  	_ =	shalt  }
0x7b: {  	_ =	shalt  }
0x7c: {  	_ =	shalt  }
0x7d: {  	_ =	shalt  }
0x7e: {  	_ =	shalt  }
0x7f: {  	_ =	shalt  }
0x80: {  	_ =	shalt  }
0x81: {  	_ =	shalt  }
0x82: {  	_ =	shalt  }
0x83: {  	_ =	shalt  }
0x84: {  	_ =	shalt  }
0x85: {  	_ =	shalt  }
0x86: {  	_ =	shalt  }
0x87: {  	_ =	shalt  }
.Lfunc_end0:
.L_simem_size_0:
called_computation_lowered:
.L_overlay_start_0:
0x88: {  	s2 =	sld [smem:$0x3FD9]  }
0x89: {  	s3 =	sld [smem:$0x3FFE];
	_ =	sdelay $0x1  }
0x8a: {  	s1 =	srdreg.scid  }
0x8b: {  	s0 =	sand.u32 $0x1, s1  }
0x8c: {  	s17 =	sshll.u32 s0, $0xA;
	s2 =	sadd.s32 s3, s2  }
0x8d: {  	s2 =	sadd.s32 s2, s17  }
0x8e: {  	[smem:$0x3FC2] =	sst s2  }
0x8f: {  	_ = 	snop  }
0x90: {  	s2 =	sld [smem:$0x3FD0];
	(tm) =	ssettm $0x1  }
0x91: {  	s18 =	sld [smem:$0x3FFB];
	_ =	sdelay $0x3  }
0x92: {  	_ =	strace s18  }
0x93: {  	s3 =	sld [smem:$0x3FFC];
	_ =	sdelay $0x3  }
0x94: {  	_ =	strace s3  }
0x95: {  	s3 =	sld [smem:$0x3FFD];
	_ =	sdelay $0x3  }
0x96: {  	_ =	strace s3  }
0x97: {  	_ =	strace $0x8FFFFFFF  }
0x98: {  	s19 =	sld [smem:$0x3FDB];
	_ =	sdelay $0x1  }
0x99: {  	s4 =	simm.s32 $_scs_section_size  }
0x9a: {  	s5 =	simm.s32 $_size__tile_overlayer_lowered;
	s6 =	simm.s32 $_tile_overlayer_lowered  }
0x9b: {  	s22 =	simm.s32 $0x1BFF;
	s21 =	sshll.u32 s6, $0x1;
	s3 =	sadd.s32 s4, s19  }
0x9c: {  	s7 =	simm.s32 $0x0;
	s20 =	sshll.u32 s5, $0x1;
	s5 =	sadd.s32 s21, s3  }
0x9d: {  	[timem:s7], [sflag:s22] =	dma.local [hbm:s5], s20  }
0x9e: {  	_ =	swait.ge [sflag:s22], s20  }
0x9f: {  	s4 =	ssub.s32 $0x0, s20;
	[sflag:s22] =	ssyncset.done $0x0  }
0xa0: {  	[sflag:s22] =	ssyncadd.s32 s4;
	_ =	sdelay $0x1  }
0xa1: {  	s23 =	simm.s32 $0x1B8B  }
0xa2: {  	_ =	swait.ge [sflag:s23], $0x1  }
0xa3: {  	[sflag:s23] =	ssyncset.done $0x0  }
0xa4: {  	s25 =	simm.s32 $0x1B8E;
	s24 =	sld [smem:$0x3FFE];
	[sflag:s23] =	ssyncadd.s32 $0xFFFFFFFF  }
0xa5: {  	s26 =	simm.s32 $execute0_lowered;
	[smem:$0x3FD2] =	sst s25  }
0xa6: {  	s5 =	sshll.u32 s26, $0x1;
	_ =	strace $0x80000046;
	[dreg:$0x1] =	wrdreg $0xFFFFFFFF  }
0xa7: {  	s28 =	simm.s32 $_size_execute0_lowered;
	s3 =	sadd.s32 s3, s5;
	[dreg:$0x0] =	wrdreg $0x0  }
0xa8: {  	s5 =	sshll.u32 s28, $0x1;
	[dreg:$0x2] =	wrdreg s3  }
0xa9: {  	[dreg:$0x3] =	wrdreg s5  }
0xaa: {  	[dreg:$0x4] =	wrdreg $0xC0  }
0xab: {  	_ =	task [dreg:s7], $0x5FFFF  }
0xac: {  	[dreg:$0x1] =	wrdreg $0xFFFFFFFF  }
0xad: {  	[dreg:$0x0] =	wrdreg $0x60  }
0xae: {  	[dreg:$0x2] =	wrdreg s2  }
0xaf: {  	[dreg:$0x3] =	wrdreg s24  }
0xb0: {  	[dreg:$0x4] =	wrdreg $0xC0000  }
0xb1: {  	[dreg:$0x5] =	wrdreg $0x9  }
0xb2: {  	_ =	task.clear_ibuf [dreg:s7], $0x6FFFF;
	_ =	strace $0x90000046  }
0xb3: {  	s29 =	simm.s32 $0x9;
	_ =	strace $0x80000048  }
0xb4: {  	_ =	swait.ge [sflag:s29], $0x1  }
0xb5: {  	[sflag:s29] =	ssyncadd.s32 $0xFFFFFFFF  }
0xb6: {  	_ =	strace $0x90000048  }
0xb7: {  	_ =	sfence  }
0xb8: {  	s30 =	sld [smem:$0x0];
	_ =	sdelay $0x2  }
0xb9: {  	s31 =	sshll.u32 s1, $0xD;
	s1 =	sshrl.u32 s1, $0x2  }
0xba: {  	s3 =	sand.u32 $0x4000, s31;
	s1 =	sadd.s32 s1, s30  }
0xbb: {  	s0 =	sor.u32 s3, s0;
	s1 =	sshll.u32 s1, $0x11  }
0xbc: {  	s0 =	sor.u32 s1, s0  }
0xbd: {  	s0 =	sadd.s32 $0x8F2B, s0  }
0xbe: {  	[sflag:s0] =	ssyncadd.remote.s32 $0x1  }
0xbf: {  	_ =	sfence.sel $0xFFFF  }
0xc0: {  	[dreg:$0x0] =	wrdreg $0xFFFFFFFF;
	(pc) =	sbr.abs _section_cstart, $3  }
0xc1: {  	[dreg:$0x1] =	wrdreg $0xFFFFFFFF  }
0xc2: {  	_ =	task.clear_ibuf [dreg:s7], $0x2FFFF;
	_ =	strace $0x9FFFFFFF  }
0xc3: {  	(tm) =	ssettm $0x7FFFFFFF  }
tec
execute0_lowered:
.L_overlay_start_1:
0x0: {  	(tag) =	ssettag $0x1  }
0x1: {  	s2 =	rddreg [dreg:$0x0]  }
0x2: {  	s0 =	srdreg.scid;
	s4 =	rddreg [dreg:$0x1]  }
0x3: {  	s24 =	rddreg [dreg:$0x3];
	s18 =	simm.s32 $0x0;
	s3 =	sand.u32 $0x1, s0  }
0x4: {  	s0 =	stileid.u32;
	[smem:$0x7FF] =	sst s18;
	s1 =	sshll.u32 s3, $0x4  }
0x5: {  	s8 =	simm.s32 $0x100;
	s5 =	sor.u32 s0, s1;
	s1 =	rddreg [dreg:$0x2]  }
0x6: {  	s9 =	simm.s32 $0x180;
	_ =	strace $0x80000047;
	[dreg:$0xa] =	wrdreg s8  }
0x7: {  	s10 =	simm.s32 $0x200;
	[dreg:$0xb] =	wrdreg s9  }
0x8: {  	s11 =	simm.s32 $0x280;
	[dreg:$0xc] =	wrdreg s10  }
0x9: {  	s12 =	simm.s32 $0x300;
	[dreg:$0xd] =	wrdreg s11  }
0xa: {  	s13 =	simm.s32 $0x380;
	[dreg:$0xe] =	wrdreg s12  }
0xb: {  	s14 =	simm.s32 $0x400;
	[dreg:$0xf] =	wrdreg s13  }
0xc: {  	s15 =	simm.s32 $0x480;
	[dreg:$0x10] =	wrdreg s14  }
0xd: {  	s16 =	simm.s32 $0x500;
	[dreg:$0x11] =	wrdreg s15  }
0xe: {  	s17 =	simm.s32 $0x580;
	[dreg:$0x12] =	wrdreg s16  }
0xf: {  	s19 =	simm.s32 $0x600;
	[dreg:$0x13] =	wrdreg s17  }
0x10: {  	s20 =	simm.s32 $0x680;
	[dreg:$0x14] =	wrdreg s19  }
0x11: {  	s21 =	simm.s32 $0x700;
	[dreg:$0x15] =	wrdreg s20  }
0x12: {  	s22 =	simm.s32 $0x780;
	[dreg:$0x16] =	wrdreg s21  }
0x13: {  	s23 =	simm.s32 $0x800;
	[dreg:$0x17] =	wrdreg s22  }
0x14: {  	s25 =	simm.s32 $0x880;
	[dreg:$0x18] =	wrdreg s23  }
0x15: {  	s26 =	simm.s32 $0x900;
	[dreg:$0x19] =	wrdreg s25  }
0x16: {  	s28 =	simm.s32 $0x980;
	[dreg:$0x1a] =	wrdreg s26  }
0x17: {  	s29 =	simm.s32 $0xA00;
	[dreg:$0x1b] =	wrdreg s28  }
0x18: {  	[dreg:$0x1c] =	wrdreg s29;
	s8 =	simm.s32 $0xC80  }
0x19: {  	s9 =	simm.s32 $0xD00;
	[smem:$0x7C5] =	sst s8  }
0x1a: {  	s10 =	simm.s32 $0xD80;
	[smem:$0x7C6] =	sst s9  }
0x1b: {  	s11 =	simm.s32 $0xE00;
	[smem:$0x7C7] =	sst s10  }
0x1c: {  	s12 =	simm.s32 $0xE80;
	[smem:$0x7C8] =	sst s11  }
0x1d: {  	s13 =	simm.s32 $0xF00;
	[smem:$0x7C9] =	sst s12  }
0x1e: {  	s14 =	simm.s32 $0xF80;
	[smem:$0x7CA] =	sst s13  }
0x1f: {  	s15 =	simm.s32 $0x1000;
	[smem:$0x7CB] =	sst s14  }
0x20: {  	s16 =	simm.s32 $0x1080;
	[smem:$0x7CC] =	sst s15  }
0x21: {  	s17 =	simm.s32 $0x1100;
	[smem:$0x7CD] =	sst s16  }
0x22: {  	s19 =	simm.s32 $0x1180;
	[smem:$0x7CE] =	sst s17  }
0x23: {  	s20 =	simm.s32 $0x1200;
	[smem:$0x7CF] =	sst s19  }
0x24: {  	s21 =	simm.s32 $0x1280;
	[smem:$0x7D0] =	sst s20  }
0x25: {  	s22 =	simm.s32 $0x1300;
	[smem:$0x7D1] =	sst s21  }
0x26: {  	s23 =	simm.s32 $0x1380;
	[smem:$0x7D2] =	sst s22  }
0x27: {  	s25 =	simm.s32 $0x1400;
	[smem:$0x7D3] =	sst s23  }
0x28: {  	s26 =	simm.s32 $0x1480;
	[smem:$0x7D4] =	sst s25  }
0x29: {  	s28 =	simm.s32 $0x1500;
	[smem:$0x7D5] =	sst s26  }
0x2a: {  	s29 =	simm.s32 $0x1580;
	[smem:$0x7D6] =	sst s28  }
0x2b: {  	[smem:$0x7D7] =	sst s29;
	s8 =	simm.s32 $0x1800  }
0x2c: {  	s9 =	simm.s32 $0x1880;
	[smem:$0x7DC] =	sst s8  }
0x2d: {  	s11 =	simm.s32 $0x1900;
	[smem:$0x7DD] =	sst s9  }
0x2e: {  	s12 =	simm.s32 $0x1980;
	[smem:$0x7DE] =	sst s11  }
0x2f: {  	s13 =	simm.s32 $0x1A00;
	[smem:$0x7DF] =	sst s12  }
0x30: {  	s14 =	simm.s32 $0x1A80;
	[smem:$0x7E0] =	sst s13  }
0x31: {  	s16 =	simm.s32 $0x1B00;
	[smem:$0x7E1] =	sst s14  }
0x32: {  	s20 =	simm.s32 $0x1B80;
	[smem:$0x7E2] =	sst s16  }
0x33: {  	s21 =	simm.s32 $0x1C00;
	[smem:$0x7E3] =	sst s20  }
0x34: {  	s23 =	simm.s32 $0x1C80;
	[smem:$0x7E4] =	sst s21  }
0x35: {  	s25 =	simm.s32 $0x1D00;
	[smem:$0x7E5] =	sst s23  }
0x36: {  	s28 =	simm.s32 $0x1E00;
	[smem:$0x7E6] =	sst s25  }
0x37: {  	s29 =	simm.s32 $0x1E80;
	[smem:$0x7E8] =	sst s28  }
0x38: {  	s8 =	simm.s32 $0x1D80;
	[smem:$0x7E9] =	sst s29  }
0x39: {  	s6 =	smul.u32 $0x3000, s5;
	s9 =	simm.s32 $0x2200;
	[smem:$0x7E7] =	sst s8  }
0x3a: {  	s5 =	smul.u32 $0x500, s5;
	s11 =	simm.s32 $0x2300;
	[smem:$0x7F0] =	sst s9  }
0x3b: {  	s10 =	smul.u32 $0x27100, s3;
	s16 =	simm.s32 $0x2400;
	[smem:$0x7F2] =	sst s11  }
0x3c: {  	s17 =	sadd.s32 $0x16A00, s4;
	s23 =	simm.s32 $0x2500;
	[smem:$0x7F4] =	sst s16  }
0x3d: {  	s19 =	smul.u32 $0x4E000, s0;
	s25 =	simm.s32 $0x2580;
	[smem:$0x7F6] =	sst s23  }
0x3e: {  	s28 =	simm.s32 $0x2600;
	s29 =	simm.s32 $0x2680;
	[smem:$0x7F7] =	sst s25  }
0x3f: {  	s6 =	sshrl.u32 s6, $0x3;
	s5 =	sadd.s32 s5, s4;
	[smem:$0x7F8] =	sst s28  }
0x40: {  	s22 =	sshrl.u32 s19, $0x2;
	s19 =	simm.s32 $0x2480;
	[smem:$0x7F9] =	sst s29  }
0x41: {  	s6 =	sadd.s32 s6, s4;
	s5 =	sadd.s32 $0xA00, s5;
	[smem:$0x7F5] =	sst s19  }
0x42: {  	s4 =	sadd.s32 s10, s4;
	s10 =	simm.s32 $0x2280;
	[dreg:$0x5] =	wrdreg s5  }
0x43: {  	p1 =	por $0x0, $0x0;
	s7 =	sadd.s32 $0xAA00, s6;
	[smem:$0x7F1] =	sst s10  }
0x44: {  	p0 =	sne.s32 s0, $0x0;
	s30 =	sadd.s32 $0xAB80, s6;
	[dreg:$0x4] =	wrdreg s7  }
0x45: {  	s3 =	ssub.s32 $0x2, s3;
	s31 =	sadd.s32 $0xAD00, s6;
	[dreg:$0x6] =	wrdreg s30  }
0x46: {  	s26 =	sshll.u32 s0, $0x6;
	s6 =	sadd.s32 $0xAE80, s6;
	[dreg:$0x7] =	wrdreg s31  }
0x47: {  	s14 =	sadd.s32 $0x19200, s4;
	s4 =	simm.s32 $0x2080;
	[dreg:$0x8] =	wrdreg s6  }
0x48: {  	s15 =	sshrl.u32 s3, $0x1;
	s7 =	simm.s32 $0x80;
	[smem:$0x7ED] =	sst s4  }
0x49: {  	s26 =	sor.u32 $0x1C06, s26;
	s30 =	simm.s32 $0xA80;
	[dreg:$0x9] =	wrdreg s7  }
0x4a: {  	s21 =	smul.u32 $0x2700, s0;
	s31 =	simm.s32 $0xB00;
	[dreg:$0x1d] =	wrdreg s30  }
0x4b: {  	s12 =	simm.s32 $0x2800;
	s6 =	simm.s32 $0xB80;
	[dreg:$0x1e] =	wrdreg s31  }
0x4c: {  	s20 =	simm.s32 $0x5;
	s21 =	sadd.s32 s21, s14;
	[dreg:$0x1f] =	wrdreg s6  }
0x4d: {  	s8 =	sadd.s32 $0x138000, s1;
	s0 =	sadd.s32 @!p0 $0x27000, s14;
	[smem:$0x7FC] =	sst s21  }
0x4e: {  	s16 =	simm.s32 $0x3400;
	s9 =	simm.s32 $0x8000;
	[smem:$0x7FD] =	sst s0  }
0x4f: {  	s11 =	simm.s32 $0x3;
	s7 =	simm.s32 $0xC00;
	s23 =	rddreg [dreg:$0x4]  }
0x50: {  	s5 =	sadd.s32 s22, s1;
	s30 =	simm.s32 $0x1600;
	[smem:$0x7C4] =	sst s7  }
0x51: {  	s10 =	simm.s32 $0x4;
	s31 =	simm.s32 $0x1680;
	[smem:$0x7D8] =	sst s30  }
0x52: {  	s13 =	sshrl.u32 s5, $0x3;
	s6 =	simm.s32 $0x1700;
	[smem:$0x7D9] =	sst s31  }
0x53: {  	s5 =	simm.s32 $0x6;
	[smem:$0x7DA] =	sst s6;
	s7 =	simm.s32 $0x1780  }
0x54: {  	s6 =	ssub.s32 s3, s15;
	s30 =	simm.s32 $0x1F00;
	[smem:$0x7DB] =	sst s7  }
0x55: {  	s31 =	simm.s32 $0x1F80;
	[smem:$0x7EA] =	sst s30;
	s22 =	smax.u32 s6, $0x1  }
0x56: {  	s3 =	simm.s32 $0x2000;
	[smem:$0x7EB] =	sst s31;
	s4 =	sadd.s32 $0xFFFFFFFF, s22  }
0x57: {  	s15 =	simm.s32 $0x2380;
	[smem:$0x7EC] =	sst s3;
	p2 =	sne.s32 s4, $0x0  }
.Ltmp0:
0x58: {  	s6 =	simm.s32 $0x2100;
	[smem:$0x7F3] =	sst s15;
	(pc) =	sbr.rel @!p2 .LBB2_1-.Ltmp0, $4  }
0x59: {  	s7 =	simm.s32 $0x2180;
	s3 =	simm.s32 $0x1;
	[smem:$0x7EE] =	sst s6  }
0x5a: {  	s30 =	simm.s32 $0x2700;
	s31 =	simm.s32 $0x2780;
	[smem:$0x7EF] =	sst s7  }
0x5b: {  	s15 =	simm.s32 $0x2;
	s6 =	sshrl.u32 @!p0 s8, $0x3;
	[smem:$0x7FA] =	sst s30  }
0x5c: {  	s7 =	simm.s32 $0x7D;
	s8 =	simm.s32 $0x4000;
	[smem:$0x7FB] =	sst s31  }
0x5d: {  	[tilespmem:s12], [sflag:$0x1] =	stream.linear.gather [hbm4b:s23+s18], $0xA00, $0x38;
	[tilespmem:$0x1F880] =	vst v63  }
0x5e: {  	s21 =	rddreg [dreg:$0x5]  }
0x5f: {  	[tilespmem:s18], [sflag:$0x5] =	stream.linear.gather [hbm4b:s21+s18], $0x2800, $0x38;
	[tilespmem:$0x1F880] =	vst v63  }
0x60: {  	[spmem:s13], [sflag:s26] =	dma.local [hbm:s17], $0x2700  }
0x61: {  	_ =	swait.ge [sflag:s5], $0x2700  }
0x62: {  	[sflag:s5] =	ssyncset.done $0x0  }
0x63: {  	[smem:$0x7C3] =	sst s4;
	s4 =	simm.s32 @!p0 $0x6;
	[sflag:s5] =	ssyncadd.s32 $0xFFFFD900  }
0x64: {  	[spmem:s6], [sflag:s26] =	dma.local @!p0 [hbm:s17], $0x100  }
0x65: {  	_ =	swait.ge @!p0 [sflag:s4], $0x100  }
0x66: {  	[sflag:s4] =	ssyncset.done @!p0 $0x0  }
0x67: {  	[sflag:s4] =	ssyncadd.s32 @!p0 $0xFFFFFF00  }
0x68: {  	_ =	swait.ge [sflag:s3], $0xA00  }
0x69: {  	[sflag:s3] =	ssyncset.done $0x0  }
0x6a: {  	[sflag:s3] =	ssyncadd.s32 $0xFFFFF600  }
0x6b: {  	_ =	swait.ge [sflag:s20], $0x2800  }
0x6c: {  	[sflag:s20] =	ssyncset.done $0x0  }
0x6d: {  	[sflag:s20] =	ssyncadd.s32 $0xFFFFD800  }
0x6e: {  	[bflag:$0x0] =	sbarrier.arrive $0xFFFF  }
0x6f: {  	[tilespmem:s8], [sflag:$0x3] =	stream.indirect.gather [hbm4b:s2+s7], $0x80, s12, s7, $0xb8;
	[tilespmem:$0x1F880] =	vst v63  }
0x70: {  	s19 =	rddreg [dreg:$0x6]  }
0x71: {  	[tilespmem:s16], [sflag:$0x2] =	stream.linear.gather [hbm4b:s19+s18], $0xA00, $0x38;
	[tilespmem:$0x1F880] =	vst v63  }
0x72: {  	s24 =	simm.s32 $0x2880  }
0x73: {  	[tilespmem:s9], [sflag:$0x4] =	stream.indirect.gather [hbm4b:s2+s7], $0x80, s24, s7, $0xb8;
	[tilespmem:$0x1F880] =	vst v63  }
0x74: {  	_ =	swait.ge [sflag:s11], $0x3E80  }
0x75: {  	[sflag:s11] =	ssyncset.done $0x0  }
0x76: {  	[sflag:s11] =	ssyncadd.s32 $0xFFFFC180  }
0x77: {  	[spmem:s1] =	stream.indirect.scatter.add.f32 [tilespmem:s8], [sflag:$0x6], $0x80, s18, s7, $0xb8;
	[tilespmem:$0x1F880] =	vst v63  }
0x78: {  	_ =	swait.ge [sflag:s5], $0x3E80  }
0x79: {  	[sflag:s5] =	ssyncset.done $0x0  }
0x7a: {  	s21 =	simm.s32 $0x2900;
	[sflag:s5] =	ssyncadd.s32 $0xFFFFC180  }
0x7b: {  	[tilespmem:s8], [sflag:$0x3] =	stream.indirect.gather [hbm4b:s2+s7], $0x80, s21, s7, $0xb8;
	[tilespmem:$0x1F880] =	vst v63  }
0x7c: {  	_ =	swait.ge [sflag:s10], $0x3E80  }
0x7d: {  	[sflag:s10] =	ssyncset.done $0x0  }
0x7e: {  	s20 =	rddreg [dreg:$0x9];
	[sflag:s10] =	ssyncadd.s32 $0xFFFFC180  }
0x7f: {  	[spmem:s1] =	stream.indirect.scatter.add.f32 [tilespmem:s9], [sflag:$0x6], $0x80, s20, s7, $0xb8;
	[tilespmem:$0x1F880] =	vst v63  }
0x80: {  	_ =	swait.ge [sflag:s5], $0x3E80  }
0x81: {  	[sflag:s5] =	ssyncset.done $0x0  }
0x82: {  	s16 =	simm.s32 $0x2980;
	[sflag:s5] =	ssyncadd.s32 $0xFFFFC180  }
0x83: {  	[tilespmem:s9], [sflag:$0x4] =	stream.indirect.gather [hbm4b:s2+s7], $0x80, s16, s7, $0xb8;
	[tilespmem:$0x1F880] =	vst v63  }
0x84: {  	_ =	swait.ge [sflag:s11], $0x3E80  }
0x85: {  	[sflag:s11] =	ssyncset.done $0x0  }
0x86: {  	s22 =	rddreg [dreg:$0xa];
	[sflag:s11] =	ssyncadd.s32 $0xFFFFC180  }
0x87: {  	[spmem:s1] =	stream.indirect.scatter.add.f32 [tilespmem:s8], [sflag:$0x6], $0x80, s22, s7, $0xb8;
	[tilespmem:$0x1F880] =	vst v63  }
0x88: {  	_ =	swait.ge [sflag:s5], $0x3E80  }
0x89: {  	[sflag:s5] =	ssyncset.done $0x0  }
0x8a: {  	[smem:$0x7C0] =	sst s13;
	s13 =	simm.s32 $0x2A00;
	[sflag:s5] =	ssyncadd.s32 $0xFFFFC180  }
0x8b: {  	[tilespmem:s8], [sflag:$0x3] =	stream.indirect.gather [hbm4b:s2+s7], $0x80, s13, s7, $0xb8;
	[tilespmem:$0x1F880] =	vst v63  }
0x8c: {  	_ =	swait.ge [sflag:s10], $0x3E80  }
0x8d: {  	[sflag:s10] =	ssyncset.done $0x0  }
0x8e: {  	s25 =	rddreg [dreg:$0xb];
	[sflag:s10] =	ssyncadd.s32 $0xFFFFC180  }
0x8f: {  	[spmem:s1] =	stream.indirect.scatter.add.f32 [tilespmem:s9], [sflag:$0x6], $0x80, s25, s7, $0xb8;
	[tilespmem:$0x1F880] =	vst v63  }
0x90: {  	_ =	swait.ge [sflag:s5], $0x3E80  }
0x91: {  	[sflag:s5] =	ssyncset.done $0x0  }
0x92: {  	s0 =	simm.s32 $0x2A80;
	[smem:$0x7BF] =	sst s17;
	[sflag:s5] =	ssyncadd.s32 $0xFFFFC180  }
0x93: {  	[tilespmem:s9], [sflag:$0x4] =	stream.indirect.gather [hbm4b:s2+s7], $0x80, s0, s7, $0xb8;
	[tilespmem:$0x1F880] =	vst v63  }
0x94: {  	_ =	swait.ge [sflag:s11], $0x3E80  }
0x95: {  	[sflag:s11] =	ssyncset.done $0x0  }
0x96: {  	s28 =	rddreg [dreg:$0xc];
	[sflag:s11] =	ssyncadd.s32 $0xFFFFC180  }
0x97: {  	[spmem:s1] =	stream.indirect.scatter.add.f32 [tilespmem:s8], [sflag:$0x6], $0x80, s28, s7, $0xb8;
	[tilespmem:$0x1F880] =	vst v63  }
0x98: {  	_ =	swait.ge [sflag:s5], $0x3E80  }
0x99: {  	[sflag:s5] =	ssyncset.done $0x0  }
0x9a: {  	s29 =	simm.s32 $0x2B00;
	[sflag:s5] =	ssyncadd.s32 $0xFFFFC180  }
0x9b: {  	[tilespmem:s8], [sflag:$0x3] =	stream.indirect.gather [hbm4b:s2+s7], $0x80, s29, s7, $0xb8;
	[tilespmem:$0x1F880] =	vst v63  }
0x9c: {  	_ =	swait.ge [sflag:s10], $0x3E80  }
0x9d: {  	[sflag:s10] =	ssyncset.done $0x0  }
0x9e: {  	s30 =	rddreg [dreg:$0xd];
	[sflag:s10] =	ssyncadd.s32 $0xFFFFC180  }
0x9f: {  	[spmem:s1] =	stream.indirect.scatter.add.f32 [tilespmem:s9], [sflag:$0x6], $0x80, s30, s7, $0xb8;
	[tilespmem:$0x1F880] =	vst v63  }
0xa0: {  	_ =	swait.ge [sflag:s5], $0x3E80  }
0xa1: {  	[sflag:s5] =	ssyncset.done $0x0  }
0xa2: {  	s31 =	simm.s32 $0x2B80;
	[sflag:s5] =	ssyncadd.s32 $0xFFFFC180  }
0xa3: {  	[tilespmem:s9], [sflag:$0x4] =	stream.indirect.gather [hbm4b:s2+s7], $0x80, s31, s7, $0xb8;
	[tilespmem:$0x1F880] =	vst v63  }
0xa4: {  	_ =	swait.ge [sflag:s11], $0x3E80  }
0xa5: {  	[sflag:s11] =	ssyncset.done $0x0  }
0xa6: {  	s0 =	rddreg [dreg:$0xe];
	[sflag:s11] =	ssyncadd.s32 $0xFFFFC180  }
0xa7: {  	[spmem:s1] =	stream.indirect.scatter.add.f32 [tilespmem:s8], [sflag:$0x6], $0x80, s0, s7, $0xb8;
	[tilespmem:$0x1F880] =	vst v63  }
0xa8: {  	_ =	swait.ge [sflag:s5], $0x3E80  }
0xa9: {  	[sflag:s5] =	ssyncset.done $0x0  }
0xaa: {  	[smem:$0x7C1] =	sst s6;
	s6 =	simm.s32 $0x2C00;
	[sflag:s5] =	ssyncadd.s32 $0xFFFFC180  }
0xab: {  	[tilespmem:s8], [sflag:$0x3] =	stream.indirect.gather [hbm4b:s2+s7], $0x80, s6, s7, $0xb8;
	[tilespmem:$0x1F880] =	vst v63  }
0xac: {  	_ =	swait.ge [sflag:s10], $0x3E80  }
0xad: {  	[sflag:s10] =	ssyncset.done $0x0  }
0xae: {  	s3 =	rddreg [dreg:$0xf];
	[sflag:s10] =	ssyncadd.s32 $0xFFFFC180  }
0xaf: {  	[spmem:s1] =	stream.indirect.scatter.add.f32 [tilespmem:s9], [sflag:$0x6], $0x80, s3, s7, $0xb8;
	[tilespmem:$0x1F880] =	vst v63  }
0xb0: {  	_ =	swait.ge [sflag:s5], $0x3E80  }
0xb1: {  	[sflag:s5] =	ssyncset.done $0x0  }
0xb2: {  	s17 =	simm.s32 $0x2C80;
	[sflag:s5] =	ssyncadd.s32 $0xFFFFC180  }
0xb3: {  	[tilespmem:s9], [sflag:$0x4] =	stream.indirect.gather [hbm4b:s2+s7], $0x80, s17, s7, $0xb8;
	[tilespmem:$0x1F880] =	vst v63  }
0xb4: {  	_ =	swait.ge [sflag:s11], $0x3E80  }
0xb5: {  	[sflag:s11] =	ssyncset.done $0x0  }
0xb6: {  	s19 =	rddreg [dreg:$0x10];
	[sflag:s11] =	ssyncadd.s32 $0xFFFFC180  }
0xb7: {  	[spmem:s1] =	stream.indirect.scatter.add.f32 [tilespmem:s8], [sflag:$0x6], $0x80, s19, s7, $0xb8;
	[tilespmem:$0x1F880] =	vst v63  }
0xb8: {  	_ =	swait.ge [sflag:s5], $0x3E80  }
0xb9: {  	[sflag:s5] =	ssyncset.done $0x0  }
0xba: {  	s20 =	simm.s32 $0x2D00;
	[sflag:s5] =	ssyncadd.s32 $0xFFFFC180  }
0xbb: {  	[tilespmem:s8], [sflag:$0x3] =	stream.indirect.gather [hbm4b:s2+s7], $0x80, s20, s7, $0xb8;
	[tilespmem:$0x1F880] =	vst v63  }
0xbc: {  	_ =	swait.ge [sflag:s10], $0x3E80  }
0xbd: {  	[sflag:s10] =	ssyncset.done $0x0  }
0xbe: {  	s22 =	rddreg [dreg:$0x11];
	[sflag:s10] =	ssyncadd.s32 $0xFFFFC180  }
0xbf: {  	[spmem:s1] =	stream.indirect.scatter.add.f32 [tilespmem:s9], [sflag:$0x6], $0x80, s22, s7, $0xb8;
	[tilespmem:$0x1F880] =	vst v63  }
0xc0: {  	_ =	swait.ge [sflag:s5], $0x3E80  }
0xc1: {  	[sflag:s5] =	ssyncset.done $0x0  }
0xc2: {  	s25 =	simm.s32 $0x2D80;
	[sflag:s5] =	ssyncadd.s32 $0xFFFFC180  }
0xc3: {  	[tilespmem:s9], [sflag:$0x4] =	stream.indirect.gather [hbm4b:s2+s7], $0x80, s25, s7, $0xb8;
	[tilespmem:$0x1F880] =	vst v63  }
0xc4: {  	_ =	swait.ge [sflag:s11], $0x3E80  }
0xc5: {  	[sflag:s11] =	ssyncset.done $0x0  }
0xc6: {  	s28 =	rddreg [dreg:$0x12];
	[sflag:s11] =	ssyncadd.s32 $0xFFFFC180  }
0xc7: {  	[spmem:s1] =	stream.indirect.scatter.add.f32 [tilespmem:s8], [sflag:$0x6], $0x80, s28, s7, $0xb8;
	[tilespmem:$0x1F880] =	vst v63  }
0xc8: {  	_ =	swait.ge [sflag:s5], $0x3E80  }
0xc9: {  	[sflag:s5] =	ssyncset.done $0x0  }
0xca: {  	s29 =	simm.s32 $0x2E00;
	[sflag:s5] =	ssyncadd.s32 $0xFFFFC180  }
0xcb: {  	[tilespmem:s8], [sflag:$0x3] =	stream.indirect.gather [hbm4b:s2+s7], $0x80, s29, s7, $0xb8;
	[tilespmem:$0x1F880] =	vst v63  }
0xcc: {  	_ =	swait.ge [sflag:s10], $0x3E80  }
0xcd: {  	[sflag:s10] =	ssyncset.done $0x0  }
0xce: {  	s30 =	rddreg [dreg:$0x13];
	[sflag:s10] =	ssyncadd.s32 $0xFFFFC180  }
0xcf: {  	[spmem:s1] =	stream.indirect.scatter.add.f32 [tilespmem:s9], [sflag:$0x6], $0x80, s30, s7, $0xb8;
	[tilespmem:$0x1F880] =	vst v63  }
0xd0: {  	_ =	swait.ge [sflag:s5], $0x3E80  }
0xd1: {  	[sflag:s5] =	ssyncset.done $0x0  }
0xd2: {  	s31 =	simm.s32 $0x2E80;
	[sflag:s5] =	ssyncadd.s32 $0xFFFFC180  }
0xd3: {  	[tilespmem:s9], [sflag:$0x4] =	stream.indirect.gather [hbm4b:s2+s7], $0x80, s31, s7, $0xb8;
	[tilespmem:$0x1F880] =	vst v63  }
0xd4: {  	_ =	swait.ge [sflag:s11], $0x3E80  }
0xd5: {  	[sflag:s11] =	ssyncset.done $0x0  }
0xd6: {  	s3 =	rddreg [dreg:$0x14];
	[sflag:s11] =	ssyncadd.s32 $0xFFFFC180  }
0xd7: {  	[spmem:s1] =	stream.indirect.scatter.add.f32 [tilespmem:s8], [sflag:$0x6], $0x80, s3, s7, $0xb8;
	[tilespmem:$0x1F880] =	vst v63  }
0xd8: {  	_ =	swait.ge [sflag:s5], $0x3E80  }
0xd9: {  	[sflag:s5] =	ssyncset.done $0x0  }
0xda: {  	s17 =	simm.s32 $0x2F00;
	[sflag:s5] =	ssyncadd.s32 $0xFFFFC180  }
0xdb: {  	[tilespmem:s8], [sflag:$0x3] =	stream.indirect.gather [hbm4b:s2+s7], $0x80, s17, s7, $0xb8;
	[tilespmem:$0x1F880] =	vst v63  }
0xdc: {  	_ =	swait.ge [sflag:s10], $0x3E80  }
0xdd: {  	[sflag:s10] =	ssyncset.done $0x0  }
0xde: {  	s19 =	rddreg [dreg:$0x15];
	[sflag:s10] =	ssyncadd.s32 $0xFFFFC180  }
0xdf: {  	[spmem:s1] =	stream.indirect.scatter.add.f32 [tilespmem:s9], [sflag:$0x6], $0x80, s19, s7, $0xb8;
	[tilespmem:$0x1F880] =	vst v63  }
0xe0: {  	_ =	swait.ge [sflag:s5], $0x3E80  }
0xe1: {  	[sflag:s5] =	ssyncset.done $0x0  }
0xe2: {  	s20 =	simm.s32 $0x2F80;
	[sflag:s5] =	ssyncadd.s32 $0xFFFFC180  }
0xe3: {  	[tilespmem:s9], [sflag:$0x4] =	stream.indirect.gather [hbm4b:s2+s7], $0x80, s20, s7, $0xb8;
	[tilespmem:$0x1F880] =	vst v63  }
0xe4: {  	_ =	swait.ge [sflag:s11], $0x3E80  }
0xe5: {  	[sflag:s11] =	ssyncset.done $0x0  }
0xe6: {  	s22 =	rddreg [dreg:$0x16];
	[sflag:s11] =	ssyncadd.s32 $0xFFFFC180  }
0xe7: {  	[spmem:s1] =	stream.indirect.scatter.add.f32 [tilespmem:s8], [sflag:$0x6], $0x80, s22, s7, $0xb8;
	[tilespmem:$0x1F880] =	vst v63  }
0xe8: {  	_ =	swait.ge [sflag:s5], $0x3E80  }
0xe9: {  	[sflag:s5] =	ssyncset.done $0x0  }
0xea: {  	s25 =	simm.s32 $0x3000;
	[sflag:s5] =	ssyncadd.s32 $0xFFFFC180  }
0xeb: {  	[tilespmem:s8], [sflag:$0x3] =	stream.indirect.gather [hbm4b:s2+s7], $0x80, s25, s7, $0xb8;
	[tilespmem:$0x1F880] =	vst v63  }
0xec: {  	_ =	swait.ge [sflag:s10], $0x3E80  }
0xed: {  	[sflag:s10] =	ssyncset.done $0x0  }
0xee: {  	s28 =	rddreg [dreg:$0x17];
	[sflag:s10] =	ssyncadd.s32 $0xFFFFC180  }
0xef: {  	[spmem:s1] =	stream.indirect.scatter.add.f32 [tilespmem:s9], [sflag:$0x6], $0x80, s28, s7, $0xb8;
	[tilespmem:$0x1F880] =	vst v63  }
0xf0: {  	_ =	swait.ge [sflag:s5], $0x3E80  }
0xf1: {  	[sflag:s5] =	ssyncset.done $0x0  }
0xf2: {  	s29 =	simm.s32 $0x3080;
	[sflag:s5] =	ssyncadd.s32 $0xFFFFC180  }
0xf3: {  	[tilespmem:s9], [sflag:$0x4] =	stream.indirect.gather [hbm4b:s2+s7], $0x80, s29, s7, $0xb8;
	[tilespmem:$0x1F880] =	vst v63  }
0xf4: {  	_ =	swait.ge [sflag:s11], $0x3E80  }
0xf5: {  	[sflag:s11] =	ssyncset.done $0x0  }
0xf6: {  	s30 =	rddreg [dreg:$0x18];
	[sflag:s11] =	ssyncadd.s32 $0xFFFFC180  }
0xf7: {  	[spmem:s1] =	stream.indirect.scatter.add.f32 [tilespmem:s8], [sflag:$0x6], $0x80, s30, s7, $0xb8;
	[tilespmem:$0x1F880] =	vst v63  }
0xf8: {  	_ =	swait.ge [sflag:s5], $0x3E80  }
0xf9: {  	[sflag:s5] =	ssyncset.done $0x0  }
0xfa: {  	s31 =	simm.s32 $0x3100;
	[sflag:s5] =	ssyncadd.s32 $0xFFFFC180  }
0xfb: {  	[tilespmem:s8], [sflag:$0x3] =	stream.indirect.gather [hbm4b:s2+s7], $0x80, s31, s7, $0xb8;
	[tilespmem:$0x1F880] =	vst v63  }
0xfc: {  	_ =	swait.ge [sflag:s10], $0x3E80  }
0xfd: {  	[sflag:s10] =	ssyncset.done $0x0  }
0xfe: {  	s0 =	rddreg [dreg:$0x19];
	[sflag:s10] =	ssyncadd.s32 $0xFFFFC180  }
0xff: {  	[spmem:s1] =	stream.indirect.scatter.add.f32 [tilespmem:s9], [sflag:$0x6], $0x80, s0, s7, $0xb8;
	[tilespmem:$0x1F880] =	vst v63  }
0x100: {  	_ =	swait.ge [sflag:s5], $0x3E80  }
0x101: {  	[sflag:s5] =	ssyncset.done $0x0  }
0x102: {  	s3 =	simm.s32 $0x3180;
	[sflag:s5] =	ssyncadd.s32 $0xFFFFC180  }
0x103: {  	[tilespmem:s9], [sflag:$0x4] =	stream.indirect.gather [hbm4b:s2+s7], $0x80, s3, s7, $0xb8;
	[tilespmem:$0x1F880] =	vst v63  }
0x104: {  	_ =	swait.ge [sflag:s11], $0x3E80  }
0x105: {  	[sflag:s11] =	ssyncset.done $0x0  }
0x106: {  	s17 =	rddreg [dreg:$0x1a];
	[sflag:s11] =	ssyncadd.s32 $0xFFFFC180  }
0x107: {  	[spmem:s1] =	stream.indirect.scatter.add.f32 [tilespmem:s8], [sflag:$0x6], $0x80, s17, s7, $0xb8;
	[tilespmem:$0x1F880] =	vst v63  }
0x108: {  	_ =	swait.ge [sflag:s5], $0x3E80  }
0x109: {  	[sflag:s5] =	ssyncset.done $0x0  }
0x10a: {  	[sflag:s5] =	ssyncadd.s32 $0xFFFFC180  }
0x10b: {  	_ =	swait.ge [sflag:s15], $0xA00  }
0x10c: {  	[sflag:s15] =	ssyncset.done $0x0  }
0x10d: {  	s14 =	simm.s32 $0x3400;
	[sflag:s15] =	ssyncadd.s32 $0xFFFFF600  }
0x10e: {  	[tilespmem:s8], [sflag:$0x3] =	stream.indirect.gather [hbm4b:s2+s7], $0x80, s14, s7, $0xb8;
	[tilespmem:$0x1F880] =	vst v63  }
0x10f: {  	_ =	swait.ge [sflag:s10], $0x3E80  }
0x110: {  	[sflag:s10] =	ssyncset.done $0x0  }
0x111: {  	s19 =	rddreg [dreg:$0x1b];
	[sflag:s10] =	ssyncadd.s32 $0xFFFFC180  }
0x112: {  	[spmem:s1] =	stream.indirect.scatter.add.f32 [tilespmem:s9], [sflag:$0x6], $0x80, s19, s7, $0xb8;
	[tilespmem:$0x1F880] =	vst v63  }
0x113: {  	_ =	swait.ge [sflag:s5], $0x3E80  }
0x114: {  	[sflag:s5] =	ssyncset.done $0x0  }
0x115: {  	s12 =	simm.s32 $0x2800;
	s20 =	rddreg [dreg:$0x7];
	[sflag:s5] =	ssyncadd.s32 $0xFFFFC180  }
0x116: {  	[tilespmem:s12], [sflag:$0x1] =	stream.linear.gather [hbm4b:s20+s18], $0xA00, $0x38;
	[tilespmem:$0x1F880] =	vst v63  }
0x117: {  	s15 =	simm.s32 $0x3480  }
0x118: {  	[tilespmem:s9], [sflag:$0x4] =	stream.indirect.gather [hbm4b:s2+s7], $0x80, s15, s7, $0xb8;
	[tilespmem:$0x1F880] =	vst v63  }
0x119: {  	_ =	swait.ge [sflag:s11], $0x3E80  }
0x11a: {  	[sflag:s11] =	ssyncset.done $0x0  }
0x11b: {  	s22 =	rddreg [dreg:$0x1c];
	[sflag:s11] =	ssyncadd.s32 $0xFFFFC180  }
0x11c: {  	[spmem:s1] =	stream.indirect.scatter.add.f32 [tilespmem:s8], [sflag:$0x6], $0x80, s22, s7, $0xb8;
	[tilespmem:$0x1F880] =	vst v63  }
0x11d: {  	_ =	swait.ge [sflag:s5], $0x3E80  }
0x11e: {  	[sflag:s5] =	ssyncset.done $0x0  }
0x11f: {  	s25 =	simm.s32 $0x3500;
	[sflag:s5] =	ssyncadd.s32 $0xFFFFC180  }
0x120: {  	[tilespmem:s8], [sflag:$0x3] =	stream.indirect.gather [hbm4b:s2+s7], $0x80, s25, s7, $0xb8;
	[tilespmem:$0x1F880] =	vst v63  }
0x121: {  	_ =	swait.ge [sflag:s10], $0x3E80  }
0x122: {  	[sflag:s10] =	ssyncset.done $0x0  }
0x123: {  	s28 =	rddreg [dreg:$0x1d];
	[sflag:s10] =	ssyncadd.s32 $0xFFFFC180  }
0x124: {  	[spmem:s1] =	stream.indirect.scatter.add.f32 [tilespmem:s9], [sflag:$0x6], $0x80, s28, s7, $0xb8;
	[tilespmem:$0x1F880] =	vst v63  }
0x125: {  	_ =	swait.ge [sflag:s5], $0x3E80  }
0x126: {  	[sflag:s5] =	ssyncset.done $0x0  }
0x127: {  	[smem:$0x7C2] =	sst s26;
	s26 =	simm.s32 $0x3580;
	[sflag:s5] =	ssyncadd.s32 $0xFFFFC180  }
0x128: {  	[tilespmem:s9], [sflag:$0x4] =	stream.indirect.gather [hbm4b:s2+s7], $0x80, s26, s7, $0xb8;
	[tilespmem:$0x1F880] =	vst v63  }
0x129: {  	_ =	swait.ge [sflag:s11], $0x3E80  }
0x12a: {  	[sflag:s11] =	ssyncset.done $0x0  }
0x12b: {  	s29 =	rddreg [dreg:$0x1e];
	[sflag:s11] =	ssyncadd.s32 $0xFFFFC180  }
0x12c: {  	[spmem:s1] =	stream.indirect.scatter.add.f32 [tilespmem:s8], [sflag:$0x6], $0x80, s29, s7, $0xb8;
	[tilespmem:$0x1F880] =	vst v63  }
0x12d: {  	_ =	swait.ge [sflag:s5], $0x3E80  }
0x12e: {  	[sflag:s5] =	ssyncset.done $0x0  }
0x12f: {  	s25 =	simm.s32 $0x3600;
	[sflag:s5] =	ssyncadd.s32 $0xFFFFC180  }
0x130: {  	[tilespmem:s8], [sflag:$0x3] =	stream.indirect.gather [hbm4b:s2+s7], $0x80, s25, s7, $0xb8;
	[tilespmem:$0x1F880] =	vst v63  }
0x131: {  	_ =	swait.ge [sflag:s10], $0x3E80  }
0x132: {  	[sflag:s10] =	ssyncset.done $0x0  }
0x133: {  	s30 =	rddreg [dreg:$0x1f];
	[sflag:s10] =	ssyncadd.s32 $0xFFFFC180  }
0x134: {  	[spmem:s1] =	stream.indirect.scatter.add.f32 [tilespmem:s9], [sflag:$0x6], $0x80, s30, s7, $0xb8;
	[tilespmem:$0x1F880] =	vst v63  }
0x135: {  	_ =	swait.ge [sflag:s5], $0x3E80  }
0x136: {  	[sflag:s5] =	ssyncset.done $0x0  }
0x137: {  	s19 =	simm.s32 $0x3680;
	[sflag:s5] =	ssyncadd.s32 $0xFFFFC180  }
0x138: {  	[tilespmem:s9], [sflag:$0x4] =	stream.indirect.gather [hbm4b:s2+s7], $0x80, s19, s7, $0xb8;
	[tilespmem:$0x1F880] =	vst v63  }
0x139: {  	_ =	swait.ge [sflag:s11], $0x3E80  }
0x13a: {  	s31 =	sld [smem:$0x7C4]  }
0x13b: {  	[sflag:s11] =	ssyncset.done $0x0  }
0x13c: {  	[sflag:s11] =	ssyncadd.s32 $0xFFFFC180  }
0x13d: {  	[spmem:s1] =	stream.indirect.scatter.add.f32 [tilespmem:s8], [sflag:$0x6], $0x80, s31, s7, $0xb8;
	[tilespmem:$0x1F880] =	vst v63  }
0x13e: {  	_ =	swait.ge [sflag:s5], $0x3E80  }
0x13f: {  	[sflag:s5] =	ssyncset.done $0x0  }
0x140: {  	s28 =	simm.s32 $0x3700;
	[sflag:s5] =	ssyncadd.s32 $0xFFFFC180  }
0x141: {  	[tilespmem:s8], [sflag:$0x3] =	stream.indirect.gather [hbm4b:s2+s7], $0x80, s28, s7, $0xb8;
	[tilespmem:$0x1F880] =	vst v63  }
0x142: {  	_ =	swait.ge [sflag:s10], $0x3E80  }
0x143: {  	s17 =	sld [smem:$0x7C5]  }
0x144: {  	[sflag:s10] =	ssyncset.done $0x0  }
0x145: {  	[sflag:s10] =	ssyncadd.s32 $0xFFFFC180  }
0x146: {  	[spmem:s1] =	stream.indirect.scatter.add.f32 [tilespmem:s9], [sflag:$0x6], $0x80, s17, s7, $0xb8;
	[tilespmem:$0x1F880] =	vst v63  }
0x147: {  	_ =	swait.ge [sflag:s5], $0x3E80  }
0x148: {  	[sflag:s5] =	ssyncset.done $0x0  }
0x149: {  	s29 =	simm.s32 $0x3780;
	[sflag:s5] =	ssyncadd.s32 $0xFFFFC180  }
0x14a: {  	[tilespmem:s9], [sflag:$0x4] =	stream.indirect.gather [hbm4b:s2+s7], $0x80, s29, s7, $0xb8;
	[tilespmem:$0x1F880] =	vst v63  }
0x14b: {  	_ =	swait.ge [sflag:s11], $0x3E80  }
0x14c: {  	s20 =	sld [smem:$0x7C6]  }
0x14d: {  	[sflag:s11] =	ssyncset.done $0x0  }
0x14e: {  	[sflag:s11] =	ssyncadd.s32 $0xFFFFC180  }
0x14f: {  	[spmem:s1] =	stream.indirect.scatter.add.f32 [tilespmem:s8], [sflag:$0x6], $0x80, s20, s7, $0xb8;
	[tilespmem:$0x1F880] =	vst v63  }
0x150: {  	_ =	swait.ge [sflag:s5], $0x3E80  }
0x151: {  	[sflag:s5] =	ssyncset.done $0x0  }
0x152: {  	s30 =	simm.s32 $0x3800;
	[sflag:s5] =	ssyncadd.s32 $0xFFFFC180  }
0x153: {  	[tilespmem:s8], [sflag:$0x3] =	stream.indirect.gather [hbm4b:s2+s7], $0x80, s30, s7, $0xb8;
	[tilespmem:$0x1F880] =	vst v63  }
0x154: {  	_ =	swait.ge [sflag:s10], $0x3E80  }
0x155: {  	s22 =	sld [smem:$0x7C7]  }
0x156: {  	[sflag:s10] =	ssyncset.done $0x0  }
0x157: {  	[sflag:s10] =	ssyncadd.s32 $0xFFFFC180  }
0x158: {  	[spmem:s1] =	stream.indirect.scatter.add.f32 [tilespmem:s9], [sflag:$0x6], $0x80, s22, s7, $0xb8;
	[tilespmem:$0x1F880] =	vst v63  }
0x159: {  	_ =	swait.ge [sflag:s5], $0x3E80  }
0x15a: {  	[sflag:s5] =	ssyncset.done $0x0  }
0x15b: {  	s31 =	simm.s32 $0x3880;
	[sflag:s5] =	ssyncadd.s32 $0xFFFFC180  }
0x15c: {  	[tilespmem:s9], [sflag:$0x4] =	stream.indirect.gather [hbm4b:s2+s7], $0x80, s31, s7, $0xb8;
	[tilespmem:$0x1F880] =	vst v63  }
0x15d: {  	_ =	swait.ge [sflag:s11], $0x3E80  }
0x15e: {  	s17 =	sld [smem:$0x7C8]  }
0x15f: {  	[sflag:s11] =	ssyncset.done $0x0  }
0x160: {  	[sflag:s11] =	ssyncadd.s32 $0xFFFFC180  }
0x161: {  	[spmem:s1] =	stream.indirect.scatter.add.f32 [tilespmem:s8], [sflag:$0x6], $0x80, s17, s7, $0xb8;
	[tilespmem:$0x1F880] =	vst v63  }
0x162: {  	_ =	swait.ge [sflag:s5], $0x3E80  }
0x163: {  	[sflag:s5] =	ssyncset.done $0x0  }
0x164: {  	s31 =	simm.s32 $0x3900;
	[sflag:s5] =	ssyncadd.s32 $0xFFFFC180  }
0x165: {  	[tilespmem:s8], [sflag:$0x3] =	stream.indirect.gather [hbm4b:s2+s7], $0x80, s31, s7, $0xb8;
	[tilespmem:$0x1F880] =	vst v63  }
0x166: {  	_ =	swait.ge [sflag:s10], $0x3E80  }
0x167: {  	s20 =	sld [smem:$0x7C9]  }
0x168: {  	[sflag:s10] =	ssyncset.done $0x0  }
0x169: {  	[sflag:s10] =	ssyncadd.s32 $0xFFFFC180  }
0x16a: {  	[spmem:s1] =	stream.indirect.scatter.add.f32 [tilespmem:s9], [sflag:$0x6], $0x80, s20, s7, $0xb8;
	[tilespmem:$0x1F880] =	vst v63  }
0x16b: {  	_ =	swait.ge [sflag:s5], $0x3E80  }
0x16c: {  	[sflag:s5] =	ssyncset.done $0x0  }
0x16d: {  	s20 =	simm.s32 $0x3980;
	[sflag:s5] =	ssyncadd.s32 $0xFFFFC180  }
0x16e: {  	[tilespmem:s9], [sflag:$0x4] =	stream.indirect.gather [hbm4b:s2+s7], $0x80, s20, s7, $0xb8;
	[tilespmem:$0x1F880] =	vst v63  }
0x16f: {  	_ =	swait.ge [sflag:s11], $0x3E80  }
0x170: {  	s22 =	sld [smem:$0x7CA]  }
0x171: {  	[sflag:s11] =	ssyncset.done $0x0  }
0x172: {  	[sflag:s11] =	ssyncadd.s32 $0xFFFFC180  }
0x173: {  	[spmem:s1] =	stream.indirect.scatter.add.f32 [tilespmem:s8], [sflag:$0x6], $0x80, s22, s7, $0xb8;
	[tilespmem:$0x1F880] =	vst v63  }
0x174: {  	_ =	swait.ge [sflag:s5], $0x3E80  }
0x175: {  	[sflag:s5] =	ssyncset.done $0x0  }
0x176: {  	s23 =	simm.s32 $0x3A00;
	[sflag:s5] =	ssyncadd.s32 $0xFFFFC180  }
0x177: {  	[tilespmem:s8], [sflag:$0x3] =	stream.indirect.gather [hbm4b:s2+s7], $0x80, s23, s7, $0xb8;
	[tilespmem:$0x1F880] =	vst v63  }
0x178: {  	_ =	swait.ge [sflag:s10], $0x3E80  }
0x179: {  	s17 =	sld [smem:$0x7CB]  }
0x17a: {  	[sflag:s10] =	ssyncset.done $0x0  }
0x17b: {  	[sflag:s10] =	ssyncadd.s32 $0xFFFFC180  }
0x17c: {  	[spmem:s1] =	stream.indirect.scatter.add.f32 [tilespmem:s9], [sflag:$0x6], $0x80, s17, s7, $0xb8;
	[tilespmem:$0x1F880] =	vst v63  }
0x17d: {  	_ =	swait.ge [sflag:s5], $0x3E80  }
0x17e: {  	[sflag:s5] =	ssyncset.done $0x0  }
0x17f: {  	s17 =	simm.s32 $0x3A80;
	[sflag:s5] =	ssyncadd.s32 $0xFFFFC180  }
0x180: {  	[tilespmem:s9], [sflag:$0x4] =	stream.indirect.gather [hbm4b:s2+s7], $0x80, s17, s7, $0xb8;
	[tilespmem:$0x1F880] =	vst v63  }
0x181: {  	_ =	swait.ge [sflag:s11], $0x3E80  }
0x182: {  	s22 =	sld [smem:$0x7CC]  }
0x183: {  	[sflag:s11] =	ssyncset.done $0x0  }
0x184: {  	[sflag:s11] =	ssyncadd.s32 $0xFFFFC180  }
0x185: {  	[spmem:s1] =	stream.indirect.scatter.add.f32 [tilespmem:s8], [sflag:$0x6], $0x80, s22, s7, $0xb8;
	[tilespmem:$0x1F880] =	vst v63  }
0x186: {  	_ =	swait.ge [sflag:s5], $0x3E80  }
0x187: {  	[sflag:s5] =	ssyncset.done $0x0  }
0x188: {  	s22 =	simm.s32 $0x3B00;
	[sflag:s5] =	ssyncadd.s32 $0xFFFFC180  }
0x189: {  	[tilespmem:s8], [sflag:$0x3] =	stream.indirect.gather [hbm4b:s2+s7], $0x80, s22, s7, $0xb8;
	[tilespmem:$0x1F880] =	vst v63  }
0x18a: {  	_ =	swait.ge [sflag:s10], $0x3E80  }
0x18b: {  	s22 =	sld [smem:$0x7CD]  }
0x18c: {  	[sflag:s10] =	ssyncset.done $0x0  }
0x18d: {  	[sflag:s10] =	ssyncadd.s32 $0xFFFFC180  }
0x18e: {  	[spmem:s1] =	stream.indirect.scatter.add.f32 [tilespmem:s9], [sflag:$0x6], $0x80, s22, s7, $0xb8;
	[tilespmem:$0x1F880] =	vst v63  }
0x18f: {  	_ =	swait.ge [sflag:s5], $0x3E80  }
0x190: {  	[sflag:s5] =	ssyncset.done $0x0  }
0x191: {  	s23 =	simm.s32 $0x3B80;
	[sflag:s5] =	ssyncadd.s32 $0xFFFFC180  }
0x192: {  	[tilespmem:s9], [sflag:$0x4] =	stream.indirect.gather [hbm4b:s2+s7], $0x80, s23, s7, $0xb8;
	[tilespmem:$0x1F880] =	vst v63  }
0x193: {  	_ =	swait.ge [sflag:s11], $0x3E80  }
0x194: {  	s22 =	sld [smem:$0x7CE]  }
0x195: {  	[sflag:s11] =	ssyncset.done $0x0  }
0x196: {  	[sflag:s11] =	ssyncadd.s32 $0xFFFFC180  }
0x197: {  	[spmem:s1] =	stream.indirect.scatter.add.f32 [tilespmem:s8], [sflag:$0x6], $0x80, s22, s7, $0xb8;
	[tilespmem:$0x1F880] =	vst v63  }
0x198: {  	_ =	swait.ge [sflag:s5], $0x3E80  }
0x199: {  	[sflag:s5] =	ssyncset.done $0x0  }
0x19a: {  	s23 =	simm.s32 $0x3C00;
	[sflag:s5] =	ssyncadd.s32 $0xFFFFC180  }
0x19b: {  	[tilespmem:s8], [sflag:$0x3] =	stream.indirect.gather [hbm4b:s2+s7], $0x80, s23, s7, $0xb8;
	[tilespmem:$0x1F880] =	vst v63  }
0x19c: {  	_ =	swait.ge [sflag:s10], $0x3E80  }
0x19d: {  	s22 =	sld [smem:$0x7CF]  }
0x19e: {  	[sflag:s10] =	ssyncset.done $0x0  }
0x19f: {  	[sflag:s10] =	ssyncadd.s32 $0xFFFFC180  }
0x1a0: {  	[spmem:s1] =	stream.indirect.scatter.add.f32 [tilespmem:s9], [sflag:$0x6], $0x80, s22, s7, $0xb8;
	[tilespmem:$0x1F880] =	vst v63  }
0x1a1: {  	_ =	swait.ge [sflag:s5], $0x3E80  }
0x1a2: {  	[sflag:s5] =	ssyncset.done $0x0  }
0x1a3: {  	s22 =	simm.s32 $0x3C80;
	[sflag:s5] =	ssyncadd.s32 $0xFFFFC180  }
0x1a4: {  	[tilespmem:s9], [sflag:$0x4] =	stream.indirect.gather [hbm4b:s2+s7], $0x80, s22, s7, $0xb8;
	[tilespmem:$0x1F880] =	vst v63  }
0x1a5: {  	_ =	swait.ge [sflag:s11], $0x3E80  }
0x1a6: {  	s23 =	sld [smem:$0x7D0]  }
0x1a7: {  	[sflag:s11] =	ssyncset.done $0x0  }
0x1a8: {  	[sflag:s11] =	ssyncadd.s32 $0xFFFFC180  }
0x1a9: {  	[spmem:s1] =	stream.indirect.scatter.add.f32 [tilespmem:s8], [sflag:$0x6], $0x80, s23, s7, $0xb8;
	[tilespmem:$0x1F880] =	vst v63  }
0x1aa: {  	_ =	swait.ge [sflag:s5], $0x3E80  }
0x1ab: {  	[sflag:s5] =	ssyncset.done $0x0  }
0x1ac: {  	s23 =	simm.s32 $0x3D00;
	[sflag:s5] =	ssyncadd.s32 $0xFFFFC180  }
0x1ad: {  	[tilespmem:s8], [sflag:$0x3] =	stream.indirect.gather [hbm4b:s2+s7], $0x80, s23, s7, $0xb8;
	[tilespmem:$0x1F880] =	vst v63  }
0x1ae: {  	_ =	swait.ge [sflag:s10], $0x3E80  }
0x1af: {  	s23 =	sld [smem:$0x7D1]  }
0x1b0: {  	[sflag:s10] =	ssyncset.done $0x0  }
0x1b1: {  	[sflag:s10] =	ssyncadd.s32 $0xFFFFC180  }
0x1b2: {  	[spmem:s1] =	stream.indirect.scatter.add.f32 [tilespmem:s9], [sflag:$0x6], $0x80, s23, s7, $0xb8;
	[tilespmem:$0x1F880] =	vst v63  }
0x1b3: {  	_ =	swait.ge [sflag:s5], $0x3E80  }
0x1b4: {  	[sflag:s5] =	ssyncset.done $0x0  }
0x1b5: {  	s23 =	simm.s32 $0x3D80;
	[sflag:s5] =	ssyncadd.s32 $0xFFFFC180  }
0x1b6: {  	[tilespmem:s9], [sflag:$0x4] =	stream.indirect.gather [hbm4b:s2+s7], $0x80, s23, s7, $0xb8;
	[tilespmem:$0x1F880] =	vst v63  }
0x1b7: {  	_ =	swait.ge [sflag:s11], $0x3E80  }
0x1b8: {  	s23 =	sld [smem:$0x7D2]  }
0x1b9: {  	[sflag:s11] =	ssyncset.done $0x0  }
0x1ba: {  	[sflag:s11] =	ssyncadd.s32 $0xFFFFC180  }
0x1bb: {  	[spmem:s1] =	stream.indirect.scatter.add.f32 [tilespmem:s8], [sflag:$0x6], $0x80, s23, s7, $0xb8;
	[tilespmem:$0x1F880] =	vst v63  }
0x1bc: {  	_ =	swait.ge [sflag:s5], $0x3E80  }
0x1bd: {  	[sflag:s5] =	ssyncset.done $0x0  }
0x1be: {  	s0 =	simm.s32 $0x1;
	[sflag:s5] =	ssyncadd.s32 $0xFFFFC180  }
0x1bf: {  	_ =	swait.ge [sflag:s0], $0xA00  }
0x1c0: {  	[sflag:s0] =	ssyncset.done $0x0  }
0x1c1: {  	[sflag:s0] =	ssyncadd.s32 $0xFFFFF600  }
0x1c2: {  	[tilespmem:s8], [sflag:$0x3] =	stream.indirect.gather [hbm4b:s2+s7], $0x80, s12, s7, $0xb8;
	[tilespmem:$0x1F880] =	vst v63  }
0x1c3: {  	_ =	swait.ge [sflag:s10], $0x3E80  }
0x1c4: {  	s0 =	sld [smem:$0x7D3]  }
0x1c5: {  	[sflag:s10] =	ssyncset.done $0x0  }
0x1c6: {  	[sflag:s10] =	ssyncadd.s32 $0xFFFFC180  }
0x1c7: {  	[spmem:s1] =	stream.indirect.scatter.add.f32 [tilespmem:s9], [sflag:$0x6], $0x80, s0, s7, $0xb8;
	[tilespmem:$0x1F880] =	vst v63  }
0x1c8: {  	_ =	swait.ge [sflag:s5], $0x3E80  }
0x1c9: {  	[sflag:s5] =	ssyncset.done $0x0  }
0x1ca: {  	s12 =	rddreg [dreg:$0x8];
	[sflag:s5] =	ssyncadd.s32 $0xFFFFC180  }
0x1cb: {  	[tilespmem:s14], [sflag:$0x2] =	stream.linear.gather [hbm4b:s12+s18], $0xA00, $0x38;
	[tilespmem:$0x1F880] =	vst v63  }
0x1cc: {  	_ = 	snop  }
0x1cd: {  	[tilespmem:s9], [sflag:$0x4] =	stream.indirect.gather [hbm4b:s2+s7], $0x80, s24, s7, $0xb8;
	[tilespmem:$0x1F880] =	vst v63  }
0x1ce: {  	_ =	swait.ge [sflag:s11], $0x3E80  }
0x1cf: {  	s18 =	sld [smem:$0x7D4]  }
0x1d0: {  	[sflag:s11] =	ssyncset.done $0x0  }
0x1d1: {  	[sflag:s11] =	ssyncadd.s32 $0xFFFFC180  }
0x1d2: {  	[spmem:s1] =	stream.indirect.scatter.add.f32 [tilespmem:s8], [sflag:$0x6], $0x80, s18, s7, $0xb8;
	[tilespmem:$0x1F880] =	vst v63  }
0x1d3: {  	_ =	swait.ge [sflag:s5], $0x3E80  }
0x1d4: {  	[sflag:s5] =	ssyncset.done $0x0  }
0x1d5: {  	[sflag:s5] =	ssyncadd.s32 $0xFFFFC180  }
0x1d6: {  	[tilespmem:s8], [sflag:$0x3] =	stream.indirect.gather [hbm4b:s2+s7], $0x80, s21, s7, $0xb8;
	[tilespmem:$0x1F880] =	vst v63  }
0x1d7: {  	_ =	swait.ge [sflag:s10], $0x3E80  }
0x1d8: {  	s21 =	sld [smem:$0x7D5]  }
0x1d9: {  	[sflag:s10] =	ssyncset.done $0x0  }
0x1da: {  	[sflag:s10] =	ssyncadd.s32 $0xFFFFC180  }
0x1db: {  	[spmem:s1] =	stream.indirect.scatter.add.f32 [tilespmem:s9], [sflag:$0x6], $0x80, s21, s7, $0xb8;
	[tilespmem:$0x1F880] =	vst v63  }
0x1dc: {  	_ =	swait.ge [sflag:s5], $0x3E80  }
0x1dd: {  	[sflag:s5] =	ssyncset.done $0x0  }
0x1de: {  	[sflag:s5] =	ssyncadd.s32 $0xFFFFC180  }
0x1df: {  	[tilespmem:s9], [sflag:$0x4] =	stream.indirect.gather [hbm4b:s2+s7], $0x80, s16, s7, $0xb8;
	[tilespmem:$0x1F880] =	vst v63  }
0x1e0: {  	_ =	swait.ge [sflag:s11], $0x3E80  }
0x1e1: {  	s24 =	sld [smem:$0x7D6]  }
0x1e2: {  	[sflag:s11] =	ssyncset.done $0x0  }
0x1e3: {  	[sflag:s11] =	ssyncadd.s32 $0xFFFFC180  }
0x1e4: {  	[spmem:s1] =	stream.indirect.scatter.add.f32 [tilespmem:s8], [sflag:$0x6], $0x80, s24, s7, $0xb8;
	[tilespmem:$0x1F880] =	vst v63  }
0x1e5: {  	_ =	swait.ge [sflag:s5], $0x3E80  }
0x1e6: {  	[sflag:s5] =	ssyncset.done $0x0  }
0x1e7: {  	[sflag:s5] =	ssyncadd.s32 $0xFFFFC180  }
0x1e8: {  	[tilespmem:s8], [sflag:$0x3] =	stream.indirect.gather [hbm4b:s2+s7], $0x80, s13, s7, $0xb8;
	[tilespmem:$0x1F880] =	vst v63  }
0x1e9: {  	s13 =	sld [smem:$0x7C0];
	_ =	swait.ge [sflag:s10], $0x3E80  }
0x1ea: {  	s0 =	sld [smem:$0x7D7]  }
0x1eb: {  	[sflag:s10] =	ssyncset.done $0x0  }
0x1ec: {  	[sflag:s10] =	ssyncadd.s32 $0xFFFFC180  }
0x1ed: {  	[spmem:s1] =	stream.indirect.scatter.add.f32 [tilespmem:s9], [sflag:$0x6], $0x80, s0, s7, $0xb8;
	[tilespmem:$0x1F880] =	vst v63  }
0x1ee: {  	_ =	swait.ge [sflag:s5], $0x3E80  }
0x1ef: {  	[sflag:s5] =	ssyncset.done $0x0  }
0x1f0: {  	s12 =	simm.s32 $0x2A80;
	[sflag:s5] =	ssyncadd.s32 $0xFFFFC180  }
0x1f1: {  	[tilespmem:s9], [sflag:$0x4] =	stream.indirect.gather [hbm4b:s2+s7], $0x80, s12, s7, $0xb8;
	[tilespmem:$0x1F880] =	vst v63  }
0x1f2: {  	_ =	swait.ge [sflag:s11], $0x3E80  }
0x1f3: {  	s14 =	sld [smem:$0x7D8]  }
0x1f4: {  	[sflag:s11] =	ssyncset.done $0x0  }
0x1f5: {  	[sflag:s11] =	ssyncadd.s32 $0xFFFFC180  }
0x1f6: {  	[spmem:s1] =	stream.indirect.scatter.add.f32 [tilespmem:s8], [sflag:$0x6], $0x80, s14, s7, $0xb8;
	[tilespmem:$0x1F880] =	vst v63  }
0x1f7: {  	_ =	swait.ge [sflag:s5], $0x3E80  }
0x1f8: {  	[sflag:s5] =	ssyncset.done $0x0  }
0x1f9: {  	s18 =	simm.s32 $0x2B00;
	[sflag:s5] =	ssyncadd.s32 $0xFFFFC180  }
0x1fa: {  	[tilespmem:s8], [sflag:$0x3] =	stream.indirect.gather [hbm4b:s2+s7], $0x80, s18, s7, $0xb8;
	[tilespmem:$0x1F880] =	vst v63  }
0x1fb: {  	_ =	swait.ge [sflag:s10], $0x3E80  }
0x1fc: {  	s21 =	sld [smem:$0x7D9]  }
0x1fd: {  	[sflag:s10] =	ssyncset.done $0x0  }
0x1fe: {  	[sflag:s10] =	ssyncadd.s32 $0xFFFFC180  }
0x1ff: {  	[spmem:s1] =	stream.indirect.scatter.add.f32 [tilespmem:s9], [sflag:$0x6], $0x80, s21, s7, $0xb8;
	[tilespmem:$0x1F880] =	vst v63  }
0x200: {  	_ =	swait.ge [sflag:s5], $0x3E80  }
0x201: {  	[sflag:s5] =	ssyncset.done $0x0  }
0x202: {  	s24 =	simm.s32 $0x2B80;
	[sflag:s5] =	ssyncadd.s32 $0xFFFFC180  }
0x203: {  	[tilespmem:s9], [sflag:$0x4] =	stream.indirect.gather [hbm4b:s2+s7], $0x80, s24, s7, $0xb8;
	[tilespmem:$0x1F880] =	vst v63  }
0x204: {  	_ =	swait.ge [sflag:s11], $0x3E80  }
0x205: {  	s12 =	sld [smem:$0x7DA]  }
0x206: {  	[sflag:s11] =	ssyncset.done $0x0  }
0x207: {  	[sflag:s11] =	ssyncadd.s32 $0xFFFFC180  }
0x208: {  	[spmem:s1] =	stream.indirect.scatter.add.f32 [tilespmem:s8], [sflag:$0x6], $0x80, s12, s7, $0xb8;
	[tilespmem:$0x1F880] =	vst v63  }
0x209: {  	_ =	swait.ge [sflag:s5], $0x3E80  }
0x20a: {  	[sflag:s5] =	ssyncset.done $0x0  }
0x20b: {  	[sflag:s5] =	ssyncadd.s32 $0xFFFFC180  }
0x20c: {  	[tilespmem:s8], [sflag:$0x3] =	stream.indirect.gather [hbm4b:s2+s7], $0x80, s6, s7, $0xb8;
	[tilespmem:$0x1F880] =	vst v63  }
0x20d: {  	s6 =	sld [smem:$0x7C1];
	_ =	swait.ge [sflag:s10], $0x3E80  }
0x20e: {  	s14 =	sld [smem:$0x7DB]  }
0x20f: {  	[sflag:s10] =	ssyncset.done $0x0  }
0x210: {  	[sflag:s10] =	ssyncadd.s32 $0xFFFFC180  }
0x211: {  	[spmem:s1] =	stream.indirect.scatter.add.f32 [tilespmem:s9], [sflag:$0x6], $0x80, s14, s7, $0xb8;
	[tilespmem:$0x1F880] =	vst v63  }
0x212: {  	_ =	swait.ge [sflag:s5], $0x3E80  }
0x213: {  	[sflag:s5] =	ssyncset.done $0x0  }
0x214: {  	s18 =	simm.s32 $0x2C80;
	[sflag:s5] =	ssyncadd.s32 $0xFFFFC180  }
0x215: {  	[tilespmem:s9], [sflag:$0x4] =	stream.indirect.gather [hbm4b:s2+s7], $0x80, s18, s7, $0xb8;
	[tilespmem:$0x1F880] =	vst v63  }
0x216: {  	_ =	swait.ge [sflag:s11], $0x3E80  }
0x217: {  	s21 =	sld [smem:$0x7DC]  }
0x218: {  	[sflag:s11] =	ssyncset.done $0x0  }
0x219: {  	[sflag:s11] =	ssyncadd.s32 $0xFFFFC180  }
0x21a: {  	[spmem:s1] =	stream.indirect.scatter.add.f32 [tilespmem:s8], [sflag:$0x6], $0x80, s21, s7, $0xb8;
	[tilespmem:$0x1F880] =	vst v63  }
0x21b: {  	_ =	swait.ge [sflag:s5], $0x3E80  }
0x21c: {  	[sflag:s5] =	ssyncset.done $0x0  }
0x21d: {  	s24 =	simm.s32 $0x2D00;
	[sflag:s5] =	ssyncadd.s32 $0xFFFFC180  }
0x21e: {  	[tilespmem:s8], [sflag:$0x3] =	stream.indirect.gather [hbm4b:s2+s7], $0x80, s24, s7, $0xb8;
	[tilespmem:$0x1F880] =	vst v63  }
0x21f: {  	_ =	swait.ge [sflag:s10], $0x3E80  }
0x220: {  	s0 =	sld [smem:$0x7DD]  }
0x221: {  	[sflag:s10] =	ssyncset.done $0x0  }
0x222: {  	[sflag:s10] =	ssyncadd.s32 $0xFFFFC180  }
0x223: {  	[spmem:s1] =	stream.indirect.scatter.add.f32 [tilespmem:s9], [sflag:$0x6], $0x80, s0, s7, $0xb8;
	[tilespmem:$0x1F880] =	vst v63  }
0x224: {  	_ =	swait.ge [sflag:s5], $0x3E80  }
0x225: {  	[sflag:s5] =	ssyncset.done $0x0  }
0x226: {  	s12 =	simm.s32 $0x2D80;
	[sflag:s5] =	ssyncadd.s32 $0xFFFFC180  }
0x227: {  	[tilespmem:s9], [sflag:$0x4] =	stream.indirect.gather [hbm4b:s2+s7], $0x80, s12, s7, $0xb8;
	[tilespmem:$0x1F880] =	vst v63  }
0x228: {  	_ =	swait.ge [sflag:s11], $0x3E80  }
0x229: {  	s14 =	sld [smem:$0x7DE]  }
0x22a: {  	[sflag:s11] =	ssyncset.done $0x0  }
0x22b: {  	[sflag:s11] =	ssyncadd.s32 $0xFFFFC180  }
0x22c: {  	[spmem:s1] =	stream.indirect.scatter.add.f32 [tilespmem:s8], [sflag:$0x6], $0x80, s14, s7, $0xb8;
	[tilespmem:$0x1F880] =	vst v63  }
0x22d: {  	_ =	swait.ge [sflag:s5], $0x3E80  }
0x22e: {  	[sflag:s5] =	ssyncset.done $0x0  }
0x22f: {  	s18 =	simm.s32 $0x2E00;
	[sflag:s5] =	ssyncadd.s32 $0xFFFFC180  }
0x230: {  	[tilespmem:s8], [sflag:$0x3] =	stream.indirect.gather [hbm4b:s2+s7], $0x80, s18, s7, $0xb8;
	[tilespmem:$0x1F880] =	vst v63  }
0x231: {  	_ =	swait.ge [sflag:s10], $0x3E80  }
0x232: {  	s21 =	sld [smem:$0x7DF]  }
0x233: {  	[sflag:s10] =	ssyncset.done $0x0  }
0x234: {  	[sflag:s10] =	ssyncadd.s32 $0xFFFFC180  }
0x235: {  	[spmem:s1] =	stream.indirect.scatter.add.f32 [tilespmem:s9], [sflag:$0x6], $0x80, s21, s7, $0xb8;
	[tilespmem:$0x1F880] =	vst v63  }
0x236: {  	_ =	swait.ge [sflag:s5], $0x3E80  }
0x237: {  	[sflag:s5] =	ssyncset.done $0x0  }
0x238: {  	s24 =	simm.s32 $0x2E80;
	[sflag:s5] =	ssyncadd.s32 $0xFFFFC180  }
0x239: {  	[tilespmem:s9], [sflag:$0x4] =	stream.indirect.gather [hbm4b:s2+s7], $0x80, s24, s7, $0xb8;
	[tilespmem:$0x1F880] =	vst v63  }
0x23a: {  	_ =	swait.ge [sflag:s11], $0x3E80  }
0x23b: {  	s0 =	sld [smem:$0x7E0]  }
0x23c: {  	[sflag:s11] =	ssyncset.done $0x0  }
0x23d: {  	[sflag:s11] =	ssyncadd.s32 $0xFFFFC180  }
0x23e: {  	[spmem:s1] =	stream.indirect.scatter.add.f32 [tilespmem:s8], [sflag:$0x6], $0x80, s0, s7, $0xb8;
	[tilespmem:$0x1F880] =	vst v63  }
0x23f: {  	_ =	swait.ge [sflag:s5], $0x3E80  }
0x240: {  	[sflag:s5] =	ssyncset.done $0x0  }
0x241: {  	s12 =	simm.s32 $0x2F00;
	[sflag:s5] =	ssyncadd.s32 $0xFFFFC180  }
0x242: {  	[tilespmem:s8], [sflag:$0x3] =	stream.indirect.gather [hbm4b:s2+s7], $0x80, s12, s7, $0xb8;
	[tilespmem:$0x1F880] =	vst v63  }
0x243: {  	_ =	swait.ge [sflag:s10], $0x3E80  }
0x244: {  	s14 =	sld [smem:$0x7E1]  }
0x245: {  	[sflag:s10] =	ssyncset.done $0x0  }
0x246: {  	[sflag:s10] =	ssyncadd.s32 $0xFFFFC180  }
0x247: {  	[spmem:s1] =	stream.indirect.scatter.add.f32 [tilespmem:s9], [sflag:$0x6], $0x80, s14, s7, $0xb8;
	[tilespmem:$0x1F880] =	vst v63  }
0x248: {  	_ =	swait.ge [sflag:s5], $0x3E80  }
0x249: {  	[sflag:s5] =	ssyncset.done $0x0  }
0x24a: {  	s18 =	simm.s32 $0x2F80;
	[sflag:s5] =	ssyncadd.s32 $0xFFFFC180  }
0x24b: {  	[tilespmem:s9], [sflag:$0x4] =	stream.indirect.gather [hbm4b:s2+s7], $0x80, s18, s7, $0xb8;
	[tilespmem:$0x1F880] =	vst v63  }
0x24c: {  	_ =	swait.ge [sflag:s11], $0x3E80  }
0x24d: {  	s21 =	sld [smem:$0x7E2]  }
0x24e: {  	[sflag:s11] =	ssyncset.done $0x0  }
0x24f: {  	[sflag:s11] =	ssyncadd.s32 $0xFFFFC180  }
0x250: {  	[spmem:s1] =	stream.indirect.scatter.add.f32 [tilespmem:s8], [sflag:$0x6], $0x80, s21, s7, $0xb8;
	[tilespmem:$0x1F880] =	vst v63  }
0x251: {  	_ =	swait.ge [sflag:s5], $0x3E80  }
0x252: {  	[sflag:s5] =	ssyncset.done $0x0  }
0x253: {  	s24 =	simm.s32 $0x3000;
	[sflag:s5] =	ssyncadd.s32 $0xFFFFC180  }
0x254: {  	[tilespmem:s8], [sflag:$0x3] =	stream.indirect.gather [hbm4b:s2+s7], $0x80, s24, s7, $0xb8;
	[tilespmem:$0x1F880] =	vst v63  }
0x255: {  	_ =	swait.ge [sflag:s10], $0x3E80  }
0x256: {  	s0 =	sld [smem:$0x7E3]  }
0x257: {  	[sflag:s10] =	ssyncset.done $0x0  }
0x258: {  	[sflag:s10] =	ssyncadd.s32 $0xFFFFC180  }
0x259: {  	[spmem:s1] =	stream.indirect.scatter.add.f32 [tilespmem:s9], [sflag:$0x6], $0x80, s0, s7, $0xb8;
	[tilespmem:$0x1F880] =	vst v63  }
0x25a: {  	_ =	swait.ge [sflag:s5], $0x3E80  }
0x25b: {  	[sflag:s5] =	ssyncset.done $0x0  }
0x25c: {  	s12 =	simm.s32 $0x3080;
	[sflag:s5] =	ssyncadd.s32 $0xFFFFC180  }
0x25d: {  	[tilespmem:s9], [sflag:$0x4] =	stream.indirect.gather [hbm4b:s2+s7], $0x80, s12, s7, $0xb8;
	[tilespmem:$0x1F880] =	vst v63  }
0x25e: {  	_ =	swait.ge [sflag:s11], $0x3E80  }
0x25f: {  	s14 =	sld [smem:$0x7E4]  }
0x260: {  	[sflag:s11] =	ssyncset.done $0x0  }
0x261: {  	[sflag:s11] =	ssyncadd.s32 $0xFFFFC180  }
0x262: {  	[spmem:s1] =	stream.indirect.scatter.add.f32 [tilespmem:s8], [sflag:$0x6], $0x80, s14, s7, $0xb8;
	[tilespmem:$0x1F880] =	vst v63  }
0x263: {  	_ =	swait.ge [sflag:s5], $0x3E80  }
0x264: {  	[sflag:s5] =	ssyncset.done $0x0  }
0x265: {  	s18 =	simm.s32 $0x3100;
	[sflag:s5] =	ssyncadd.s32 $0xFFFFC180  }
0x266: {  	[tilespmem:s8], [sflag:$0x3] =	stream.indirect.gather [hbm4b:s2+s7], $0x80, s18, s7, $0xb8;
	[tilespmem:$0x1F880] =	vst v63  }
0x267: {  	_ =	swait.ge [sflag:s10], $0x3E80  }
0x268: {  	s21 =	sld [smem:$0x7E5]  }
0x269: {  	[sflag:s10] =	ssyncset.done $0x0  }
0x26a: {  	[sflag:s10] =	ssyncadd.s32 $0xFFFFC180  }
0x26b: {  	[spmem:s1] =	stream.indirect.scatter.add.f32 [tilespmem:s9], [sflag:$0x6], $0x80, s21, s7, $0xb8;
	[tilespmem:$0x1F880] =	vst v63  }
0x26c: {  	_ =	swait.ge [sflag:s5], $0x3E80  }
0x26d: {  	[sflag:s5] =	ssyncset.done $0x0  }
0x26e: {  	s23 =	simm.s32 $0x3180;
	[sflag:s5] =	ssyncadd.s32 $0xFFFFC180  }
0x26f: {  	[tilespmem:s9], [sflag:$0x4] =	stream.indirect.gather [hbm4b:s2+s7], $0x80, s23, s7, $0xb8;
	[tilespmem:$0x1F880] =	vst v63  }
0x270: {  	_ =	swait.ge [sflag:s11], $0x3E80  }
0x271: {  	s24 =	sld [smem:$0x7E6]  }
0x272: {  	[sflag:s11] =	ssyncset.done $0x0  }
0x273: {  	[sflag:s11] =	ssyncadd.s32 $0xFFFFC180  }
0x274: {  	[spmem:s1] =	stream.indirect.scatter.add.f32 [tilespmem:s8], [sflag:$0x6], $0x80, s24, s7, $0xb8;
	[tilespmem:$0x1F880] =	vst v63  }
0x275: {  	_ =	swait.ge [sflag:s5], $0x3E80  }
0x276: {  	[sflag:s5] =	ssyncset.done $0x0  }
0x277: {  	s3 =	simm.s32 $0x2;
	[sflag:s5] =	ssyncadd.s32 $0xFFFFC180  }
0x278: {  	_ =	swait.ge [sflag:s3], $0xA00  }
0x279: {  	[sflag:s3] =	ssyncset.done $0x0  }
0x27a: {  	s16 =	simm.s32 $0x3400;
	[sflag:s3] =	ssyncadd.s32 $0xFFFFF600  }
0x27b: {  	[tilespmem:s8], [sflag:$0x3] =	stream.indirect.gather [hbm4b:s2+s7], $0x80, s16, s7, $0xb8;
	[tilespmem:$0x1F880] =	vst v63  }
0x27c: {  	_ =	swait.ge [sflag:s10], $0x3E80  }
0x27d: {  	s0 =	sld [smem:$0x7E7]  }
0x27e: {  	[sflag:s10] =	ssyncset.done $0x0  }
0x27f: {  	[sflag:s10] =	ssyncadd.s32 $0xFFFFC180  }
0x280: {  	[spmem:s1] =	stream.indirect.scatter.add.f32 [tilespmem:s9], [sflag:$0x6], $0x80, s0, s7, $0xb8;
	[tilespmem:$0x1F880] =	vst v63  }
0x281: {  	_ =	swait.ge [sflag:s5], $0x3E80  }
0x282: {  	[sflag:s5] =	ssyncset.done $0x0  }
0x283: {  	[sflag:s5] =	ssyncadd.s32 $0xFFFFC180  }
0x284: {  	[tilespmem:s9], [sflag:$0x4] =	stream.indirect.gather [hbm4b:s2+s7], $0x80, s15, s7, $0xb8;
	[tilespmem:$0x1F880] =	vst v63  }
0x285: {  	_ =	swait.ge [sflag:s11], $0x3E80  }
0x286: {  	s3 =	sld [smem:$0x7E8]  }
0x287: {  	[sflag:s11] =	ssyncset.done $0x0  }
0x288: {  	[sflag:s11] =	ssyncadd.s32 $0xFFFFC180  }
0x289: {  	[spmem:s1] =	stream.indirect.scatter.add.f32 [tilespmem:s8], [sflag:$0x6], $0x80, s3, s7, $0xb8;
	[tilespmem:$0x1F880] =	vst v63  }
0x28a: {  	_ =	swait.ge [sflag:s5], $0x3E80  }
0x28b: {  	[sflag:s5] =	ssyncset.done $0x0  }
0x28c: {  	s12 =	simm.s32 $0x3500;
	[sflag:s5] =	ssyncadd.s32 $0xFFFFC180  }
0x28d: {  	[tilespmem:s8], [sflag:$0x3] =	stream.indirect.gather [hbm4b:s2+s7], $0x80, s12, s7, $0xb8;
	[tilespmem:$0x1F880] =	vst v63  }
0x28e: {  	_ =	swait.ge [sflag:s10], $0x3E80  }
0x28f: {  	s14 =	sld [smem:$0x7E9]  }
0x290: {  	[sflag:s10] =	ssyncset.done $0x0  }
0x291: {  	[sflag:s10] =	ssyncadd.s32 $0xFFFFC180  }
0x292: {  	[spmem:s1] =	stream.indirect.scatter.add.f32 [tilespmem:s9], [sflag:$0x6], $0x80, s14, s7, $0xb8;
	[tilespmem:$0x1F880] =	vst v63  }
0x293: {  	_ =	swait.ge [sflag:s5], $0x3E80  }
0x294: {  	[sflag:s5] =	ssyncset.done $0x0  }
0x295: {  	[sflag:s5] =	ssyncadd.s32 $0xFFFFC180  }
0x296: {  	[tilespmem:s9], [sflag:$0x4] =	stream.indirect.gather [hbm4b:s2+s7], $0x80, s26, s7, $0xb8;
	[tilespmem:$0x1F880] =	vst v63  }
0x297: {  	s26 =	sld [smem:$0x7C2];
	_ =	swait.ge [sflag:s11], $0x3E80  }
0x298: {  	s15 =	sld [smem:$0x7EA]  }
0x299: {  	[sflag:s11] =	ssyncset.done $0x0  }
0x29a: {  	[sflag:s11] =	ssyncadd.s32 $0xFFFFC180  }
0x29b: {  	[spmem:s1] =	stream.indirect.scatter.add.f32 [tilespmem:s8], [sflag:$0x6], $0x80, s15, s7, $0xb8;
	[tilespmem:$0x1F880] =	vst v63  }
0x29c: {  	_ =	swait.ge [sflag:s5], $0x3E80  }
0x29d: {  	[sflag:s5] =	ssyncset.done $0x0  }
0x29e: {  	[sflag:s5] =	ssyncadd.s32 $0xFFFFC180  }
0x29f: {  	[tilespmem:s8], [sflag:$0x3] =	stream.indirect.gather [hbm4b:s2+s7], $0x80, s25, s7, $0xb8;
	[tilespmem:$0x1F880] =	vst v63  }
0x2a0: {  	_ =	swait.ge [sflag:s10], $0x3E80  }
0x2a1: {  	s18 =	sld [smem:$0x7EB]  }
0x2a2: {  	[sflag:s10] =	ssyncset.done $0x0  }
0x2a3: {  	[sflag:s10] =	ssyncadd.s32 $0xFFFFC180  }
0x2a4: {  	[spmem:s1] =	stream.indirect.scatter.add.f32 [tilespmem:s9], [sflag:$0x6], $0x80, s18, s7, $0xb8;
	[tilespmem:$0x1F880] =	vst v63  }
0x2a5: {  	_ =	swait.ge [sflag:s5], $0x3E80  }
0x2a6: {  	[sflag:s5] =	ssyncset.done $0x0  }
0x2a7: {  	[sflag:s5] =	ssyncadd.s32 $0xFFFFC180  }
0x2a8: {  	[tilespmem:s9], [sflag:$0x4] =	stream.indirect.gather [hbm4b:s2+s7], $0x80, s19, s7, $0xb8;
	[tilespmem:$0x1F880] =	vst v63  }
0x2a9: {  	_ =	swait.ge [sflag:s11], $0x3E80  }
0x2aa: {  	s21 =	sld [smem:$0x7EC]  }
0x2ab: {  	[sflag:s11] =	ssyncset.done $0x0  }
0x2ac: {  	[sflag:s11] =	ssyncadd.s32 $0xFFFFC180  }
0x2ad: {  	[spmem:s1] =	stream.indirect.scatter.add.f32 [tilespmem:s8], [sflag:$0x6], $0x80, s21, s7, $0xb8;
	[tilespmem:$0x1F880] =	vst v63  }
0x2ae: {  	_ =	swait.ge [sflag:s5], $0x3E80  }
0x2af: {  	[sflag:s5] =	ssyncset.done $0x0  }
0x2b0: {  	[sflag:s5] =	ssyncadd.s32 $0xFFFFC180  }
0x2b1: {  	[tilespmem:s8], [sflag:$0x3] =	stream.indirect.gather [hbm4b:s2+s7], $0x80, s28, s7, $0xb8;
	[tilespmem:$0x1F880] =	vst v63  }
0x2b2: {  	_ =	swait.ge [sflag:s10], $0x3E80  }
0x2b3: {  	s24 =	sld [smem:$0x7ED]  }
0x2b4: {  	[sflag:s10] =	ssyncset.done $0x0  }
0x2b5: {  	[sflag:s10] =	ssyncadd.s32 $0xFFFFC180  }
0x2b6: {  	[spmem:s1] =	stream.indirect.scatter.add.f32 [tilespmem:s9], [sflag:$0x6], $0x80, s24, s7, $0xb8;
	[tilespmem:$0x1F880] =	vst v63  }
0x2b7: {  	_ =	swait.ge [sflag:s5], $0x3E80  }
0x2b8: {  	[sflag:s5] =	ssyncset.done $0x0  }
0x2b9: {  	[sflag:s5] =	ssyncadd.s32 $0xFFFFC180  }
0x2ba: {  	[tilespmem:s9], [sflag:$0x4] =	stream.indirect.gather [hbm4b:s2+s7], $0x80, s29, s7, $0xb8;
	[tilespmem:$0x1F880] =	vst v63  }
0x2bb: {  	_ =	swait.ge [sflag:s11], $0x3E80  }
0x2bc: {  	s25 =	sld [smem:$0x7EE]  }
0x2bd: {  	[sflag:s11] =	ssyncset.done $0x0  }
0x2be: {  	[sflag:s11] =	ssyncadd.s32 $0xFFFFC180  }
0x2bf: {  	[spmem:s1] =	stream.indirect.scatter.add.f32 [tilespmem:s8], [sflag:$0x6], $0x80, s25, s7, $0xb8;
	[tilespmem:$0x1F880] =	vst v63  }
0x2c0: {  	_ =	swait.ge [sflag:s5], $0x3E80  }
0x2c1: {  	[sflag:s5] =	ssyncset.done $0x0  }
0x2c2: {  	[sflag:s5] =	ssyncadd.s32 $0xFFFFC180  }
0x2c3: {  	[tilespmem:s8], [sflag:$0x3] =	stream.indirect.gather [hbm4b:s2+s7], $0x80, s30, s7, $0xb8;
	[tilespmem:$0x1F880] =	vst v63  }
0x2c4: {  	_ =	swait.ge [sflag:s10], $0x3E80  }
0x2c5: {  	s28 =	sld [smem:$0x7EF]  }
0x2c6: {  	[sflag:s10] =	ssyncset.done $0x0  }
0x2c7: {  	[sflag:s10] =	ssyncadd.s32 $0xFFFFC180  }
0x2c8: {  	[spmem:s1] =	stream.indirect.scatter.add.f32 [tilespmem:s9], [sflag:$0x6], $0x80, s28, s7, $0xb8;
	[tilespmem:$0x1F880] =	vst v63  }
0x2c9: {  	_ =	swait.ge [sflag:s5], $0x3E80  }
0x2ca: {  	[sflag:s5] =	ssyncset.done $0x0  }
0x2cb: {  	s29 =	simm.s32 $0x3880;
	[sflag:s5] =	ssyncadd.s32 $0xFFFFC180  }
0x2cc: {  	[tilespmem:s9], [sflag:$0x4] =	stream.indirect.gather [hbm4b:s2+s7], $0x80, s29, s7, $0xb8;
	[tilespmem:$0x1F880] =	vst v63  }
0x2cd: {  	_ =	swait.ge [sflag:s11], $0x3E80  }
0x2ce: {  	s30 =	sld [smem:$0x7F0]  }
0x2cf: {  	[sflag:s11] =	ssyncset.done $0x0  }
0x2d0: {  	[sflag:s11] =	ssyncadd.s32 $0xFFFFC180  }
0x2d1: {  	[spmem:s1] =	stream.indirect.scatter.add.f32 [tilespmem:s8], [sflag:$0x6], $0x80, s30, s7, $0xb8;
	[tilespmem:$0x1F880] =	vst v63  }
0x2d2: {  	_ =	swait.ge [sflag:s5], $0x3E80  }
0x2d3: {  	[sflag:s5] =	ssyncset.done $0x0  }
0x2d4: {  	[sflag:s5] =	ssyncadd.s32 $0xFFFFC180  }
0x2d5: {  	[tilespmem:s8], [sflag:$0x3] =	stream.indirect.gather [hbm4b:s2+s7], $0x80, s31, s7, $0xb8;
	[tilespmem:$0x1F880] =	vst v63  }
0x2d6: {  	_ =	swait.ge [sflag:s10], $0x3E80  }
0x2d7: {  	s31 =	sld [smem:$0x7F1]  }
0x2d8: {  	[sflag:s10] =	ssyncset.done $0x0  }
0x2d9: {  	[sflag:s10] =	ssyncadd.s32 $0xFFFFC180  }
0x2da: {  	[spmem:s1] =	stream.indirect.scatter.add.f32 [tilespmem:s9], [sflag:$0x6], $0x80, s31, s7, $0xb8;
	[tilespmem:$0x1F880] =	vst v63  }
0x2db: {  	_ =	swait.ge [sflag:s5], $0x3E80  }
0x2dc: {  	[sflag:s5] =	ssyncset.done $0x0  }
0x2dd: {  	[sflag:s5] =	ssyncadd.s32 $0xFFFFC180  }
0x2de: {  	[tilespmem:s9], [sflag:$0x4] =	stream.indirect.gather [hbm4b:s2+s7], $0x80, s20, s7, $0xb8;
	[tilespmem:$0x1F880] =	vst v63  }
0x2df: {  	_ =	swait.ge [sflag:s11], $0x3E80  }
0x2e0: {  	s0 =	sld [smem:$0x7F2]  }
0x2e1: {  	[sflag:s11] =	ssyncset.done $0x0  }
0x2e2: {  	[sflag:s11] =	ssyncadd.s32 $0xFFFFC180  }
0x2e3: {  	[spmem:s1] =	stream.indirect.scatter.add.f32 [tilespmem:s8], [sflag:$0x6], $0x80, s0, s7, $0xb8;
	[tilespmem:$0x1F880] =	vst v63  }
0x2e4: {  	_ =	swait.ge [sflag:s5], $0x3E80  }
0x2e5: {  	[sflag:s5] =	ssyncset.done $0x0  }
0x2e6: {  	s3 =	simm.s32 $0x3A00;
	[sflag:s5] =	ssyncadd.s32 $0xFFFFC180  }
0x2e7: {  	[tilespmem:s8], [sflag:$0x3] =	stream.indirect.gather [hbm4b:s2+s7], $0x80, s3, s7, $0xb8;
	[tilespmem:$0x1F880] =	vst v63  }
0x2e8: {  	_ =	swait.ge [sflag:s10], $0x3E80  }
0x2e9: {  	s12 =	sld [smem:$0x7F3]  }
0x2ea: {  	[sflag:s10] =	ssyncset.done $0x0  }
0x2eb: {  	[sflag:s10] =	ssyncadd.s32 $0xFFFFC180  }
0x2ec: {  	[spmem:s1] =	stream.indirect.scatter.add.f32 [tilespmem:s9], [sflag:$0x6], $0x80, s12, s7, $0xb8;
	[tilespmem:$0x1F880] =	vst v63  }
0x2ed: {  	_ =	swait.ge [sflag:s5], $0x3E80  }
0x2ee: {  	[sflag:s5] =	ssyncset.done $0x0  }
0x2ef: {  	[sflag:s5] =	ssyncadd.s32 $0xFFFFC180  }
0x2f0: {  	[tilespmem:s9], [sflag:$0x4] =	stream.indirect.gather [hbm4b:s2+s7], $0x80, s17, s7, $0xb8;
	[tilespmem:$0x1F880] =	vst v63  }
0x2f1: {  	_ =	swait.ge [sflag:s11], $0x3E80  }
0x2f2: {  	s14 =	sld [smem:$0x7F4]  }
0x2f3: {  	[sflag:s11] =	ssyncset.done $0x0  }
0x2f4: {  	[sflag:s11] =	ssyncadd.s32 $0xFFFFC180  }
0x2f5: {  	[spmem:s1] =	stream.indirect.scatter.add.f32 [tilespmem:s8], [sflag:$0x6], $0x80, s14, s7, $0xb8;
	[tilespmem:$0x1F880] =	vst v63  }
0x2f6: {  	_ =	swait.ge [sflag:s5], $0x3E80  }
0x2f7: {  	[sflag:s5] =	ssyncset.done $0x0  }
0x2f8: {  	s15 =	simm.s32 $0x3B00;
	[sflag:s5] =	ssyncadd.s32 $0xFFFFC180  }
0x2f9: {  	[tilespmem:s8], [sflag:$0x3] =	stream.indirect.gather [hbm4b:s2+s7], $0x80, s15, s7, $0xb8;
	[tilespmem:$0x1F880] =	vst v63  }
0x2fa: {  	_ =	swait.ge [sflag:s10], $0x3E80  }
0x2fb: {  	s17 =	sld [smem:$0x7F5]  }
0x2fc: {  	[sflag:s10] =	ssyncset.done $0x0  }
0x2fd: {  	[sflag:s10] =	ssyncadd.s32 $0xFFFFC180  }
0x2fe: {  	[spmem:s1] =	stream.indirect.scatter.add.f32 [tilespmem:s9], [sflag:$0x6], $0x80, s17, s7, $0xb8;
	[tilespmem:$0x1F880] =	vst v63  }
0x2ff: {  	_ =	swait.ge [sflag:s5], $0x3E80  }
0x300: {  	[sflag:s5] =	ssyncset.done $0x0  }
0x301: {  	s18 =	simm.s32 $0x3B80;
	[sflag:s5] =	ssyncadd.s32 $0xFFFFC180  }
0x302: {  	[tilespmem:s9], [sflag:$0x4] =	stream.indirect.gather [hbm4b:s2+s7], $0x80, s18, s7, $0xb8;
	[tilespmem:$0x1F880] =	vst v63  }
0x303: {  	_ =	swait.ge [sflag:s11], $0x3E80  }
0x304: {  	s19 =	sld [smem:$0x7F6]  }
0x305: {  	[sflag:s11] =	ssyncset.done $0x0  }
0x306: {  	[sflag:s11] =	ssyncadd.s32 $0xFFFFC180  }
0x307: {  	[spmem:s1] =	stream.indirect.scatter.add.f32 [tilespmem:s8], [sflag:$0x6], $0x80, s19, s7, $0xb8;
	[tilespmem:$0x1F880] =	vst v63  }
0x308: {  	_ =	swait.ge [sflag:s5], $0x3E80  }
0x309: {  	[sflag:s5] =	ssyncset.done $0x0  }
0x30a: {  	s20 =	simm.s32 $0x3C00;
	[sflag:s5] =	ssyncadd.s32 $0xFFFFC180  }
0x30b: {  	[tilespmem:s8], [sflag:$0x3] =	stream.indirect.gather [hbm4b:s2+s7], $0x80, s20, s7, $0xb8;
	[tilespmem:$0x1F880] =	vst v63  }
0x30c: {  	_ =	swait.ge [sflag:s10], $0x3E80  }
0x30d: {  	s21 =	sld [smem:$0x7F7]  }
0x30e: {  	[sflag:s10] =	ssyncset.done $0x0  }
0x30f: {  	[sflag:s10] =	ssyncadd.s32 $0xFFFFC180  }
0x310: {  	[spmem:s1] =	stream.indirect.scatter.add.f32 [tilespmem:s9], [sflag:$0x6], $0x80, s21, s7, $0xb8;
	[tilespmem:$0x1F880] =	vst v63  }
0x311: {  	_ =	swait.ge [sflag:s5], $0x3E80  }
0x312: {  	[sflag:s5] =	ssyncset.done $0x0  }
0x313: {  	[sflag:s5] =	ssyncadd.s32 $0xFFFFC180  }
0x314: {  	[tilespmem:s9], [sflag:$0x4] =	stream.indirect.gather [hbm4b:s2+s7], $0x80, s22, s7, $0xb8;
	[tilespmem:$0x1F880] =	vst v63  }
0x315: {  	_ =	swait.ge [sflag:s11], $0x3E80  }
0x316: {  	s22 =	sld [smem:$0x7F8]  }
0x317: {  	[sflag:s11] =	ssyncset.done $0x0  }
0x318: {  	[sflag:s11] =	ssyncadd.s32 $0xFFFFC180  }
0x319: {  	[spmem:s1] =	stream.indirect.scatter.add.f32 [tilespmem:s8], [sflag:$0x6], $0x80, s22, s7, $0xb8;
	[tilespmem:$0x1F880] =	vst v63  }
0x31a: {  	_ =	swait.ge [sflag:s5], $0x3E80  }
0x31b: {  	[sflag:s5] =	ssyncset.done $0x0  }
0x31c: {  	s23 =	simm.s32 $0x3D00;
	[sflag:s5] =	ssyncadd.s32 $0xFFFFC180  }
0x31d: {  	[tilespmem:s8], [sflag:$0x3] =	stream.indirect.gather [hbm4b:s2+s7], $0x80, s23, s7, $0xb8;
	[tilespmem:$0x1F880] =	vst v63  }
0x31e: {  	_ =	swait.ge [sflag:s10], $0x3E80  }
0x31f: {  	s24 =	sld [smem:$0x7F9]  }
0x320: {  	[sflag:s10] =	ssyncset.done $0x0  }
0x321: {  	[sflag:s10] =	ssyncadd.s32 $0xFFFFC180  }
0x322: {  	[spmem:s1] =	stream.indirect.scatter.add.f32 [tilespmem:s9], [sflag:$0x6], $0x80, s24, s7, $0xb8;
	[tilespmem:$0x1F880] =	vst v63  }
0x323: {  	_ =	swait.ge [sflag:s5], $0x3E80  }
0x324: {  	[sflag:s5] =	ssyncset.done $0x0  }
0x325: {  	s25 =	simm.s32 $0x3D80;
	[sflag:s5] =	ssyncadd.s32 $0xFFFFC180  }
0x326: {  	[tilespmem:s9], [sflag:$0x4] =	stream.indirect.gather [hbm4b:s2+s7], $0x80, s25, s7, $0xb8;
	[tilespmem:$0x1F880] =	vst v63  }
0x327: {  	_ =	swait.ge [sflag:s11], $0x3E80  }
0x328: {  	s28 =	sld [smem:$0x7FA]  }
0x329: {  	[sflag:s11] =	ssyncset.done $0x0  }
0x32a: {  	[sflag:s11] =	ssyncadd.s32 $0xFFFFC180  }
0x32b: {  	[spmem:s1] =	stream.indirect.scatter.add.f32 [tilespmem:s8], [sflag:$0x6], $0x80, s28, s7, $0xb8;
	[tilespmem:$0x1F880] =	vst v63  }
0x32c: {  	_ =	swait.ge [sflag:s5], $0x3E80  }
0x32d: {  	[sflag:s5] =	ssyncset.done $0x0  }
0x32e: {  	[sflag:s5] =	ssyncadd.s32 $0xFFFFC180  }
0x32f: {  	_ =	swait.ge [sflag:s10], $0x3E80  }
0x330: {  	s29 =	sld [smem:$0x7FB]  }
0x331: {  	[sflag:s10] =	ssyncset.done $0x0  }
0x332: {  	[sflag:s10] =	ssyncadd.s32 $0xFFFFC180  }
0x333: {  	[spmem:s1] =	stream.indirect.scatter.add.f32 [tilespmem:s9], [sflag:$0x6], $0x80, s29, s7, $0xb8;
	[tilespmem:$0x1F880] =	vst v63  }
0x334: {  	_ =	swait.ge [sflag:s5], $0x3E80  }
0x335: {  	[sflag:s5] =	ssyncset.done $0x0  }
0x336: {  	[sflag:s5] =	ssyncadd.s32 $0xFFFFC180  }
0x337: {  	[bflag:$0x0] =	sbarrier.arrive $0xFFFF  }
0x338: {  	s30 =	sld [smem:$0x7FC];
	_ =	sdelay $0x2  }
0x339: {  	[hbm:s30], [sflag:s26] =	dma.local [spmem:s13], $0x2700  }
0x33a: {  	_ =	swait.ge [sflag:s5], $0x2700  }
0x33b: {  	s31 =	sld [smem:$0x7C3];
	_ =	sdelay $0x2  }
0x33c: {  	s22 =	sadd.s32 $0xFFFFFFFF, s31  }
0x33d: {  	s23 =	sld [smem:$0x7FD];
	p2 =	sne.s32 s22, $0x0  }
.Ltmp1:
0x33e: {  	[sflag:s5] =	ssyncset.done $0x0;
	(pc) =	sbr.rel @!p2 .LBB2_7-.Ltmp1, $4  }
0x33f: {  	[sflag:s5] =	ssyncadd.s32 $0xFFFFD900  }
0x340: {  	[hbm:s23], [sflag:s26] =	dma.local @!p0 [spmem:s6], $0x100  }
0x341: {  	p1 =	por $0x1, $0x1;
	_ =	swait.ge @!p0 [sflag:s4], $0x100  }
0x342: {  	s12 =	simm.s32 $0x0;
	s23 =	rddreg [dreg:$0x4];
	[sflag:s4] =	ssyncset.done @!p0 $0x0  }
0x343: {  	s21 =	simm.s32 $0x1  }
0x344: {  	s14 =	simm.s32 $0x0;
	s15 =	simm.s32 $0x3480;
	s19 =	simm.s32 $0x3680  }
0x345: {  	s25 =	simm.s32 $0x3700;
	s29 =	simm.s32 $0x3780;
	s28 =	simm.s32 $0x3800  }
0x346: {  	s30 =	simm.s32 $0x3900;
	s18 =	simm.s32 $0x3980;
	s31 =	simm.s32 $0x3A00  }
.LBB2_4:
0x347: {  	[sflag:s4] =	ssyncadd.s32 @!p0 $0xFFFFFF00;
	s3 =	simm.s32 $0x2800;
	s0 =	sld [smem:$0x7BF]  }
0x348: {  	[tilespmem:s3], [sflag:$0x1] =	stream.linear.gather [hbm4b:s23+s12], $0xA00, $0x38;
	[tilespmem:$0x1F880] =	vst v63  }
0x349: {  	s24 =	rddreg [dreg:$0x5]  }
0x34a: {  	[tilespmem:s12], [sflag:$0x5] =	stream.linear.gather [hbm4b:s24+s12], $0x2800, $0x38;
	[tilespmem:$0x1F880] =	vst v63  }
0x34b: {  	[spmem:s13], [sflag:s26] =	dma.local [hbm:s0], $0x2700  }
0x34c: {  	_ =	swait.ge [sflag:s5], $0x2700  }
0x34d: {  	[sflag:s5] =	ssyncset.done $0x0  }
0x34e: {  	[sflag:s5] =	ssyncadd.s32 $0xFFFFD900  }
0x34f: {  	[spmem:s6], [sflag:s26] =	dma.local @!p0 [hbm:s0], $0x100  }
0x350: {  	_ =	swait.ge @!p0 [sflag:s4], $0x100  }
0x351: {  	[sflag:s4] =	ssyncset.done @!p0 $0x0  }
0x352: {  	[sflag:s4] =	ssyncadd.s32 @!p0 $0xFFFFFF00  }
0x353: {  	_ =	swait.ge [sflag:s21], $0xA00  }
0x354: {  	[sflag:s21] =	ssyncset.done $0x0  }
0x355: {  	s17 =	simm.s32 $0x5;
	[sflag:s21] =	ssyncadd.s32 $0xFFFFF600  }
0x356: {  	_ =	swait.ge [sflag:s17], $0x2800  }
0x357: {  	[sflag:s17] =	ssyncset.done $0x0  }
0x358: {  	[sflag:s17] =	ssyncadd.s32 $0xFFFFD800  }
0x359: {  	[bflag:$0x0] =	sbarrier.arrive $0xFFFF  }
0x35a: {  	[tilespmem:s8], [sflag:$0x3] =	stream.indirect.gather [hbm4b:s2+s7], $0x80, s3, s7, $0xb8;
	[tilespmem:$0x1F880] =	vst v63  }
0x35b: {  	s20 =	rddreg [dreg:$0x6]  }
0x35c: {  	[tilespmem:s16], [sflag:$0x2] =	stream.linear.gather [hbm4b:s20+s12], $0xA00, $0x38;
	[tilespmem:$0x1F880] =	vst v63  }
0x35d: {  	s6 =	simm.s32 $0x2880  }
0x35e: {  	[tilespmem:s9], [sflag:$0x4] =	stream.indirect.gather [hbm4b:s2+s7], $0x80, s6, s7, $0xb8;
	[tilespmem:$0x1F880] =	vst v63  }
0x35f: {  	_ =	swait.ge [sflag:s11], $0x3E80  }
0x360: {  	[sflag:s11] =	ssyncset.done $0x0  }
0x361: {  	[sflag:s11] =	ssyncadd.s32 $0xFFFFC180  }
0x362: {  	[spmem:s1] =	stream.indirect.scatter.add.f32 [tilespmem:s8], [sflag:$0x6], $0x80, s12, s7, $0xb8;
	[tilespmem:$0x1F880] =	vst v63  }
0x363: {  	_ =	swait.ge [sflag:s5], $0x3E80  }
0x364: {  	[sflag:s5] =	ssyncset.done $0x0  }
0x365: {  	s23 =	simm.s32 $0x2900;
	[sflag:s5] =	ssyncadd.s32 $0xFFFFC180  }
0x366: {  	[tilespmem:s8], [sflag:$0x3] =	stream.indirect.gather [hbm4b:s2+s7], $0x80, s23, s7, $0xb8;
	[tilespmem:$0x1F880] =	vst v63  }
0x367: {  	_ =	swait.ge [sflag:s10], $0x3E80  }
0x368: {  	[sflag:s10] =	ssyncset.done $0x0  }
0x369: {  	s24 =	rddreg [dreg:$0x9];
	[sflag:s10] =	ssyncadd.s32 $0xFFFFC180  }
0x36a: {  	[spmem:s1] =	stream.indirect.scatter.add.f32 [tilespmem:s9], [sflag:$0x6], $0x80, s24, s7, $0xb8;
	[tilespmem:$0x1F880] =	vst v63  }
0x36b: {  	_ =	swait.ge [sflag:s5], $0x3E80  }
0x36c: {  	[sflag:s5] =	ssyncset.done $0x0  }
0x36d: {  	s16 =	simm.s32 $0x2980;
	[sflag:s5] =	ssyncadd.s32 $0xFFFFC180  }
0x36e: {  	[tilespmem:s9], [sflag:$0x4] =	stream.indirect.gather [hbm4b:s2+s7], $0x80, s16, s7, $0xb8;
	[tilespmem:$0x1F880] =	vst v63  }
0x36f: {  	_ =	swait.ge [sflag:s11], $0x3E80  }
0x370: {  	[sflag:s11] =	ssyncset.done $0x0  }
0x371: {  	s26 =	rddreg [dreg:$0xa];
	[sflag:s11] =	ssyncadd.s32 $0xFFFFC180  }
0x372: {  	[spmem:s1] =	stream.indirect.scatter.add.f32 [tilespmem:s8], [sflag:$0x6], $0x80, s26, s7, $0xb8;
	[tilespmem:$0x1F880] =	vst v63  }
0x373: {  	_ =	swait.ge [sflag:s5], $0x3E80  }
0x374: {  	[sflag:s5] =	ssyncset.done $0x0  }
0x375: {  	s13 =	simm.s32 $0x2A00;
	[sflag:s5] =	ssyncadd.s32 $0xFFFFC180  }
0x376: {  	[tilespmem:s8], [sflag:$0x3] =	stream.indirect.gather [hbm4b:s2+s7], $0x80, s13, s7, $0xb8;
	[tilespmem:$0x1F880] =	vst v63  }
0x377: {  	_ =	swait.ge [sflag:s10], $0x3E80  }
0x378: {  	[sflag:s10] =	ssyncset.done $0x0  }
0x379: {  	s0 =	rddreg [dreg:$0xb];
	[sflag:s10] =	ssyncadd.s32 $0xFFFFC180  }
0x37a: {  	[spmem:s1] =	stream.indirect.scatter.add.f32 [tilespmem:s9], [sflag:$0x6], $0x80, s0, s7, $0xb8;
	[tilespmem:$0x1F880] =	vst v63  }
0x37b: {  	_ =	swait.ge [sflag:s5], $0x3E80  }
0x37c: {  	[sflag:s5] =	ssyncset.done $0x0  }
0x37d: {  	s17 =	simm.s32 $0x2A80;
	[sflag:s5] =	ssyncadd.s32 $0xFFFFC180  }
0x37e: {  	[tilespmem:s9], [sflag:$0x4] =	stream.indirect.gather [hbm4b:s2+s7], $0x80, s17, s7, $0xb8;
	[tilespmem:$0x1F880] =	vst v63  }
0x37f: {  	_ =	swait.ge [sflag:s11], $0x3E80  }
0x380: {  	[sflag:s11] =	ssyncset.done $0x0  }
0x381: {  	s20 =	rddreg [dreg:$0xc];
	[sflag:s11] =	ssyncadd.s32 $0xFFFFC180  }
0x382: {  	[spmem:s1] =	stream.indirect.scatter.add.f32 [tilespmem:s8], [sflag:$0x6], $0x80, s20, s7, $0xb8;
	[tilespmem:$0x1F880] =	vst v63  }
0x383: {  	_ =	swait.ge [sflag:s5], $0x3E80  }
0x384: {  	[sflag:s5] =	ssyncset.done $0x0  }
0x385: {  	s23 =	simm.s32 $0x2B00;
	[sflag:s5] =	ssyncadd.s32 $0xFFFFC180  }
0x386: {  	[tilespmem:s8], [sflag:$0x3] =	stream.indirect.gather [hbm4b:s2+s7], $0x80, s23, s7, $0xb8;
	[tilespmem:$0x1F880] =	vst v63  }
0x387: {  	_ =	swait.ge [sflag:s10], $0x3E80  }
0x388: {  	[sflag:s10] =	ssyncset.done $0x0  }
0x389: {  	s24 =	rddreg [dreg:$0xd];
	[sflag:s10] =	ssyncadd.s32 $0xFFFFC180  }
0x38a: {  	[spmem:s1] =	stream.indirect.scatter.add.f32 [tilespmem:s9], [sflag:$0x6], $0x80, s24, s7, $0xb8;
	[tilespmem:$0x1F880] =	vst v63  }
0x38b: {  	_ =	swait.ge [sflag:s5], $0x3E80  }
0x38c: {  	[sflag:s5] =	ssyncset.done $0x0  }
0x38d: {  	s26 =	simm.s32 $0x2B80;
	[sflag:s5] =	ssyncadd.s32 $0xFFFFC180  }
0x38e: {  	[tilespmem:s9], [sflag:$0x4] =	stream.indirect.gather [hbm4b:s2+s7], $0x80, s26, s7, $0xb8;
	[tilespmem:$0x1F880] =	vst v63  }
0x38f: {  	_ =	swait.ge [sflag:s11], $0x3E80  }
0x390: {  	[sflag:s11] =	ssyncset.done $0x0  }
0x391: {  	s0 =	rddreg [dreg:$0xe];
	[sflag:s11] =	ssyncadd.s32 $0xFFFFC180  }
0x392: {  	[spmem:s1] =	stream.indirect.scatter.add.f32 [tilespmem:s8], [sflag:$0x6], $0x80, s0, s7, $0xb8;
	[tilespmem:$0x1F880] =	vst v63  }
0x393: {  	_ =	swait.ge [sflag:s5], $0x3E80  }
0x394: {  	[sflag:s5] =	ssyncset.done $0x0  }
0x395: {  	s17 =	simm.s32 $0x2C00;
	[sflag:s5] =	ssyncadd.s32 $0xFFFFC180  }
0x396: {  	[tilespmem:s8], [sflag:$0x3] =	stream.indirect.gather [hbm4b:s2+s7], $0x80, s17, s7, $0xb8;
	[tilespmem:$0x1F880] =	vst v63  }
0x397: {  	_ =	swait.ge [sflag:s10], $0x3E80  }
0x398: {  	[sflag:s10] =	ssyncset.done $0x0  }
0x399: {  	s20 =	rddreg [dreg:$0xf];
	[sflag:s10] =	ssyncadd.s32 $0xFFFFC180  }
0x39a: {  	[spmem:s1] =	stream.indirect.scatter.add.f32 [tilespmem:s9], [sflag:$0x6], $0x80, s20, s7, $0xb8;
	[tilespmem:$0x1F880] =	vst v63  }
0x39b: {  	_ =	swait.ge [sflag:s5], $0x3E80  }
0x39c: {  	[sflag:s5] =	ssyncset.done $0x0  }
0x39d: {  	s23 =	simm.s32 $0x2C80;
	[sflag:s5] =	ssyncadd.s32 $0xFFFFC180  }
0x39e: {  	[tilespmem:s9], [sflag:$0x4] =	stream.indirect.gather [hbm4b:s2+s7], $0x80, s23, s7, $0xb8;
	[tilespmem:$0x1F880] =	vst v63  }
0x39f: {  	_ =	swait.ge [sflag:s11], $0x3E80  }
0x3a0: {  	[sflag:s11] =	ssyncset.done $0x0  }
0x3a1: {  	s24 =	rddreg [dreg:$0x10];
	[sflag:s11] =	ssyncadd.s32 $0xFFFFC180  }
0x3a2: {  	[spmem:s1] =	stream.indirect.scatter.add.f32 [tilespmem:s8], [sflag:$0x6], $0x80, s24, s7, $0xb8;
	[tilespmem:$0x1F880] =	vst v63  }
0x3a3: {  	_ =	swait.ge [sflag:s5], $0x3E80  }
0x3a4: {  	[sflag:s5] =	ssyncset.done $0x0  }
0x3a5: {  	s26 =	simm.s32 $0x2D00;
	[sflag:s5] =	ssyncadd.s32 $0xFFFFC180  }
0x3a6: {  	[tilespmem:s8], [sflag:$0x3] =	stream.indirect.gather [hbm4b:s2+s7], $0x80, s26, s7, $0xb8;
	[tilespmem:$0x1F880] =	vst v63  }
0x3a7: {  	_ =	swait.ge [sflag:s10], $0x3E80  }
0x3a8: {  	[sflag:s10] =	ssyncset.done $0x0  }
0x3a9: {  	s0 =	rddreg [dreg:$0x11];
	[sflag:s10] =	ssyncadd.s32 $0xFFFFC180  }
0x3aa: {  	[spmem:s1] =	stream.indirect.scatter.add.f32 [tilespmem:s9], [sflag:$0x6], $0x80, s0, s7, $0xb8;
	[tilespmem:$0x1F880] =	vst v63  }
0x3ab: {  	_ =	swait.ge [sflag:s5], $0x3E80  }
0x3ac: {  	[sflag:s5] =	ssyncset.done $0x0  }
0x3ad: {  	s17 =	simm.s32 $0x2D80;
	[sflag:s5] =	ssyncadd.s32 $0xFFFFC180  }
0x3ae: {  	[tilespmem:s9], [sflag:$0x4] =	stream.indirect.gather [hbm4b:s2+s7], $0x80, s17, s7, $0xb8;
	[tilespmem:$0x1F880] =	vst v63  }
0x3af: {  	_ =	swait.ge [sflag:s11], $0x3E80  }
0x3b0: {  	[sflag:s11] =	ssyncset.done $0x0  }
0x3b1: {  	s20 =	rddreg [dreg:$0x12];
	[sflag:s11] =	ssyncadd.s32 $0xFFFFC180  }
0x3b2: {  	[spmem:s1] =	stream.indirect.scatter.add.f32 [tilespmem:s8], [sflag:$0x6], $0x80, s20, s7, $0xb8;
	[tilespmem:$0x1F880] =	vst v63  }
0x3b3: {  	_ =	swait.ge [sflag:s5], $0x3E80  }
0x3b4: {  	[sflag:s5] =	ssyncset.done $0x0  }
0x3b5: {  	s23 =	simm.s32 $0x2E00;
	[sflag:s5] =	ssyncadd.s32 $0xFFFFC180  }
0x3b6: {  	[tilespmem:s8], [sflag:$0x3] =	stream.indirect.gather [hbm4b:s2+s7], $0x80, s23, s7, $0xb8;
	[tilespmem:$0x1F880] =	vst v63  }
0x3b7: {  	_ =	swait.ge [sflag:s10], $0x3E80  }
0x3b8: {  	s24 =	rddreg [dreg:$0x13];
	[sflag:s10] =	ssyncset.done $0x0  }
0x3b9: {  	[sflag:s10] =	ssyncadd.s32 $0xFFFFC180  }
0x3ba: {  	[spmem:s1] =	stream.indirect.scatter.add.f32 [tilespmem:s9], [sflag:$0x6], $0x80, s24, s7, $0xb8;
	[tilespmem:$0x1F880] =	vst v63  }
0x3bb: {  	_ =	swait.ge [sflag:s5], $0x3E80  }
0x3bc: {  	[sflag:s5] =	ssyncset.done $0x0  }
0x3bd: {  	s26 =	simm.s32 $0x2E80;
	[sflag:s5] =	ssyncadd.s32 $0xFFFFC180  }
0x3be: {  	[tilespmem:s9], [sflag:$0x4] =	stream.indirect.gather [hbm4b:s2+s7], $0x80, s26, s7, $0xb8;
	[tilespmem:$0x1F880] =	vst v63  }
0x3bf: {  	_ =	swait.ge [sflag:s11], $0x3E80  }
0x3c0: {  	[sflag:s11] =	ssyncset.done $0x0  }
0x3c1: {  	s0 =	rddreg [dreg:$0x14];
	[sflag:s11] =	ssyncadd.s32 $0xFFFFC180  }
0x3c2: {  	[spmem:s1] =	stream.indirect.scatter.add.f32 [tilespmem:s8], [sflag:$0x6], $0x80, s0, s7, $0xb8;
	[tilespmem:$0x1F880] =	vst v63  }
0x3c3: {  	_ =	swait.ge [sflag:s5], $0x3E80  }
0x3c4: {  	[sflag:s5] =	ssyncset.done $0x0  }
0x3c5: {  	s17 =	simm.s32 $0x2F00;
	[sflag:s5] =	ssyncadd.s32 $0xFFFFC180  }
0x3c6: {  	[tilespmem:s8], [sflag:$0x3] =	stream.indirect.gather [hbm4b:s2+s7], $0x80, s17, s7, $0xb8;
	[tilespmem:$0x1F880] =	vst v63  }
0x3c7: {  	_ =	swait.ge [sflag:s10], $0x3E80  }
0x3c8: {  	[sflag:s10] =	ssyncset.done $0x0  }
0x3c9: {  	s20 =	rddreg [dreg:$0x15];
	[sflag:s10] =	ssyncadd.s32 $0xFFFFC180  }
0x3ca: {  	[spmem:s1] =	stream.indirect.scatter.add.f32 [tilespmem:s9], [sflag:$0x6], $0x80, s20, s7, $0xb8;
	[tilespmem:$0x1F880] =	vst v63  }
0x3cb: {  	_ =	swait.ge [sflag:s5], $0x3E80  }
0x3cc: {  	[sflag:s5] =	ssyncset.done $0x0  }
0x3cd: {  	s23 =	simm.s32 $0x2F80;
	[sflag:s5] =	ssyncadd.s32 $0xFFFFC180  }
0x3ce: {  	[tilespmem:s9], [sflag:$0x4] =	stream.indirect.gather [hbm4b:s2+s7], $0x80, s23, s7, $0xb8;
	[tilespmem:$0x1F880] =	vst v63  }
0x3cf: {  	_ =	swait.ge [sflag:s11], $0x3E80  }
0x3d0: {  	[sflag:s11] =	ssyncset.done $0x0  }
0x3d1: {  	s24 =	rddreg [dreg:$0x16];
	[sflag:s11] =	ssyncadd.s32 $0xFFFFC180  }
0x3d2: {  	[spmem:s1] =	stream.indirect.scatter.add.f32 [tilespmem:s8], [sflag:$0x6], $0x80, s24, s7, $0xb8;
	[tilespmem:$0x1F880] =	vst v63  }
0x3d3: {  	_ =	swait.ge [sflag:s5], $0x3E80  }
0x3d4: {  	[sflag:s5] =	ssyncset.done $0x0  }
0x3d5: {  	s26 =	simm.s32 $0x3000;
	[sflag:s5] =	ssyncadd.s32 $0xFFFFC180  }
0x3d6: {  	[tilespmem:s8], [sflag:$0x3] =	stream.indirect.gather [hbm4b:s2+s7], $0x80, s26, s7, $0xb8;
	[tilespmem:$0x1F880] =	vst v63  }
0x3d7: {  	_ =	swait.ge [sflag:s10], $0x3E80  }
0x3d8: {  	[sflag:s10] =	ssyncset.done $0x0  }
0x3d9: {  	s0 =	rddreg [dreg:$0x17];
	[sflag:s10] =	ssyncadd.s32 $0xFFFFC180  }
0x3da: {  	[spmem:s1] =	stream.indirect.scatter.add.f32 [tilespmem:s9], [sflag:$0x6], $0x80, s0, s7, $0xb8;
	[tilespmem:$0x1F880] =	vst v63  }
0x3db: {  	_ =	swait.ge [sflag:s5], $0x3E80  }
0x3dc: {  	[sflag:s5] =	ssyncset.done $0x0  }
0x3dd: {  	s17 =	simm.s32 $0x3080;
	[sflag:s5] =	ssyncadd.s32 $0xFFFFC180  }
0x3de: {  	[tilespmem:s9], [sflag:$0x4] =	stream.indirect.gather [hbm4b:s2+s7], $0x80, s17, s7, $0xb8;
	[tilespmem:$0x1F880] =	vst v63  }
0x3df: {  	_ =	swait.ge [sflag:s11], $0x3E80  }
0x3e0: {  	[sflag:s11] =	ssyncset.done $0x0  }
0x3e1: {  	s20 =	rddreg [dreg:$0x18];
	[sflag:s11] =	ssyncadd.s32 $0xFFFFC180  }
0x3e2: {  	[spmem:s1] =	stream.indirect.scatter.add.f32 [tilespmem:s8], [sflag:$0x6], $0x80, s20, s7, $0xb8;
	[tilespmem:$0x1F880] =	vst v63  }
0x3e3: {  	_ =	swait.ge [sflag:s5], $0x3E80  }
0x3e4: {  	[sflag:s5] =	ssyncset.done $0x0  }
0x3e5: {  	s23 =	simm.s32 $0x3100;
	[sflag:s5] =	ssyncadd.s32 $0xFFFFC180  }
0x3e6: {  	[tilespmem:s8], [sflag:$0x3] =	stream.indirect.gather [hbm4b:s2+s7], $0x80, s23, s7, $0xb8;
	[tilespmem:$0x1F880] =	vst v63  }
0x3e7: {  	_ =	swait.ge [sflag:s10], $0x3E80  }
0x3e8: {  	[sflag:s10] =	ssyncset.done $0x0  }
0x3e9: {  	s24 =	rddreg [dreg:$0x19];
	[sflag:s10] =	ssyncadd.s32 $0xFFFFC180  }
0x3ea: {  	[spmem:s1] =	stream.indirect.scatter.add.f32 [tilespmem:s9], [sflag:$0x6], $0x80, s24, s7, $0xb8;
	[tilespmem:$0x1F880] =	vst v63  }
0x3eb: {  	_ =	swait.ge [sflag:s5], $0x3E80  }
0x3ec: {  	[sflag:s5] =	ssyncset.done $0x0  }
0x3ed: {  	s26 =	simm.s32 $0x3180;
	[sflag:s5] =	ssyncadd.s32 $0xFFFFC180  }
0x3ee: {  	[tilespmem:s9], [sflag:$0x4] =	stream.indirect.gather [hbm4b:s2+s7], $0x80, s26, s7, $0xb8;
	[tilespmem:$0x1F880] =	vst v63  }
0x3ef: {  	_ =	swait.ge [sflag:s11], $0x3E80  }
0x3f0: {  	[sflag:s11] =	ssyncset.done $0x0  }
0x3f1: {  	s0 =	rddreg [dreg:$0x1a];
	[sflag:s11] =	ssyncadd.s32 $0xFFFFC180  }
0x3f2: {  	[spmem:s1] =	stream.indirect.scatter.add.f32 [tilespmem:s8], [sflag:$0x6], $0x80, s0, s7, $0xb8;
	[tilespmem:$0x1F880] =	vst v63  }
0x3f3: {  	_ =	swait.ge [sflag:s5], $0x3E80  }
0x3f4: {  	[sflag:s5] =	ssyncset.done $0x0  }
0x3f5: {  	s0 =	simm.s32 $0x2;
	[sflag:s5] =	ssyncadd.s32 $0xFFFFC180  }
0x3f6: {  	_ =	swait.ge [sflag:s0], $0xA00  }
0x3f7: {  	[sflag:s0] =	ssyncset.done $0x0  }
0x3f8: {  	s12 =	simm.s32 $0x3400;
	[sflag:s0] =	ssyncadd.s32 $0xFFFFF600  }
0x3f9: {  	[tilespmem:s8], [sflag:$0x3] =	stream.indirect.gather [hbm4b:s2+s7], $0x80, s12, s7, $0xb8;
	[tilespmem:$0x1F880] =	vst v63  }
0x3fa: {  	_ =	swait.ge [sflag:s10], $0x3E80  }
0x3fb: {  	[sflag:s10] =	ssyncset.done $0x0  }
0x3fc: {  	s17 =	rddreg [dreg:$0x1b];
	[sflag:s10] =	ssyncadd.s32 $0xFFFFC180  }
0x3fd: {  	[spmem:s1] =	stream.indirect.scatter.add.f32 [tilespmem:s9], [sflag:$0x6], $0x80, s17, s7, $0xb8;
	[tilespmem:$0x1F880] =	vst v63  }
0x3fe: {  	_ =	swait.ge [sflag:s5], $0x3E80  }
0x3ff: {  	[sflag:s5] =	ssyncset.done $0x0  }
0x400: {  	s20 =	rddreg [dreg:$0x7];
	[sflag:s5] =	ssyncadd.s32 $0xFFFFC180  }
0x401: {  	[tilespmem:s3], [sflag:$0x1] =	stream.linear.gather [hbm4b:s20+s14], $0xA00, $0x38;
	[tilespmem:$0x1F880] =	vst v63  }
0x402: {  	_ = 	snop  }
0x403: {  	[tilespmem:s9], [sflag:$0x4] =	stream.indirect.gather [hbm4b:s2+s7], $0x80, s15, s7, $0xb8;
	[tilespmem:$0x1F880] =	vst v63  }
0x404: {  	_ =	swait.ge [sflag:s11], $0x3E80  }
0x405: {  	[sflag:s11] =	ssyncset.done $0x0  }
0x406: {  	s24 =	rddreg [dreg:$0x1c];
	[sflag:s11] =	ssyncadd.s32 $0xFFFFC180  }
0x407: {  	[spmem:s1] =	stream.indirect.scatter.add.f32 [tilespmem:s8], [sflag:$0x6], $0x80, s24, s7, $0xb8;
	[tilespmem:$0x1F880] =	vst v63  }
0x408: {  	_ =	swait.ge [sflag:s5], $0x3E80  }
0x409: {  	[sflag:s5] =	ssyncset.done $0x0  }
0x40a: {  	s17 =	simm.s32 $0x3500;
	[sflag:s5] =	ssyncadd.s32 $0xFFFFC180  }
0x40b: {  	[tilespmem:s8], [sflag:$0x3] =	stream.indirect.gather [hbm4b:s2+s7], $0x80, s17, s7, $0xb8;
	[tilespmem:$0x1F880] =	vst v63  }
0x40c: {  	_ =	swait.ge [sflag:s10], $0x3E80  }
0x40d: {  	[sflag:s10] =	ssyncset.done $0x0  }
0x40e: {  	s26 =	rddreg [dreg:$0x1d];
	[sflag:s10] =	ssyncadd.s32 $0xFFFFC180  }
0x40f: {  	[spmem:s1] =	stream.indirect.scatter.add.f32 [tilespmem:s9], [sflag:$0x6], $0x80, s26, s7, $0xb8;
	[tilespmem:$0x1F880] =	vst v63  }
0x410: {  	_ =	swait.ge [sflag:s5], $0x3E80  }
0x411: {  	[sflag:s5] =	ssyncset.done $0x0  }
0x412: {  	s26 =	simm.s32 $0x3580;
	[sflag:s5] =	ssyncadd.s32 $0xFFFFC180  }
0x413: {  	[tilespmem:s9], [sflag:$0x4] =	stream.indirect.gather [hbm4b:s2+s7], $0x80, s26, s7, $0xb8;
	[tilespmem:$0x1F880] =	vst v63  }
0x414: {  	_ =	swait.ge [sflag:s11], $0x3E80  }
0x415: {  	[sflag:s11] =	ssyncset.done $0x0  }
0x416: {  	s17 =	rddreg [dreg:$0x1e];
	[sflag:s11] =	ssyncadd.s32 $0xFFFFC180  }
0x417: {  	[spmem:s1] =	stream.indirect.scatter.add.f32 [tilespmem:s8], [sflag:$0x6], $0x80, s17, s7, $0xb8;
	[tilespmem:$0x1F880] =	vst v63  }
0x418: {  	_ =	swait.ge [sflag:s5], $0x3E80  }
0x419: {  	[sflag:s5] =	ssyncset.done $0x0  }
0x41a: {  	s24 =	simm.s32 $0x3600;
	[sflag:s5] =	ssyncadd.s32 $0xFFFFC180  }
0x41b: {  	[tilespmem:s8], [sflag:$0x3] =	stream.indirect.gather [hbm4b:s2+s7], $0x80, s24, s7, $0xb8;
	[tilespmem:$0x1F880] =	vst v63  }
0x41c: {  	_ =	swait.ge [sflag:s10], $0x3E80  }
0x41d: {  	[sflag:s10] =	ssyncset.done $0x0  }
0x41e: {  	s20 =	rddreg [dreg:$0x1f];
	[sflag:s10] =	ssyncadd.s32 $0xFFFFC180  }
0x41f: {  	[spmem:s1] =	stream.indirect.scatter.add.f32 [tilespmem:s9], [sflag:$0x6], $0x80, s20, s7, $0xb8;
	[tilespmem:$0x1F880] =	vst v63  }
0x420: {  	_ =	swait.ge [sflag:s5], $0x3E80  }
0x421: {  	[sflag:s5] =	ssyncset.done $0x0  }
0x422: {  	[sflag:s5] =	ssyncadd.s32 $0xFFFFC180  }
0x423: {  	[tilespmem:s9], [sflag:$0x4] =	stream.indirect.gather [hbm4b:s2+s7], $0x80, s19, s7, $0xb8;
	[tilespmem:$0x1F880] =	vst v63  }
0x424: {  	_ =	swait.ge [sflag:s11], $0x3E80  }
0x425: {  	s17 =	sld [smem:$0x7C4]  }
0x426: {  	[sflag:s11] =	ssyncset.done $0x0  }
0x427: {  	[sflag:s11] =	ssyncadd.s32 $0xFFFFC180  }
0x428: {  	[spmem:s1] =	stream.indirect.scatter.add.f32 [tilespmem:s8], [sflag:$0x6], $0x80, s17, s7, $0xb8;
	[tilespmem:$0x1F880] =	vst v63  }
0x429: {  	_ =	swait.ge [sflag:s5], $0x3E80  }
0x42a: {  	[sflag:s5] =	ssyncset.done $0x0  }
0x42b: {  	[sflag:s5] =	ssyncadd.s32 $0xFFFFC180  }
0x42c: {  	[tilespmem:s8], [sflag:$0x3] =	stream.indirect.gather [hbm4b:s2+s7], $0x80, s25, s7, $0xb8;
	[tilespmem:$0x1F880] =	vst v63  }
0x42d: {  	_ =	swait.ge [sflag:s10], $0x3E80  }
0x42e: {  	s20 =	sld [smem:$0x7C5]  }
0x42f: {  	[sflag:s10] =	ssyncset.done $0x0  }
0x430: {  	[sflag:s10] =	ssyncadd.s32 $0xFFFFC180  }
0x431: {  	[spmem:s1] =	stream.indirect.scatter.add.f32 [tilespmem:s9], [sflag:$0x6], $0x80, s20, s7, $0xb8;
	[tilespmem:$0x1F880] =	vst v63  }
0x432: {  	_ =	swait.ge [sflag:s5], $0x3E80  }
0x433: {  	[sflag:s5] =	ssyncset.done $0x0  }
0x434: {  	[sflag:s5] =	ssyncadd.s32 $0xFFFFC180  }
0x435: {  	[tilespmem:s9], [sflag:$0x4] =	stream.indirect.gather [hbm4b:s2+s7], $0x80, s29, s7, $0xb8;
	[tilespmem:$0x1F880] =	vst v63  }
0x436: {  	_ =	swait.ge [sflag:s11], $0x3E80  }
0x437: {  	s17 =	sld [smem:$0x7C6]  }
0x438: {  	[sflag:s11] =	ssyncset.done $0x0  }
0x439: {  	[sflag:s11] =	ssyncadd.s32 $0xFFFFC180  }
0x43a: {  	[spmem:s1] =	stream.indirect.scatter.add.f32 [tilespmem:s8], [sflag:$0x6], $0x80, s17, s7, $0xb8;
	[tilespmem:$0x1F880] =	vst v63  }
0x43b: {  	_ =	swait.ge [sflag:s5], $0x3E80  }
0x43c: {  	[sflag:s5] =	ssyncset.done $0x0  }
0x43d: {  	[sflag:s5] =	ssyncadd.s32 $0xFFFFC180  }
0x43e: {  	[tilespmem:s8], [sflag:$0x3] =	stream.indirect.gather [hbm4b:s2+s7], $0x80, s28, s7, $0xb8;
	[tilespmem:$0x1F880] =	vst v63  }
0x43f: {  	_ =	swait.ge [sflag:s10], $0x3E80  }
0x440: {  	s20 =	sld [smem:$0x7C7]  }
0x441: {  	[sflag:s10] =	ssyncset.done $0x0  }
0x442: {  	[sflag:s10] =	ssyncadd.s32 $0xFFFFC180  }
0x443: {  	[spmem:s1] =	stream.indirect.scatter.add.f32 [tilespmem:s9], [sflag:$0x6], $0x80, s20, s7, $0xb8;
	[tilespmem:$0x1F880] =	vst v63  }
0x444: {  	_ =	swait.ge [sflag:s5], $0x3E80  }
0x445: {  	[sflag:s5] =	ssyncset.done $0x0  }
0x446: {  	s23 =	simm.s32 $0x3880;
	[sflag:s5] =	ssyncadd.s32 $0xFFFFC180  }
0x447: {  	[tilespmem:s9], [sflag:$0x4] =	stream.indirect.gather [hbm4b:s2+s7], $0x80, s23, s7, $0xb8;
	[tilespmem:$0x1F880] =	vst v63  }
0x448: {  	_ =	swait.ge [sflag:s11], $0x3E80  }
0x449: {  	s20 =	sld [smem:$0x7C8]  }
0x44a: {  	[sflag:s11] =	ssyncset.done $0x0  }
0x44b: {  	[sflag:s11] =	ssyncadd.s32 $0xFFFFC180  }
0x44c: {  	[spmem:s1] =	stream.indirect.scatter.add.f32 [tilespmem:s8], [sflag:$0x6], $0x80, s20, s7, $0xb8;
	[tilespmem:$0x1F880] =	vst v63  }
0x44d: {  	_ =	swait.ge [sflag:s5], $0x3E80  }
0x44e: {  	[sflag:s5] =	ssyncset.done $0x0  }
0x44f: {  	[sflag:s5] =	ssyncadd.s32 $0xFFFFC180  }
0x450: {  	[tilespmem:s8], [sflag:$0x3] =	stream.indirect.gather [hbm4b:s2+s7], $0x80, s30, s7, $0xb8;
	[tilespmem:$0x1F880] =	vst v63  }
0x451: {  	_ =	swait.ge [sflag:s10], $0x3E80  }
0x452: {  	s17 =	sld [smem:$0x7C9]  }
0x453: {  	[sflag:s10] =	ssyncset.done $0x0  }
0x454: {  	[sflag:s10] =	ssyncadd.s32 $0xFFFFC180  }
0x455: {  	[spmem:s1] =	stream.indirect.scatter.add.f32 [tilespmem:s9], [sflag:$0x6], $0x80, s17, s7, $0xb8;
	[tilespmem:$0x1F880] =	vst v63  }
0x456: {  	_ =	swait.ge [sflag:s5], $0x3E80  }
0x457: {  	[sflag:s5] =	ssyncset.done $0x0  }
0x458: {  	[sflag:s5] =	ssyncadd.s32 $0xFFFFC180  }
0x459: {  	[tilespmem:s9], [sflag:$0x4] =	stream.indirect.gather [hbm4b:s2+s7], $0x80, s18, s7, $0xb8;
	[tilespmem:$0x1F880] =	vst v63  }
0x45a: {  	_ =	swait.ge [sflag:s11], $0x3E80  }
0x45b: {  	s20 =	sld [smem:$0x7CA]  }
0x45c: {  	[sflag:s11] =	ssyncset.done $0x0  }
0x45d: {  	[sflag:s11] =	ssyncadd.s32 $0xFFFFC180  }
0x45e: {  	[spmem:s1] =	stream.indirect.scatter.add.f32 [tilespmem:s8], [sflag:$0x6], $0x80, s20, s7, $0xb8;
	[tilespmem:$0x1F880] =	vst v63  }
0x45f: {  	_ =	swait.ge [sflag:s5], $0x3E80  }
0x460: {  	[sflag:s5] =	ssyncset.done $0x0  }
0x461: {  	[sflag:s5] =	ssyncadd.s32 $0xFFFFC180  }
0x462: {  	[tilespmem:s8], [sflag:$0x3] =	stream.indirect.gather [hbm4b:s2+s7], $0x80, s31, s7, $0xb8;
	[tilespmem:$0x1F880] =	vst v63  }
0x463: {  	_ =	swait.ge [sflag:s10], $0x3E80  }
0x464: {  	s17 =	sld [smem:$0x7CB]  }
0x465: {  	[sflag:s10] =	ssyncset.done $0x0  }
0x466: {  	[sflag:s10] =	ssyncadd.s32 $0xFFFFC180  }
0x467: {  	[spmem:s1] =	stream.indirect.scatter.add.f32 [tilespmem:s9], [sflag:$0x6], $0x80, s17, s7, $0xb8;
	[tilespmem:$0x1F880] =	vst v63  }
0x468: {  	_ =	swait.ge [sflag:s5], $0x3E80  }
0x469: {  	[sflag:s5] =	ssyncset.done $0x0  }
0x46a: {  	s17 =	simm.s32 $0x3A80;
	[sflag:s5] =	ssyncadd.s32 $0xFFFFC180  }
0x46b: {  	[tilespmem:s9], [sflag:$0x4] =	stream.indirect.gather [hbm4b:s2+s7], $0x80, s17, s7, $0xb8;
	[tilespmem:$0x1F880] =	vst v63  }
0x46c: {  	_ =	swait.ge [sflag:s11], $0x3E80  }
0x46d: {  	s20 =	sld [smem:$0x7CC]  }
0x46e: {  	[sflag:s11] =	ssyncset.done $0x0  }
0x46f: {  	[sflag:s11] =	ssyncadd.s32 $0xFFFFC180  }
0x470: {  	[spmem:s1] =	stream.indirect.scatter.add.f32 [tilespmem:s8], [sflag:$0x6], $0x80, s20, s7, $0xb8;
	[tilespmem:$0x1F880] =	vst v63  }
0x471: {  	_ =	swait.ge [sflag:s5], $0x3E80  }
0x472: {  	[sflag:s5] =	ssyncset.done $0x0  }
0x473: {  	s20 =	simm.s32 $0x3B00;
	[sflag:s5] =	ssyncadd.s32 $0xFFFFC180  }
0x474: {  	[tilespmem:s8], [sflag:$0x3] =	stream.indirect.gather [hbm4b:s2+s7], $0x80, s20, s7, $0xb8;
	[tilespmem:$0x1F880] =	vst v63  }
0x475: {  	_ =	swait.ge [sflag:s10], $0x3E80  }
0x476: {  	s20 =	sld [smem:$0x7CD]  }
0x477: {  	[sflag:s10] =	ssyncset.done $0x0  }
0x478: {  	[sflag:s10] =	ssyncadd.s32 $0xFFFFC180  }
0x479: {  	[spmem:s1] =	stream.indirect.scatter.add.f32 [tilespmem:s9], [sflag:$0x6], $0x80, s20, s7, $0xb8;
	[tilespmem:$0x1F880] =	vst v63  }
0x47a: {  	_ =	swait.ge [sflag:s5], $0x3E80  }
0x47b: {  	[sflag:s5] =	ssyncset.done $0x0  }
0x47c: {  	s23 =	simm.s32 $0x3B80;
	[sflag:s5] =	ssyncadd.s32 $0xFFFFC180  }
0x47d: {  	[tilespmem:s9], [sflag:$0x4] =	stream.indirect.gather [hbm4b:s2+s7], $0x80, s23, s7, $0xb8;
	[tilespmem:$0x1F880] =	vst v63  }
0x47e: {  	_ =	swait.ge [sflag:s11], $0x3E80  }
0x47f: {  	s20 =	sld [smem:$0x7CE]  }
0x480: {  	[sflag:s11] =	ssyncset.done $0x0  }
0x481: {  	[sflag:s11] =	ssyncadd.s32 $0xFFFFC180  }
0x482: {  	[spmem:s1] =	stream.indirect.scatter.add.f32 [tilespmem:s8], [sflag:$0x6], $0x80, s20, s7, $0xb8;
	[tilespmem:$0x1F880] =	vst v63  }
0x483: {  	_ =	swait.ge [sflag:s5], $0x3E80  }
0x484: {  	[sflag:s5] =	ssyncset.done $0x0  }
0x485: {  	s23 =	simm.s32 $0x3C00;
	[sflag:s5] =	ssyncadd.s32 $0xFFFFC180  }
0x486: {  	[tilespmem:s8], [sflag:$0x3] =	stream.indirect.gather [hbm4b:s2+s7], $0x80, s23, s7, $0xb8;
	[tilespmem:$0x1F880] =	vst v63  }
0x487: {  	_ =	swait.ge [sflag:s10], $0x3E80  }
0x488: {  	s20 =	sld [smem:$0x7CF]  }
0x489: {  	[sflag:s10] =	ssyncset.done $0x0  }
0x48a: {  	[sflag:s10] =	ssyncadd.s32 $0xFFFFC180  }
0x48b: {  	[spmem:s1] =	stream.indirect.scatter.add.f32 [tilespmem:s9], [sflag:$0x6], $0x80, s20, s7, $0xb8;
	[tilespmem:$0x1F880] =	vst v63  }
0x48c: {  	_ =	swait.ge [sflag:s5], $0x3E80  }
0x48d: {  	[sflag:s5] =	ssyncset.done $0x0  }
0x48e: {  	s20 =	simm.s32 $0x3C80;
	[sflag:s5] =	ssyncadd.s32 $0xFFFFC180  }
0x48f: {  	[tilespmem:s9], [sflag:$0x4] =	stream.indirect.gather [hbm4b:s2+s7], $0x80, s20, s7, $0xb8;
	[tilespmem:$0x1F880] =	vst v63  }
0x490: {  	_ =	swait.ge [sflag:s11], $0x3E80  }
0x491: {  	s23 =	sld [smem:$0x7D0]  }
0x492: {  	[sflag:s11] =	ssyncset.done $0x0  }
0x493: {  	[sflag:s11] =	ssyncadd.s32 $0xFFFFC180  }
0x494: {  	[spmem:s1] =	stream.indirect.scatter.add.f32 [tilespmem:s8], [sflag:$0x6], $0x80, s23, s7, $0xb8;
	[tilespmem:$0x1F880] =	vst v63  }
0x495: {  	_ =	swait.ge [sflag:s5], $0x3E80  }
0x496: {  	[sflag:s5] =	ssyncset.done $0x0  }
0x497: {  	s23 =	simm.s32 $0x3D00;
	[sflag:s5] =	ssyncadd.s32 $0xFFFFC180  }
0x498: {  	[tilespmem:s8], [sflag:$0x3] =	stream.indirect.gather [hbm4b:s2+s7], $0x80, s23, s7, $0xb8;
	[tilespmem:$0x1F880] =	vst v63  }
0x499: {  	_ =	swait.ge [sflag:s10], $0x3E80  }
0x49a: {  	s23 =	sld [smem:$0x7D1]  }
0x49b: {  	[sflag:s10] =	ssyncset.done $0x0  }
0x49c: {  	[sflag:s10] =	ssyncadd.s32 $0xFFFFC180  }
0x49d: {  	[spmem:s1] =	stream.indirect.scatter.add.f32 [tilespmem:s9], [sflag:$0x6], $0x80, s23, s7, $0xb8;
	[tilespmem:$0x1F880] =	vst v63  }
0x49e: {  	_ =	swait.ge [sflag:s5], $0x3E80  }
0x49f: {  	[sflag:s5] =	ssyncset.done $0x0  }
0x4a0: {  	s23 =	simm.s32 $0x3D80;
	[sflag:s5] =	ssyncadd.s32 $0xFFFFC180  }
0x4a1: {  	[tilespmem:s9], [sflag:$0x4] =	stream.indirect.gather [hbm4b:s2+s7], $0x80, s23, s7, $0xb8;
	[tilespmem:$0x1F880] =	vst v63  }
0x4a2: {  	_ =	swait.ge [sflag:s11], $0x3E80  }
0x4a3: {  	s23 =	sld [smem:$0x7D2]  }
0x4a4: {  	[sflag:s11] =	ssyncset.done $0x0  }
0x4a5: {  	[sflag:s11] =	ssyncadd.s32 $0xFFFFC180  }
0x4a6: {  	[spmem:s1] =	stream.indirect.scatter.add.f32 [tilespmem:s8], [sflag:$0x6], $0x80, s23, s7, $0xb8;
	[tilespmem:$0x1F880] =	vst v63  }
0x4a7: {  	_ =	swait.ge [sflag:s5], $0x3E80  }
0x4a8: {  	[sflag:s5] =	ssyncset.done $0x0  }
0x4a9: {  	[sflag:s5] =	ssyncadd.s32 $0xFFFFC180  }
0x4aa: {  	_ =	swait.ge [sflag:s21], $0xA00  }
0x4ab: {  	[sflag:s21] =	ssyncset.done $0x0  }
0x4ac: {  	[sflag:s21] =	ssyncadd.s32 $0xFFFFF600  }
0x4ad: {  	[tilespmem:s8], [sflag:$0x3] =	stream.indirect.gather [hbm4b:s2+s7], $0x80, s3, s7, $0xb8;
	[tilespmem:$0x1F880] =	vst v63  }
0x4ae: {  	_ =	swait.ge [sflag:s10], $0x3E80  }
0x4af: {  	s3 =	sld [smem:$0x7D3]  }
0x4b0: {  	[sflag:s10] =	ssyncset.done $0x0  }
0x4b1: {  	[sflag:s10] =	ssyncadd.s32 $0xFFFFC180  }
0x4b2: {  	[spmem:s1] =	stream.indirect.scatter.add.f32 [tilespmem:s9], [sflag:$0x6], $0x80, s3, s7, $0xb8;
	[tilespmem:$0x1F880] =	vst v63  }
0x4b3: {  	_ =	swait.ge [sflag:s5], $0x3E80  }
0x4b4: {  	[sflag:s5] =	ssyncset.done $0x0  }
0x4b5: {  	s3 =	rddreg [dreg:$0x8];
	[sflag:s5] =	ssyncadd.s32 $0xFFFFC180  }
0x4b6: {  	[tilespmem:s12], [sflag:$0x2] =	stream.linear.gather [hbm4b:s3+s14], $0xA00, $0x38;
	[tilespmem:$0x1F880] =	vst v63  }
0x4b7: {  	_ = 	snop  }
0x4b8: {  	[tilespmem:s9], [sflag:$0x4] =	stream.indirect.gather [hbm4b:s2+s7], $0x80, s6, s7, $0xb8;
	[tilespmem:$0x1F880] =	vst v63  }
0x4b9: {  	_ =	swait.ge [sflag:s11], $0x3E80  }
0x4ba: {  	s6 =	sld [smem:$0x7D4]  }
0x4bb: {  	[sflag:s11] =	ssyncset.done $0x0  }
0x4bc: {  	[sflag:s11] =	ssyncadd.s32 $0xFFFFC180  }
0x4bd: {  	[spmem:s1] =	stream.indirect.scatter.add.f32 [tilespmem:s8], [sflag:$0x6], $0x80, s6, s7, $0xb8;
	[tilespmem:$0x1F880] =	vst v63  }
0x4be: {  	_ =	swait.ge [sflag:s5], $0x3E80  }
0x4bf: {  	[sflag:s5] =	ssyncset.done $0x0  }
0x4c0: {  	s23 =	simm.s32 $0x2900;
	[sflag:s5] =	ssyncadd.s32 $0xFFFFC180  }
0x4c1: {  	[tilespmem:s8], [sflag:$0x3] =	stream.indirect.gather [hbm4b:s2+s7], $0x80, s23, s7, $0xb8;
	[tilespmem:$0x1F880] =	vst v63  }
0x4c2: {  	_ =	swait.ge [sflag:s10], $0x3E80  }
0x4c3: {  	s6 =	sld [smem:$0x7D5]  }
0x4c4: {  	[sflag:s10] =	ssyncset.done $0x0  }
0x4c5: {  	[sflag:s10] =	ssyncadd.s32 $0xFFFFC180  }
0x4c6: {  	[spmem:s1] =	stream.indirect.scatter.add.f32 [tilespmem:s9], [sflag:$0x6], $0x80, s6, s7, $0xb8;
	[tilespmem:$0x1F880] =	vst v63  }
0x4c7: {  	_ =	swait.ge [sflag:s5], $0x3E80  }
0x4c8: {  	[sflag:s5] =	ssyncset.done $0x0  }
0x4c9: {  	[sflag:s5] =	ssyncadd.s32 $0xFFFFC180  }
0x4ca: {  	[tilespmem:s9], [sflag:$0x4] =	stream.indirect.gather [hbm4b:s2+s7], $0x80, s16, s7, $0xb8;
	[tilespmem:$0x1F880] =	vst v63  }
0x4cb: {  	_ =	swait.ge [sflag:s11], $0x3E80  }
0x4cc: {  	s3 =	sld [smem:$0x7D6]  }
0x4cd: {  	[sflag:s11] =	ssyncset.done $0x0  }
0x4ce: {  	[sflag:s11] =	ssyncadd.s32 $0xFFFFC180  }
0x4cf: {  	[spmem:s1] =	stream.indirect.scatter.add.f32 [tilespmem:s8], [sflag:$0x6], $0x80, s3, s7, $0xb8;
	[tilespmem:$0x1F880] =	vst v63  }
0x4d0: {  	_ =	swait.ge [sflag:s5], $0x3E80  }
0x4d1: {  	[sflag:s5] =	ssyncset.done $0x0  }
0x4d2: {  	[sflag:s5] =	ssyncadd.s32 $0xFFFFC180  }
0x4d3: {  	[tilespmem:s8], [sflag:$0x3] =	stream.indirect.gather [hbm4b:s2+s7], $0x80, s13, s7, $0xb8;
	[tilespmem:$0x1F880] =	vst v63  }
0x4d4: {  	s13 =	sld [smem:$0x7C0];
	_ =	swait.ge [sflag:s10], $0x3E80  }
0x4d5: {  	s6 =	sld [smem:$0x7D7]  }
0x4d6: {  	[sflag:s10] =	ssyncset.done $0x0  }
0x4d7: {  	[sflag:s10] =	ssyncadd.s32 $0xFFFFC180  }
0x4d8: {  	[spmem:s1] =	stream.indirect.scatter.add.f32 [tilespmem:s9], [sflag:$0x6], $0x80, s6, s7, $0xb8;
	[tilespmem:$0x1F880] =	vst v63  }
0x4d9: {  	_ =	swait.ge [sflag:s5], $0x3E80  }
0x4da: {  	[sflag:s5] =	ssyncset.done $0x0  }
0x4db: {  	s23 =	simm.s32 $0x2A80;
	[sflag:s5] =	ssyncadd.s32 $0xFFFFC180  }
0x4dc: {  	[tilespmem:s9], [sflag:$0x4] =	stream.indirect.gather [hbm4b:s2+s7], $0x80, s23, s7, $0xb8;
	[tilespmem:$0x1F880] =	vst v63  }
0x4dd: {  	_ =	swait.ge [sflag:s11], $0x3E80  }
0x4de: {  	s6 =	sld [smem:$0x7D8]  }
0x4df: {  	[sflag:s11] =	ssyncset.done $0x0  }
0x4e0: {  	[sflag:s11] =	ssyncadd.s32 $0xFFFFC180  }
0x4e1: {  	[spmem:s1] =	stream.indirect.scatter.add.f32 [tilespmem:s8], [sflag:$0x6], $0x80, s6, s7, $0xb8;
	[tilespmem:$0x1F880] =	vst v63  }
0x4e2: {  	_ =	swait.ge [sflag:s5], $0x3E80  }
0x4e3: {  	[sflag:s5] =	ssyncset.done $0x0  }
0x4e4: {  	s23 =	simm.s32 $0x2B00;
	[sflag:s5] =	ssyncadd.s32 $0xFFFFC180  }
0x4e5: {  	[tilespmem:s8], [sflag:$0x3] =	stream.indirect.gather [hbm4b:s2+s7], $0x80, s23, s7, $0xb8;
	[tilespmem:$0x1F880] =	vst v63  }
0x4e6: {  	_ =	swait.ge [sflag:s10], $0x3E80  }
0x4e7: {  	s6 =	sld [smem:$0x7D9]  }
0x4e8: {  	[sflag:s10] =	ssyncset.done $0x0  }
0x4e9: {  	[sflag:s10] =	ssyncadd.s32 $0xFFFFC180  }
0x4ea: {  	[spmem:s1] =	stream.indirect.scatter.add.f32 [tilespmem:s9], [sflag:$0x6], $0x80, s6, s7, $0xb8;
	[tilespmem:$0x1F880] =	vst v63  }
0x4eb: {  	_ =	swait.ge [sflag:s5], $0x3E80  }
0x4ec: {  	[sflag:s5] =	ssyncset.done $0x0  }
0x4ed: {  	s23 =	simm.s32 $0x2B80;
	[sflag:s5] =	ssyncadd.s32 $0xFFFFC180  }
0x4ee: {  	[tilespmem:s9], [sflag:$0x4] =	stream.indirect.gather [hbm4b:s2+s7], $0x80, s23, s7, $0xb8;
	[tilespmem:$0x1F880] =	vst v63  }
0x4ef: {  	_ =	swait.ge [sflag:s11], $0x3E80  }
0x4f0: {  	s6 =	sld [smem:$0x7DA]  }
0x4f1: {  	[sflag:s11] =	ssyncset.done $0x0  }
0x4f2: {  	[sflag:s11] =	ssyncadd.s32 $0xFFFFC180  }
0x4f3: {  	[spmem:s1] =	stream.indirect.scatter.add.f32 [tilespmem:s8], [sflag:$0x6], $0x80, s6, s7, $0xb8;
	[tilespmem:$0x1F880] =	vst v63  }
0x4f4: {  	_ =	swait.ge [sflag:s5], $0x3E80  }
0x4f5: {  	[sflag:s5] =	ssyncset.done $0x0  }
0x4f6: {  	s23 =	simm.s32 $0x2C00;
	[sflag:s5] =	ssyncadd.s32 $0xFFFFC180  }
0x4f7: {  	[tilespmem:s8], [sflag:$0x3] =	stream.indirect.gather [hbm4b:s2+s7], $0x80, s23, s7, $0xb8;
	[tilespmem:$0x1F880] =	vst v63  }
0x4f8: {  	s6 =	sld [smem:$0x7C1];
	_ =	swait.ge [sflag:s10], $0x3E80  }
0x4f9: {  	s3 =	sld [smem:$0x7DB]  }
0x4fa: {  	[sflag:s10] =	ssyncset.done $0x0  }
0x4fb: {  	[sflag:s10] =	ssyncadd.s32 $0xFFFFC180  }
0x4fc: {  	[spmem:s1] =	stream.indirect.scatter.add.f32 [tilespmem:s9], [sflag:$0x6], $0x80, s3, s7, $0xb8;
	[tilespmem:$0x1F880] =	vst v63  }
0x4fd: {  	_ =	swait.ge [sflag:s5], $0x3E80  }
0x4fe: {  	[sflag:s5] =	ssyncset.done $0x0  }
0x4ff: {  	s23 =	simm.s32 $0x2C80;
	[sflag:s5] =	ssyncadd.s32 $0xFFFFC180  }
0x500: {  	[tilespmem:s9], [sflag:$0x4] =	stream.indirect.gather [hbm4b:s2+s7], $0x80, s23, s7, $0xb8;
	[tilespmem:$0x1F880] =	vst v63  }
0x501: {  	_ =	swait.ge [sflag:s11], $0x3E80  }
0x502: {  	s3 =	sld [smem:$0x7DC]  }
0x503: {  	[sflag:s11] =	ssyncset.done $0x0  }
0x504: {  	[sflag:s11] =	ssyncadd.s32 $0xFFFFC180  }
0x505: {  	[spmem:s1] =	stream.indirect.scatter.add.f32 [tilespmem:s8], [sflag:$0x6], $0x80, s3, s7, $0xb8;
	[tilespmem:$0x1F880] =	vst v63  }
0x506: {  	_ =	swait.ge [sflag:s5], $0x3E80  }
0x507: {  	[sflag:s5] =	ssyncset.done $0x0  }
0x508: {  	s23 =	simm.s32 $0x2D00;
	[sflag:s5] =	ssyncadd.s32 $0xFFFFC180  }
0x509: {  	[tilespmem:s8], [sflag:$0x3] =	stream.indirect.gather [hbm4b:s2+s7], $0x80, s23, s7, $0xb8;
	[tilespmem:$0x1F880] =	vst v63  }
0x50a: {  	_ =	swait.ge [sflag:s10], $0x3E80  }
0x50b: {  	s3 =	sld [smem:$0x7DD]  }
0x50c: {  	[sflag:s10] =	ssyncset.done $0x0  }
0x50d: {  	[sflag:s10] =	ssyncadd.s32 $0xFFFFC180  }
0x50e: {  	[spmem:s1] =	stream.indirect.scatter.add.f32 [tilespmem:s9], [sflag:$0x6], $0x80, s3, s7, $0xb8;
	[tilespmem:$0x1F880] =	vst v63  }
0x50f: {  	_ =	swait.ge [sflag:s5], $0x3E80  }
0x510: {  	[sflag:s5] =	ssyncset.done $0x0  }
0x511: {  	s23 =	simm.s32 $0x2D80;
	[sflag:s5] =	ssyncadd.s32 $0xFFFFC180  }
0x512: {  	[tilespmem:s9], [sflag:$0x4] =	stream.indirect.gather [hbm4b:s2+s7], $0x80, s23, s7, $0xb8;
	[tilespmem:$0x1F880] =	vst v63  }
0x513: {  	_ =	swait.ge [sflag:s11], $0x3E80  }
0x514: {  	s3 =	sld [smem:$0x7DE]  }
0x515: {  	[sflag:s11] =	ssyncset.done $0x0  }
0x516: {  	[sflag:s11] =	ssyncadd.s32 $0xFFFFC180  }
0x517: {  	[spmem:s1] =	stream.indirect.scatter.add.f32 [tilespmem:s8], [sflag:$0x6], $0x80, s3, s7, $0xb8;
	[tilespmem:$0x1F880] =	vst v63  }
0x518: {  	_ =	swait.ge [sflag:s5], $0x3E80  }
0x519: {  	[sflag:s5] =	ssyncset.done $0x0  }
0x51a: {  	s23 =	simm.s32 $0x2E00;
	[sflag:s5] =	ssyncadd.s32 $0xFFFFC180  }
0x51b: {  	[tilespmem:s8], [sflag:$0x3] =	stream.indirect.gather [hbm4b:s2+s7], $0x80, s23, s7, $0xb8;
	[tilespmem:$0x1F880] =	vst v63  }
0x51c: {  	_ =	swait.ge [sflag:s10], $0x3E80  }
0x51d: {  	s3 =	sld [smem:$0x7DF]  }
0x51e: {  	[sflag:s10] =	ssyncset.done $0x0  }
0x51f: {  	[sflag:s10] =	ssyncadd.s32 $0xFFFFC180  }
0x520: {  	[spmem:s1] =	stream.indirect.scatter.add.f32 [tilespmem:s9], [sflag:$0x6], $0x80, s3, s7, $0xb8;
	[tilespmem:$0x1F880] =	vst v63  }
0x521: {  	_ =	swait.ge [sflag:s5], $0x3E80  }
0x522: {  	[sflag:s5] =	ssyncset.done $0x0  }
0x523: {  	s23 =	simm.s32 $0x2E80;
	[sflag:s5] =	ssyncadd.s32 $0xFFFFC180  }
0x524: {  	[tilespmem:s9], [sflag:$0x4] =	stream.indirect.gather [hbm4b:s2+s7], $0x80, s23, s7, $0xb8;
	[tilespmem:$0x1F880] =	vst v63  }
0x525: {  	_ =	swait.ge [sflag:s11], $0x3E80  }
0x526: {  	s3 =	sld [smem:$0x7E0]  }
0x527: {  	[sflag:s11] =	ssyncset.done $0x0  }
0x528: {  	[sflag:s11] =	ssyncadd.s32 $0xFFFFC180  }
0x529: {  	[spmem:s1] =	stream.indirect.scatter.add.f32 [tilespmem:s8], [sflag:$0x6], $0x80, s3, s7, $0xb8;
	[tilespmem:$0x1F880] =	vst v63  }
0x52a: {  	_ =	swait.ge [sflag:s5], $0x3E80  }
0x52b: {  	[sflag:s5] =	ssyncset.done $0x0  }
0x52c: {  	s23 =	simm.s32 $0x2F00;
	[sflag:s5] =	ssyncadd.s32 $0xFFFFC180  }
0x52d: {  	[tilespmem:s8], [sflag:$0x3] =	stream.indirect.gather [hbm4b:s2+s7], $0x80, s23, s7, $0xb8;
	[tilespmem:$0x1F880] =	vst v63  }
0x52e: {  	_ =	swait.ge [sflag:s10], $0x3E80  }
0x52f: {  	s3 =	sld [smem:$0x7E1]  }
0x530: {  	[sflag:s10] =	ssyncset.done $0x0  }
0x531: {  	[sflag:s10] =	ssyncadd.s32 $0xFFFFC180  }
0x532: {  	[spmem:s1] =	stream.indirect.scatter.add.f32 [tilespmem:s9], [sflag:$0x6], $0x80, s3, s7, $0xb8;
	[tilespmem:$0x1F880] =	vst v63  }
0x533: {  	_ =	swait.ge [sflag:s5], $0x3E80  }
0x534: {  	[sflag:s5] =	ssyncset.done $0x0  }
0x535: {  	s23 =	simm.s32 $0x2F80;
	[sflag:s5] =	ssyncadd.s32 $0xFFFFC180  }
0x536: {  	[tilespmem:s9], [sflag:$0x4] =	stream.indirect.gather [hbm4b:s2+s7], $0x80, s23, s7, $0xb8;
	[tilespmem:$0x1F880] =	vst v63  }
0x537: {  	_ =	swait.ge [sflag:s11], $0x3E80  }
0x538: {  	s3 =	sld [smem:$0x7E2]  }
0x539: {  	[sflag:s11] =	ssyncset.done $0x0  }
0x53a: {  	[sflag:s11] =	ssyncadd.s32 $0xFFFFC180  }
0x53b: {  	[spmem:s1] =	stream.indirect.scatter.add.f32 [tilespmem:s8], [sflag:$0x6], $0x80, s3, s7, $0xb8;
	[tilespmem:$0x1F880] =	vst v63  }
0x53c: {  	_ =	swait.ge [sflag:s5], $0x3E80  }
0x53d: {  	[sflag:s5] =	ssyncset.done $0x0  }
0x53e: {  	s23 =	simm.s32 $0x3000;
	[sflag:s5] =	ssyncadd.s32 $0xFFFFC180  }
0x53f: {  	[tilespmem:s8], [sflag:$0x3] =	stream.indirect.gather [hbm4b:s2+s7], $0x80, s23, s7, $0xb8;
	[tilespmem:$0x1F880] =	vst v63  }
0x540: {  	_ =	swait.ge [sflag:s10], $0x3E80  }
0x541: {  	s3 =	sld [smem:$0x7E3]  }
0x542: {  	[sflag:s10] =	ssyncset.done $0x0  }
0x543: {  	[sflag:s10] =	ssyncadd.s32 $0xFFFFC180  }
0x544: {  	[spmem:s1] =	stream.indirect.scatter.add.f32 [tilespmem:s9], [sflag:$0x6], $0x80, s3, s7, $0xb8;
	[tilespmem:$0x1F880] =	vst v63  }
0x545: {  	_ =	swait.ge [sflag:s5], $0x3E80  }
0x546: {  	[sflag:s5] =	ssyncset.done $0x0  }
0x547: {  	s23 =	simm.s32 $0x3080;
	[sflag:s5] =	ssyncadd.s32 $0xFFFFC180  }
0x548: {  	[tilespmem:s9], [sflag:$0x4] =	stream.indirect.gather [hbm4b:s2+s7], $0x80, s23, s7, $0xb8;
	[tilespmem:$0x1F880] =	vst v63  }
0x549: {  	_ =	swait.ge [sflag:s11], $0x3E80  }
0x54a: {  	s3 =	sld [smem:$0x7E4]  }
0x54b: {  	[sflag:s11] =	ssyncset.done $0x0  }
0x54c: {  	[sflag:s11] =	ssyncadd.s32 $0xFFFFC180  }
0x54d: {  	[spmem:s1] =	stream.indirect.scatter.add.f32 [tilespmem:s8], [sflag:$0x6], $0x80, s3, s7, $0xb8;
	[tilespmem:$0x1F880] =	vst v63  }
0x54e: {  	_ =	swait.ge [sflag:s5], $0x3E80  }
0x54f: {  	[sflag:s5] =	ssyncset.done $0x0  }
0x550: {  	s23 =	simm.s32 $0x3100;
	[sflag:s5] =	ssyncadd.s32 $0xFFFFC180  }
0x551: {  	[tilespmem:s8], [sflag:$0x3] =	stream.indirect.gather [hbm4b:s2+s7], $0x80, s23, s7, $0xb8;
	[tilespmem:$0x1F880] =	vst v63  }
0x552: {  	_ =	swait.ge [sflag:s10], $0x3E80  }
0x553: {  	s3 =	sld [smem:$0x7E5]  }
0x554: {  	[sflag:s10] =	ssyncset.done $0x0  }
0x555: {  	[sflag:s10] =	ssyncadd.s32 $0xFFFFC180  }
0x556: {  	[spmem:s1] =	stream.indirect.scatter.add.f32 [tilespmem:s9], [sflag:$0x6], $0x80, s3, s7, $0xb8;
	[tilespmem:$0x1F880] =	vst v63  }
0x557: {  	_ =	swait.ge [sflag:s5], $0x3E80  }
0x558: {  	[sflag:s5] =	ssyncset.done $0x0  }
0x559: {  	s23 =	simm.s32 $0x3180;
	[sflag:s5] =	ssyncadd.s32 $0xFFFFC180  }
0x55a: {  	[tilespmem:s9], [sflag:$0x4] =	stream.indirect.gather [hbm4b:s2+s7], $0x80, s23, s7, $0xb8;
	[tilespmem:$0x1F880] =	vst v63  }
0x55b: {  	_ =	swait.ge [sflag:s11], $0x3E80  }
0x55c: {  	s3 =	sld [smem:$0x7E6]  }
0x55d: {  	[sflag:s11] =	ssyncset.done $0x0  }
0x55e: {  	[sflag:s11] =	ssyncadd.s32 $0xFFFFC180  }
0x55f: {  	[spmem:s1] =	stream.indirect.scatter.add.f32 [tilespmem:s8], [sflag:$0x6], $0x80, s3, s7, $0xb8;
	[tilespmem:$0x1F880] =	vst v63  }
0x560: {  	_ =	swait.ge [sflag:s5], $0x3E80  }
0x561: {  	[sflag:s5] =	ssyncset.done $0x0  }
0x562: {  	[sflag:s5] =	ssyncadd.s32 $0xFFFFC180  }
0x563: {  	_ =	swait.ge [sflag:s0], $0xA00  }
0x564: {  	[sflag:s0] =	ssyncset.done $0x0  }
0x565: {  	s16 =	simm.s32 $0x3400;
	[sflag:s0] =	ssyncadd.s32 $0xFFFFF600  }
0x566: {  	[tilespmem:s8], [sflag:$0x3] =	stream.indirect.gather [hbm4b:s2+s7], $0x80, s16, s7, $0xb8;
	[tilespmem:$0x1F880] =	vst v63  }
0x567: {  	_ =	swait.ge [sflag:s10], $0x3E80  }
0x568: {  	s0 =	sld [smem:$0x7E7]  }
0x569: {  	[sflag:s10] =	ssyncset.done $0x0  }
0x56a: {  	[sflag:s10] =	ssyncadd.s32 $0xFFFFC180  }
0x56b: {  	[spmem:s1] =	stream.indirect.scatter.add.f32 [tilespmem:s9], [sflag:$0x6], $0x80, s0, s7, $0xb8;
	[tilespmem:$0x1F880] =	vst v63  }
0x56c: {  	_ =	swait.ge [sflag:s5], $0x3E80  }
0x56d: {  	[sflag:s5] =	ssyncset.done $0x0  }
0x56e: {  	[sflag:s5] =	ssyncadd.s32 $0xFFFFC180  }
0x56f: {  	[tilespmem:s9], [sflag:$0x4] =	stream.indirect.gather [hbm4b:s2+s7], $0x80, s15, s7, $0xb8;
	[tilespmem:$0x1F880] =	vst v63  }
0x570: {  	_ =	swait.ge [sflag:s11], $0x3E80  }
0x571: {  	s3 =	sld [smem:$0x7E8]  }
0x572: {  	[sflag:s11] =	ssyncset.done $0x0  }
0x573: {  	[sflag:s11] =	ssyncadd.s32 $0xFFFFC180  }
0x574: {  	[spmem:s1] =	stream.indirect.scatter.add.f32 [tilespmem:s8], [sflag:$0x6], $0x80, s3, s7, $0xb8;
	[tilespmem:$0x1F880] =	vst v63  }
0x575: {  	_ =	swait.ge [sflag:s5], $0x3E80  }
0x576: {  	[sflag:s5] =	ssyncset.done $0x0  }
0x577: {  	s23 =	simm.s32 $0x3500;
	[sflag:s5] =	ssyncadd.s32 $0xFFFFC180  }
0x578: {  	[tilespmem:s8], [sflag:$0x3] =	stream.indirect.gather [hbm4b:s2+s7], $0x80, s23, s7, $0xb8;
	[tilespmem:$0x1F880] =	vst v63  }
0x579: {  	_ =	swait.ge [sflag:s10], $0x3E80  }
0x57a: {  	s0 =	sld [smem:$0x7E9]  }
0x57b: {  	[sflag:s10] =	ssyncset.done $0x0  }
0x57c: {  	[sflag:s10] =	ssyncadd.s32 $0xFFFFC180  }
0x57d: {  	[spmem:s1] =	stream.indirect.scatter.add.f32 [tilespmem:s9], [sflag:$0x6], $0x80, s0, s7, $0xb8;
	[tilespmem:$0x1F880] =	vst v63  }
0x57e: {  	_ =	swait.ge [sflag:s5], $0x3E80  }
0x57f: {  	[sflag:s5] =	ssyncset.done $0x0  }
0x580: {  	[sflag:s5] =	ssyncadd.s32 $0xFFFFC180  }
0x581: {  	[tilespmem:s9], [sflag:$0x4] =	stream.indirect.gather [hbm4b:s2+s7], $0x80, s26, s7, $0xb8;
	[tilespmem:$0x1F880] =	vst v63  }
0x582: {  	s26 =	sld [smem:$0x7C2];
	_ =	swait.ge [sflag:s11], $0x3E80  }
0x583: {  	s3 =	sld [smem:$0x7EA]  }
0x584: {  	[sflag:s11] =	ssyncset.done $0x0  }
0x585: {  	[sflag:s11] =	ssyncadd.s32 $0xFFFFC180  }
0x586: {  	[spmem:s1] =	stream.indirect.scatter.add.f32 [tilespmem:s8], [sflag:$0x6], $0x80, s3, s7, $0xb8;
	[tilespmem:$0x1F880] =	vst v63  }
0x587: {  	_ =	swait.ge [sflag:s5], $0x3E80  }
0x588: {  	[sflag:s5] =	ssyncset.done $0x0  }
0x589: {  	[sflag:s5] =	ssyncadd.s32 $0xFFFFC180  }
0x58a: {  	[tilespmem:s8], [sflag:$0x3] =	stream.indirect.gather [hbm4b:s2+s7], $0x80, s24, s7, $0xb8;
	[tilespmem:$0x1F880] =	vst v63  }
0x58b: {  	_ =	swait.ge [sflag:s10], $0x3E80  }
0x58c: {  	s0 =	sld [smem:$0x7EB]  }
0x58d: {  	[sflag:s10] =	ssyncset.done $0x0  }
0x58e: {  	[sflag:s10] =	ssyncadd.s32 $0xFFFFC180  }
0x58f: {  	[spmem:s1] =	stream.indirect.scatter.add.f32 [tilespmem:s9], [sflag:$0x6], $0x80, s0, s7, $0xb8;
	[tilespmem:$0x1F880] =	vst v63  }
0x590: {  	_ =	swait.ge [sflag:s5], $0x3E80  }
0x591: {  	[sflag:s5] =	ssyncset.done $0x0  }
0x592: {  	[sflag:s5] =	ssyncadd.s32 $0xFFFFC180  }
0x593: {  	[tilespmem:s9], [sflag:$0x4] =	stream.indirect.gather [hbm4b:s2+s7], $0x80, s19, s7, $0xb8;
	[tilespmem:$0x1F880] =	vst v63  }
0x594: {  	_ =	swait.ge [sflag:s11], $0x3E80  }
0x595: {  	s3 =	sld [smem:$0x7EC]  }
0x596: {  	[sflag:s11] =	ssyncset.done $0x0  }
0x597: {  	[sflag:s11] =	ssyncadd.s32 $0xFFFFC180  }
0x598: {  	[spmem:s1] =	stream.indirect.scatter.add.f32 [tilespmem:s8], [sflag:$0x6], $0x80, s3, s7, $0xb8;
	[tilespmem:$0x1F880] =	vst v63  }
0x599: {  	_ =	swait.ge [sflag:s5], $0x3E80  }
0x59a: {  	[sflag:s5] =	ssyncset.done $0x0  }
0x59b: {  	[sflag:s5] =	ssyncadd.s32 $0xFFFFC180  }
0x59c: {  	[tilespmem:s8], [sflag:$0x3] =	stream.indirect.gather [hbm4b:s2+s7], $0x80, s25, s7, $0xb8;
	[tilespmem:$0x1F880] =	vst v63  }
0x59d: {  	_ =	swait.ge [sflag:s10], $0x3E80  }
0x59e: {  	s24 =	sld [smem:$0x7ED]  }
0x59f: {  	[sflag:s10] =	ssyncset.done $0x0  }
0x5a0: {  	[sflag:s10] =	ssyncadd.s32 $0xFFFFC180  }
0x5a1: {  	[spmem:s1] =	stream.indirect.scatter.add.f32 [tilespmem:s9], [sflag:$0x6], $0x80, s24, s7, $0xb8;
	[tilespmem:$0x1F880] =	vst v63  }
0x5a2: {  	_ =	swait.ge [sflag:s5], $0x3E80  }
0x5a3: {  	[sflag:s5] =	ssyncset.done $0x0  }
0x5a4: {  	[sflag:s5] =	ssyncadd.s32 $0xFFFFC180  }
0x5a5: {  	[tilespmem:s9], [sflag:$0x4] =	stream.indirect.gather [hbm4b:s2+s7], $0x80, s29, s7, $0xb8;
	[tilespmem:$0x1F880] =	vst v63  }
0x5a6: {  	_ =	swait.ge [sflag:s11], $0x3E80  }
0x5a7: {  	s0 =	sld [smem:$0x7EE]  }
0x5a8: {  	[sflag:s11] =	ssyncset.done $0x0  }
0x5a9: {  	[sflag:s11] =	ssyncadd.s32 $0xFFFFC180  }
0x5aa: {  	[spmem:s1] =	stream.indirect.scatter.add.f32 [tilespmem:s8], [sflag:$0x6], $0x80, s0, s7, $0xb8;
	[tilespmem:$0x1F880] =	vst v63  }
0x5ab: {  	_ =	swait.ge [sflag:s5], $0x3E80  }
0x5ac: {  	[sflag:s5] =	ssyncset.done $0x0  }
0x5ad: {  	[sflag:s5] =	ssyncadd.s32 $0xFFFFC180  }
0x5ae: {  	[tilespmem:s8], [sflag:$0x3] =	stream.indirect.gather [hbm4b:s2+s7], $0x80, s28, s7, $0xb8;
	[tilespmem:$0x1F880] =	vst v63  }
0x5af: {  	_ =	swait.ge [sflag:s10], $0x3E80  }
0x5b0: {  	s3 =	sld [smem:$0x7EF]  }
0x5b1: {  	[sflag:s10] =	ssyncset.done $0x0  }
0x5b2: {  	[sflag:s10] =	ssyncadd.s32 $0xFFFFC180  }
0x5b3: {  	[spmem:s1] =	stream.indirect.scatter.add.f32 [tilespmem:s9], [sflag:$0x6], $0x80, s3, s7, $0xb8;
	[tilespmem:$0x1F880] =	vst v63  }
0x5b4: {  	_ =	swait.ge [sflag:s5], $0x3E80  }
0x5b5: {  	[sflag:s5] =	ssyncset.done $0x0  }
0x5b6: {  	s23 =	simm.s32 $0x3880;
	[sflag:s5] =	ssyncadd.s32 $0xFFFFC180  }
0x5b7: {  	[tilespmem:s9], [sflag:$0x4] =	stream.indirect.gather [hbm4b:s2+s7], $0x80, s23, s7, $0xb8;
	[tilespmem:$0x1F880] =	vst v63  }
0x5b8: {  	_ =	swait.ge [sflag:s11], $0x3E80  }
0x5b9: {  	s24 =	sld [smem:$0x7F0]  }
0x5ba: {  	[sflag:s11] =	ssyncset.done $0x0  }
0x5bb: {  	[sflag:s11] =	ssyncadd.s32 $0xFFFFC180  }
0x5bc: {  	[spmem:s1] =	stream.indirect.scatter.add.f32 [tilespmem:s8], [sflag:$0x6], $0x80, s24, s7, $0xb8;
	[tilespmem:$0x1F880] =	vst v63  }
0x5bd: {  	_ =	swait.ge [sflag:s5], $0x3E80  }
0x5be: {  	[sflag:s5] =	ssyncset.done $0x0  }
0x5bf: {  	[sflag:s5] =	ssyncadd.s32 $0xFFFFC180  }
0x5c0: {  	[tilespmem:s8], [sflag:$0x3] =	stream.indirect.gather [hbm4b:s2+s7], $0x80, s30, s7, $0xb8;
	[tilespmem:$0x1F880] =	vst v63  }
0x5c1: {  	_ =	swait.ge [sflag:s10], $0x3E80  }
0x5c2: {  	s0 =	sld [smem:$0x7F1]  }
0x5c3: {  	[sflag:s10] =	ssyncset.done $0x0  }
0x5c4: {  	[sflag:s10] =	ssyncadd.s32 $0xFFFFC180  }
0x5c5: {  	[spmem:s1] =	stream.indirect.scatter.add.f32 [tilespmem:s9], [sflag:$0x6], $0x80, s0, s7, $0xb8;
	[tilespmem:$0x1F880] =	vst v63  }
0x5c6: {  	_ =	swait.ge [sflag:s5], $0x3E80  }
0x5c7: {  	[sflag:s5] =	ssyncset.done $0x0  }
0x5c8: {  	[sflag:s5] =	ssyncadd.s32 $0xFFFFC180  }
0x5c9: {  	[tilespmem:s9], [sflag:$0x4] =	stream.indirect.gather [hbm4b:s2+s7], $0x80, s18, s7, $0xb8;
	[tilespmem:$0x1F880] =	vst v63  }
0x5ca: {  	_ =	swait.ge [sflag:s11], $0x3E80  }
0x5cb: {  	s3 =	sld [smem:$0x7F2]  }
0x5cc: {  	[sflag:s11] =	ssyncset.done $0x0  }
0x5cd: {  	[sflag:s11] =	ssyncadd.s32 $0xFFFFC180  }
0x5ce: {  	[spmem:s1] =	stream.indirect.scatter.add.f32 [tilespmem:s8], [sflag:$0x6], $0x80, s3, s7, $0xb8;
	[tilespmem:$0x1F880] =	vst v63  }
0x5cf: {  	_ =	swait.ge [sflag:s5], $0x3E80  }
0x5d0: {  	[sflag:s5] =	ssyncset.done $0x0  }
0x5d1: {  	[sflag:s5] =	ssyncadd.s32 $0xFFFFC180  }
0x5d2: {  	[tilespmem:s8], [sflag:$0x3] =	stream.indirect.gather [hbm4b:s2+s7], $0x80, s31, s7, $0xb8;
	[tilespmem:$0x1F880] =	vst v63  }
0x5d3: {  	_ =	swait.ge [sflag:s10], $0x3E80  }
0x5d4: {  	s24 =	sld [smem:$0x7F3]  }
0x5d5: {  	[sflag:s10] =	ssyncset.done $0x0  }
0x5d6: {  	[sflag:s10] =	ssyncadd.s32 $0xFFFFC180  }
0x5d7: {  	[spmem:s1] =	stream.indirect.scatter.add.f32 [tilespmem:s9], [sflag:$0x6], $0x80, s24, s7, $0xb8;
	[tilespmem:$0x1F880] =	vst v63  }
0x5d8: {  	_ =	swait.ge [sflag:s5], $0x3E80  }
0x5d9: {  	[sflag:s5] =	ssyncset.done $0x0  }
0x5da: {  	[sflag:s5] =	ssyncadd.s32 $0xFFFFC180  }
0x5db: {  	[tilespmem:s9], [sflag:$0x4] =	stream.indirect.gather [hbm4b:s2+s7], $0x80, s17, s7, $0xb8;
	[tilespmem:$0x1F880] =	vst v63  }
0x5dc: {  	_ =	swait.ge [sflag:s11], $0x3E80  }
0x5dd: {  	s0 =	sld [smem:$0x7F4]  }
0x5de: {  	[sflag:s11] =	ssyncset.done $0x0  }
0x5df: {  	[sflag:s11] =	ssyncadd.s32 $0xFFFFC180  }
0x5e0: {  	[spmem:s1] =	stream.indirect.scatter.add.f32 [tilespmem:s8], [sflag:$0x6], $0x80, s0, s7, $0xb8;
	[tilespmem:$0x1F880] =	vst v63  }
0x5e1: {  	_ =	swait.ge [sflag:s5], $0x3E80  }
0x5e2: {  	[sflag:s5] =	ssyncset.done $0x0  }
0x5e3: {  	s3 =	simm.s32 $0x3B00;
	[sflag:s5] =	ssyncadd.s32 $0xFFFFC180  }
0x5e4: {  	[tilespmem:s8], [sflag:$0x3] =	stream.indirect.gather [hbm4b:s2+s7], $0x80, s3, s7, $0xb8;
	[tilespmem:$0x1F880] =	vst v63  }
0x5e5: {  	_ =	swait.ge [sflag:s10], $0x3E80  }
0x5e6: {  	s17 =	sld [smem:$0x7F5]  }
0x5e7: {  	[sflag:s10] =	ssyncset.done $0x0  }
0x5e8: {  	[sflag:s10] =	ssyncadd.s32 $0xFFFFC180  }
0x5e9: {  	[spmem:s1] =	stream.indirect.scatter.add.f32 [tilespmem:s9], [sflag:$0x6], $0x80, s17, s7, $0xb8;
	[tilespmem:$0x1F880] =	vst v63  }
0x5ea: {  	_ =	swait.ge [sflag:s5], $0x3E80  }
0x5eb: {  	[sflag:s5] =	ssyncset.done $0x0  }
0x5ec: {  	s24 =	simm.s32 $0x3B80;
	[sflag:s5] =	ssyncadd.s32 $0xFFFFC180  }
0x5ed: {  	[tilespmem:s9], [sflag:$0x4] =	stream.indirect.gather [hbm4b:s2+s7], $0x80, s24, s7, $0xb8;
	[tilespmem:$0x1F880] =	vst v63  }
0x5ee: {  	_ =	swait.ge [sflag:s11], $0x3E80  }
0x5ef: {  	s0 =	sld [smem:$0x7F6]  }
0x5f0: {  	[sflag:s11] =	ssyncset.done $0x0  }
0x5f1: {  	[sflag:s11] =	ssyncadd.s32 $0xFFFFC180  }
0x5f2: {  	[spmem:s1] =	stream.indirect.scatter.add.f32 [tilespmem:s8], [sflag:$0x6], $0x80, s0, s7, $0xb8;
	[tilespmem:$0x1F880] =	vst v63  }
0x5f3: {  	_ =	swait.ge [sflag:s5], $0x3E80  }
0x5f4: {  	[sflag:s5] =	ssyncset.done $0x0  }
0x5f5: {  	s3 =	simm.s32 $0x3C00;
	[sflag:s5] =	ssyncadd.s32 $0xFFFFC180  }
0x5f6: {  	[tilespmem:s8], [sflag:$0x3] =	stream.indirect.gather [hbm4b:s2+s7], $0x80, s3, s7, $0xb8;
	[tilespmem:$0x1F880] =	vst v63  }
0x5f7: {  	_ =	swait.ge [sflag:s10], $0x3E80  }
0x5f8: {  	s17 =	sld [smem:$0x7F7]  }
0x5f9: {  	[sflag:s10] =	ssyncset.done $0x0  }
0x5fa: {  	[sflag:s10] =	ssyncadd.s32 $0xFFFFC180  }
0x5fb: {  	[spmem:s1] =	stream.indirect.scatter.add.f32 [tilespmem:s9], [sflag:$0x6], $0x80, s17, s7, $0xb8;
	[tilespmem:$0x1F880] =	vst v63  }
0x5fc: {  	_ =	swait.ge [sflag:s5], $0x3E80  }
0x5fd: {  	[sflag:s5] =	ssyncset.done $0x0  }
0x5fe: {  	[sflag:s5] =	ssyncadd.s32 $0xFFFFC180  }
0x5ff: {  	[tilespmem:s9], [sflag:$0x4] =	stream.indirect.gather [hbm4b:s2+s7], $0x80, s20, s7, $0xb8;
	[tilespmem:$0x1F880] =	vst v63  }
0x600: {  	_ =	swait.ge [sflag:s11], $0x3E80  }
0x601: {  	s20 =	sld [smem:$0x7F8]  }
0x602: {  	[sflag:s11] =	ssyncset.done $0x0  }
0x603: {  	[sflag:s11] =	ssyncadd.s32 $0xFFFFC180  }
0x604: {  	[spmem:s1] =	stream.indirect.scatter.add.f32 [tilespmem:s8], [sflag:$0x6], $0x80, s20, s7, $0xb8;
	[tilespmem:$0x1F880] =	vst v63  }
0x605: {  	_ =	swait.ge [sflag:s5], $0x3E80  }
0x606: {  	[sflag:s5] =	ssyncset.done $0x0  }
0x607: {  	s24 =	simm.s32 $0x3D00;
	[sflag:s5] =	ssyncadd.s32 $0xFFFFC180  }
0x608: {  	[tilespmem:s8], [sflag:$0x3] =	stream.indirect.gather [hbm4b:s2+s7], $0x80, s24, s7, $0xb8;
	[tilespmem:$0x1F880] =	vst v63  }
0x609: {  	_ =	swait.ge [sflag:s10], $0x3E80  }
0x60a: {  	s0 =	sld [smem:$0x7F9]  }
0x60b: {  	[sflag:s10] =	ssyncset.done $0x0  }
0x60c: {  	[sflag:s10] =	ssyncadd.s32 $0xFFFFC180  }
0x60d: {  	[spmem:s1] =	stream.indirect.scatter.add.f32 [tilespmem:s9], [sflag:$0x6], $0x80, s0, s7, $0xb8;
	[tilespmem:$0x1F880] =	vst v63  }
0x60e: {  	_ =	swait.ge [sflag:s5], $0x3E80  }
0x60f: {  	[sflag:s5] =	ssyncset.done $0x0  }
0x610: {  	s3 =	simm.s32 $0x3D80;
	[sflag:s5] =	ssyncadd.s32 $0xFFFFC180  }
0x611: {  	[tilespmem:s9], [sflag:$0x4] =	stream.indirect.gather [hbm4b:s2+s7], $0x80, s3, s7, $0xb8;
	[tilespmem:$0x1F880] =	vst v63  }
0x612: {  	_ =	swait.ge [sflag:s11], $0x3E80  }
0x613: {  	s17 =	sld [smem:$0x7FA]  }
0x614: {  	[sflag:s11] =	ssyncset.done $0x0  }
0x615: {  	[sflag:s11] =	ssyncadd.s32 $0xFFFFC180  }
0x616: {  	[spmem:s1] =	stream.indirect.scatter.add.f32 [tilespmem:s8], [sflag:$0x6], $0x80, s17, s7, $0xb8;
	[tilespmem:$0x1F880] =	vst v63  }
0x617: {  	_ =	swait.ge [sflag:s5], $0x3E80  }
0x618: {  	[sflag:s5] =	ssyncset.done $0x0  }
0x619: {  	[sflag:s5] =	ssyncadd.s32 $0xFFFFC180  }
0x61a: {  	_ =	swait.ge [sflag:s10], $0x3E80  }
0x61b: {  	s20 =	sld [smem:$0x7FB]  }
0x61c: {  	[sflag:s10] =	ssyncset.done $0x0  }
0x61d: {  	[sflag:s10] =	ssyncadd.s32 $0xFFFFC180  }
0x61e: {  	[spmem:s1] =	stream.indirect.scatter.add.f32 [tilespmem:s9], [sflag:$0x6], $0x80, s20, s7, $0xb8;
	[tilespmem:$0x1F880] =	vst v63  }
0x61f: {  	_ =	swait.ge [sflag:s5], $0x3E80  }
0x620: {  	[sflag:s5] =	ssyncset.done $0x0  }
0x621: {  	[sflag:s5] =	ssyncadd.s32 $0xFFFFC180  }
0x622: {  	[bflag:$0x0] =	sbarrier.arrive $0xFFFF  }
0x623: {  	s24 =	sld [smem:$0x7FC];
	_ =	sdelay $0x2  }
0x624: {  	[hbm:s24], [sflag:s26] =	dma.local [spmem:s13], $0x2700  }
0x625: {  	s22 =	sadd.s32 $0xFFFFFFFF, s22;
	_ =	swait.ge [sflag:s5], $0x2700  }
0x626: {  	p2 =	sne.s32 s22, $0x0;
	s23 =	sld [smem:$0x7FD]  }
.Ltmp2:
0x627: {  	[sflag:s5] =	ssyncset.done $0x0;
	(pc) =	sbr.rel @p2 .LBB2_4-.Ltmp2, $4  }
0x628: {  	[sflag:s5] =	ssyncadd.s32 $0xFFFFD900  }
0x629: {  	[hbm:s23], [sflag:s26] =	dma.local @!p0 [spmem:s6], $0x100  }
0x62a: {  	_ =	swait.ge @!p0 [sflag:s4], $0x100  }
0x62b: {  	s12 =	simm.s32 $0x0;
	s23 =	rddreg [dreg:$0x4];
	[sflag:s4] =	ssyncset.done @!p0 $0x0  }
0x62c: {  	s24 =	rddreg [dreg:$0x3];
	s20 =	simm.s32 $0x5;
	s12 =	simm.s32 $0x2800  }
0x62d: {  	s17 =	sld [smem:$0x7BF];
	s15 =	simm.s32 $0x2;
	s3 =	simm.s32 $0x1  }
.LBB2_6:
0x62e: {  	p1 =	por p0, !p1  }
0x62f: {  	s14 =	simm.s32 $0x0;
	[sflag:s4] =	ssyncadd.s32 @!p1 $0xFFFFFF00  }
0x630: {  	[tilespmem:s12], [sflag:$0x1] =	stream.linear.gather [hbm4b:s23+s14], $0xA00, $0x38;
	[tilespmem:$0x1F880] =	vst v63  }
0x631: {  	s21 =	rddreg [dreg:$0x5]  }
0x632: {  	[tilespmem:s14], [sflag:$0x5] =	stream.linear.gather [hbm4b:s21+s14], $0x2800, $0x38;
	[tilespmem:$0x1F880] =	vst v63  }
0x633: {  	[spmem:s13], [sflag:s26] =	dma.local [hbm:s17], $0x2700  }
0x634: {  	_ =	swait.ge [sflag:s5], $0x2700  }
0x635: {  	[sflag:s5] =	ssyncset.done $0x0  }
0x636: {  	s19 =	simm.s32 @!p0 $0x6;
	[sflag:s5] =	ssyncadd.s32 $0xFFFFD900  }
0x637: {  	[spmem:s6], [sflag:s26] =	dma.local @!p0 [hbm:s17], $0x100  }
0x638: {  	_ =	swait.ge @!p0 [sflag:s19], $0x100  }
0x639: {  	[sflag:s19] =	ssyncset.done @!p0 $0x0  }
0x63a: {  	[sflag:s19] =	ssyncadd.s32 @!p0 $0xFFFFFF00  }
0x63b: {  	_ =	swait.ge [sflag:s3], $0xA00  }
0x63c: {  	[sflag:s3] =	ssyncset.done $0x0  }
0x63d: {  	[sflag:s3] =	ssyncadd.s32 $0xFFFFF600  }
0x63e: {  	_ =	swait.ge [sflag:s20], $0x2800  }
0x63f: {  	[sflag:s20] =	ssyncset.done $0x0  }
0x640: {  	[sflag:s20] =	ssyncadd.s32 $0xFFFFD800  }
0x641: {  	[bflag:$0x0] =	sbarrier.arrive $0xFFFF  }
0x642: {  	[tilespmem:s8], [sflag:$0x3] =	stream.indirect.gather [hbm4b:s2+s7], $0x80, s12, s7, $0xb8;
	[tilespmem:$0x1F880] =	vst v63  }
0x643: {  	s25 =	rddreg [dreg:$0x6]  }
0x644: {  	[tilespmem:s16], [sflag:$0x2] =	stream.linear.gather [hbm4b:s25+s14], $0xA00, $0x38;
	[tilespmem:$0x1F880] =	vst v63  }
0x645: {  	s0 =	simm.s32 $0x2880  }
0x646: {  	[tilespmem:s9], [sflag:$0x4] =	stream.indirect.gather [hbm4b:s2+s7], $0x80, s0, s7, $0xb8;
	[tilespmem:$0x1F880] =	vst v63  }
0x647: {  	_ =	swait.ge [sflag:s11], $0x3E80  }
0x648: {  	[sflag:s11] =	ssyncset.done $0x0  }
0x649: {  	[sflag:s11] =	ssyncadd.s32 $0xFFFFC180  }
0x64a: {  	[spmem:s1] =	stream.indirect.scatter.add.f32 [tilespmem:s8], [sflag:$0x6], $0x80, s14, s7, $0xb8;
	[tilespmem:$0x1F880] =	vst v63  }
0x64b: {  	_ =	swait.ge [sflag:s5], $0x3E80  }
0x64c: {  	[sflag:s5] =	ssyncset.done $0x0  }
0x64d: {  	s4 =	smov.u32 s13;
	s13 =	simm.s32 $0x2900;
	[sflag:s5] =	ssyncadd.s32 $0xFFFFC180  }
0x64e: {  	[tilespmem:s8], [sflag:$0x3] =	stream.indirect.gather [hbm4b:s2+s7], $0x80, s13, s7, $0xb8;
	[tilespmem:$0x1F880] =	vst v63  }
0x64f: {  	_ =	swait.ge [sflag:s10], $0x3E80  }
0x650: {  	[sflag:s10] =	ssyncset.done $0x0  }
0x651: {  	s28 =	rddreg [dreg:$0x9];
	[sflag:s10] =	ssyncadd.s32 $0xFFFFC180  }
0x652: {  	[spmem:s1] =	stream.indirect.scatter.add.f32 [tilespmem:s9], [sflag:$0x6], $0x80, s28, s7, $0xb8;
	[tilespmem:$0x1F880] =	vst v63  }
0x653: {  	_ =	swait.ge [sflag:s5], $0x3E80  }
0x654: {  	[sflag:s5] =	ssyncset.done $0x0  }
0x655: {  	s29 =	simm.s32 $0x2980;
	[sflag:s5] =	ssyncadd.s32 $0xFFFFC180  }
0x656: {  	[tilespmem:s9], [sflag:$0x4] =	stream.indirect.gather [hbm4b:s2+s7], $0x80, s29, s7, $0xb8;
	[tilespmem:$0x1F880] =	vst v63  }
0x657: {  	_ =	swait.ge [sflag:s11], $0x3E80  }
0x658: {  	[sflag:s11] =	ssyncset.done $0x0  }
0x659: {  	s30 =	rddreg [dreg:$0xa];
	[sflag:s11] =	ssyncadd.s32 $0xFFFFC180  }
0x65a: {  	[spmem:s1] =	stream.indirect.scatter.add.f32 [tilespmem:s8], [sflag:$0x6], $0x80, s30, s7, $0xb8;
	[tilespmem:$0x1F880] =	vst v63  }
0x65b: {  	_ =	swait.ge [sflag:s5], $0x3E80  }
0x65c: {  	[sflag:s5] =	ssyncset.done $0x0  }
0x65d: {  	s31 =	simm.s32 $0x2A00;
	[sflag:s5] =	ssyncadd.s32 $0xFFFFC180  }
0x65e: {  	[tilespmem:s8], [sflag:$0x3] =	stream.indirect.gather [hbm4b:s2+s7], $0x80, s31, s7, $0xb8;
	[tilespmem:$0x1F880] =	vst v63  }
0x65f: {  	_ =	swait.ge [sflag:s10], $0x3E80  }
0x660: {  	[sflag:s10] =	ssyncset.done $0x0  }
0x661: {  	s18 =	rddreg [dreg:$0xb];
	[sflag:s10] =	ssyncadd.s32 $0xFFFFC180  }
0x662: {  	[spmem:s1] =	stream.indirect.scatter.add.f32 [tilespmem:s9], [sflag:$0x6], $0x80, s18, s7, $0xb8;
	[tilespmem:$0x1F880] =	vst v63  }
0x663: {  	_ =	swait.ge [sflag:s5], $0x3E80  }
0x664: {  	[sflag:s5] =	ssyncset.done $0x0  }
0x665: {  	s20 =	simm.s32 $0x2A80;
	[sflag:s5] =	ssyncadd.s32 $0xFFFFC180  }
0x666: {  	[tilespmem:s9], [sflag:$0x4] =	stream.indirect.gather [hbm4b:s2+s7], $0x80, s20, s7, $0xb8;
	[tilespmem:$0x1F880] =	vst v63  }
0x667: {  	_ =	swait.ge [sflag:s11], $0x3E80  }
0x668: {  	[sflag:s11] =	ssyncset.done $0x0  }
0x669: {  	s21 =	rddreg [dreg:$0xc];
	[sflag:s11] =	ssyncadd.s32 $0xFFFFC180  }
0x66a: {  	[spmem:s1] =	stream.indirect.scatter.add.f32 [tilespmem:s8], [sflag:$0x6], $0x80, s21, s7, $0xb8;
	[tilespmem:$0x1F880] =	vst v63  }
0x66b: {  	_ =	swait.ge [sflag:s5], $0x3E80  }
0x66c: {  	[sflag:s5] =	ssyncset.done $0x0  }
0x66d: {  	s22 =	simm.s32 $0x2B00;
	[sflag:s5] =	ssyncadd.s32 $0xFFFFC180  }
0x66e: {  	[tilespmem:s8], [sflag:$0x3] =	stream.indirect.gather [hbm4b:s2+s7], $0x80, s22, s7, $0xb8;
	[tilespmem:$0x1F880] =	vst v63  }
0x66f: {  	_ =	swait.ge [sflag:s10], $0x3E80  }
0x670: {  	[sflag:s10] =	ssyncset.done $0x0  }
0x671: {  	s23 =	rddreg [dreg:$0xd];
	[sflag:s10] =	ssyncadd.s32 $0xFFFFC180  }
0x672: {  	[spmem:s1] =	stream.indirect.scatter.add.f32 [tilespmem:s9], [sflag:$0x6], $0x80, s23, s7, $0xb8;
	[tilespmem:$0x1F880] =	vst v63  }
0x673: {  	_ =	swait.ge [sflag:s5], $0x3E80  }
0x674: {  	[sflag:s5] =	ssyncset.done $0x0  }
0x675: {  	s25 =	simm.s32 $0x2B80;
	[sflag:s5] =	ssyncadd.s32 $0xFFFFC180  }
0x676: {  	[tilespmem:s9], [sflag:$0x4] =	stream.indirect.gather [hbm4b:s2+s7], $0x80, s25, s7, $0xb8;
	[tilespmem:$0x1F880] =	vst v63  }
0x677: {  	_ =	swait.ge [sflag:s11], $0x3E80  }
0x678: {  	[sflag:s11] =	ssyncset.done $0x0  }
0x679: {  	s28 =	rddreg [dreg:$0xe];
	[sflag:s11] =	ssyncadd.s32 $0xFFFFC180  }
0x67a: {  	[spmem:s1] =	stream.indirect.scatter.add.f32 [tilespmem:s8], [sflag:$0x6], $0x80, s28, s7, $0xb8;
	[tilespmem:$0x1F880] =	vst v63  }
0x67b: {  	_ =	swait.ge [sflag:s5], $0x3E80  }
0x67c: {  	[sflag:s5] =	ssyncset.done $0x0  }
0x67d: {  	s29 =	simm.s32 $0x2C00;
	[sflag:s5] =	ssyncadd.s32 $0xFFFFC180  }
0x67e: {  	[tilespmem:s8], [sflag:$0x3] =	stream.indirect.gather [hbm4b:s2+s7], $0x80, s29, s7, $0xb8;
	[tilespmem:$0x1F880] =	vst v63  }
0x67f: {  	_ =	swait.ge [sflag:s10], $0x3E80  }
0x680: {  	[sflag:s10] =	ssyncset.done $0x0  }
0x681: {  	s30 =	rddreg [dreg:$0xf];
	[sflag:s10] =	ssyncadd.s32 $0xFFFFC180  }
0x682: {  	[spmem:s1] =	stream.indirect.scatter.add.f32 [tilespmem:s9], [sflag:$0x6], $0x80, s30, s7, $0xb8;
	[tilespmem:$0x1F880] =	vst v63  }
0x683: {  	_ =	swait.ge [sflag:s5], $0x3E80  }
0x684: {  	[sflag:s5] =	ssyncset.done $0x0  }
0x685: {  	s31 =	simm.s32 $0x2C80;
	[sflag:s5] =	ssyncadd.s32 $0xFFFFC180  }
0x686: {  	[tilespmem:s9], [sflag:$0x4] =	stream.indirect.gather [hbm4b:s2+s7], $0x80, s31, s7, $0xb8;
	[tilespmem:$0x1F880] =	vst v63  }
0x687: {  	_ =	swait.ge [sflag:s11], $0x3E80  }
0x688: {  	[sflag:s11] =	ssyncset.done $0x0  }
0x689: {  	s18 =	rddreg [dreg:$0x10];
	[sflag:s11] =	ssyncadd.s32 $0xFFFFC180  }
0x68a: {  	[spmem:s1] =	stream.indirect.scatter.add.f32 [tilespmem:s8], [sflag:$0x6], $0x80, s18, s7, $0xb8;
	[tilespmem:$0x1F880] =	vst v63  }
0x68b: {  	_ =	swait.ge [sflag:s5], $0x3E80  }
0x68c: {  	[sflag:s5] =	ssyncset.done $0x0  }
0x68d: {  	s20 =	simm.s32 $0x2D00;
	[sflag:s5] =	ssyncadd.s32 $0xFFFFC180  }
0x68e: {  	[tilespmem:s8], [sflag:$0x3] =	stream.indirect.gather [hbm4b:s2+s7], $0x80, s20, s7, $0xb8;
	[tilespmem:$0x1F880] =	vst v63  }
0x68f: {  	_ =	swait.ge [sflag:s10], $0x3E80  }
0x690: {  	[sflag:s10] =	ssyncset.done $0x0  }
0x691: {  	s21 =	rddreg [dreg:$0x11];
	[sflag:s10] =	ssyncadd.s32 $0xFFFFC180  }
0x692: {  	[spmem:s1] =	stream.indirect.scatter.add.f32 [tilespmem:s9], [sflag:$0x6], $0x80, s21, s7, $0xb8;
	[tilespmem:$0x1F880] =	vst v63  }
0x693: {  	_ =	swait.ge [sflag:s5], $0x3E80  }
0x694: {  	[sflag:s5] =	ssyncset.done $0x0  }
0x695: {  	s22 =	simm.s32 $0x2D80;
	[sflag:s5] =	ssyncadd.s32 $0xFFFFC180  }
0x696: {  	[tilespmem:s9], [sflag:$0x4] =	stream.indirect.gather [hbm4b:s2+s7], $0x80, s22, s7, $0xb8;
	[tilespmem:$0x1F880] =	vst v63  }
0x697: {  	_ =	swait.ge [sflag:s11], $0x3E80  }
0x698: {  	[sflag:s11] =	ssyncset.done $0x0  }
0x699: {  	s23 =	rddreg [dreg:$0x12];
	[sflag:s11] =	ssyncadd.s32 $0xFFFFC180  }
0x69a: {  	[spmem:s1] =	stream.indirect.scatter.add.f32 [tilespmem:s8], [sflag:$0x6], $0x80, s23, s7, $0xb8;
	[tilespmem:$0x1F880] =	vst v63  }
0x69b: {  	_ =	swait.ge [sflag:s5], $0x3E80  }
0x69c: {  	[sflag:s5] =	ssyncset.done $0x0  }
0x69d: {  	s25 =	simm.s32 $0x2E00;
	[sflag:s5] =	ssyncadd.s32 $0xFFFFC180  }
0x69e: {  	[tilespmem:s8], [sflag:$0x3] =	stream.indirect.gather [hbm4b:s2+s7], $0x80, s25, s7, $0xb8;
	[tilespmem:$0x1F880] =	vst v63  }
0x69f: {  	_ =	swait.ge [sflag:s10], $0x3E80  }
0x6a0: {  	[sflag:s10] =	ssyncset.done $0x0  }
0x6a1: {  	s28 =	rddreg [dreg:$0x13];
	[sflag:s10] =	ssyncadd.s32 $0xFFFFC180  }
0x6a2: {  	[spmem:s1] =	stream.indirect.scatter.add.f32 [tilespmem:s9], [sflag:$0x6], $0x80, s28, s7, $0xb8;
	[tilespmem:$0x1F880] =	vst v63  }
0x6a3: {  	_ =	swait.ge [sflag:s5], $0x3E80  }
0x6a4: {  	[sflag:s5] =	ssyncset.done $0x0  }
0x6a5: {  	s29 =	simm.s32 $0x2E80;
	[sflag:s5] =	ssyncadd.s32 $0xFFFFC180  }
0x6a6: {  	[tilespmem:s9], [sflag:$0x4] =	stream.indirect.gather [hbm4b:s2+s7], $0x80, s29, s7, $0xb8;
	[tilespmem:$0x1F880] =	vst v63  }
0x6a7: {  	_ =	swait.ge [sflag:s11], $0x3E80  }
0x6a8: {  	[sflag:s11] =	ssyncset.done $0x0  }
0x6a9: {  	s30 =	rddreg [dreg:$0x14];
	[sflag:s11] =	ssyncadd.s32 $0xFFFFC180  }
0x6aa: {  	[spmem:s1] =	stream.indirect.scatter.add.f32 [tilespmem:s8], [sflag:$0x6], $0x80, s30, s7, $0xb8;
	[tilespmem:$0x1F880] =	vst v63  }
0x6ab: {  	_ =	swait.ge [sflag:s5], $0x3E80  }
0x6ac: {  	[sflag:s5] =	ssyncset.done $0x0  }
0x6ad: {  	s31 =	simm.s32 $0x2F00;
	[sflag:s5] =	ssyncadd.s32 $0xFFFFC180  }
0x6ae: {  	[tilespmem:s8], [sflag:$0x3] =	stream.indirect.gather [hbm4b:s2+s7], $0x80, s31, s7, $0xb8;
	[tilespmem:$0x1F880] =	vst v63  }
0x6af: {  	_ =	swait.ge [sflag:s10], $0x3E80  }
0x6b0: {  	[sflag:s10] =	ssyncset.done $0x0  }
0x6b1: {  	s18 =	rddreg [dreg:$0x15];
	[sflag:s10] =	ssyncadd.s32 $0xFFFFC180  }
0x6b2: {  	[spmem:s1] =	stream.indirect.scatter.add.f32 [tilespmem:s9], [sflag:$0x6], $0x80, s18, s7, $0xb8;
	[tilespmem:$0x1F880] =	vst v63  }
0x6b3: {  	_ =	swait.ge [sflag:s5], $0x3E80  }
0x6b4: {  	[sflag:s5] =	ssyncset.done $0x0  }
0x6b5: {  	s20 =	simm.s32 $0x2F80;
	[sflag:s5] =	ssyncadd.s32 $0xFFFFC180  }
0x6b6: {  	[tilespmem:s9], [sflag:$0x4] =	stream.indirect.gather [hbm4b:s2+s7], $0x80, s20, s7, $0xb8;
	[tilespmem:$0x1F880] =	vst v63  }
0x6b7: {  	_ =	swait.ge [sflag:s11], $0x3E80  }
0x6b8: {  	[sflag:s11] =	ssyncset.done $0x0  }
0x6b9: {  	s21 =	rddreg [dreg:$0x16];
	[sflag:s11] =	ssyncadd.s32 $0xFFFFC180  }
0x6ba: {  	[spmem:s1] =	stream.indirect.scatter.add.f32 [tilespmem:s8], [sflag:$0x6], $0x80, s21, s7, $0xb8;
	[tilespmem:$0x1F880] =	vst v63  }
0x6bb: {  	_ =	swait.ge [sflag:s5], $0x3E80  }
0x6bc: {  	[sflag:s5] =	ssyncset.done $0x0  }
0x6bd: {  	s22 =	simm.s32 $0x3000;
	[sflag:s5] =	ssyncadd.s32 $0xFFFFC180  }
0x6be: {  	[tilespmem:s8], [sflag:$0x3] =	stream.indirect.gather [hbm4b:s2+s7], $0x80, s22, s7, $0xb8;
	[tilespmem:$0x1F880] =	vst v63  }
0x6bf: {  	_ =	swait.ge [sflag:s10], $0x3E80  }
0x6c0: {  	[sflag:s10] =	ssyncset.done $0x0  }
0x6c1: {  	s23 =	rddreg [dreg:$0x17];
	[sflag:s10] =	ssyncadd.s32 $0xFFFFC180  }
0x6c2: {  	[spmem:s1] =	stream.indirect.scatter.add.f32 [tilespmem:s9], [sflag:$0x6], $0x80, s23, s7, $0xb8;
	[tilespmem:$0x1F880] =	vst v63  }
0x6c3: {  	_ =	swait.ge [sflag:s5], $0x3E80  }
0x6c4: {  	[sflag:s5] =	ssyncset.done $0x0  }
0x6c5: {  	s25 =	simm.s32 $0x3080;
	[sflag:s5] =	ssyncadd.s32 $0xFFFFC180  }
0x6c6: {  	[tilespmem:s9], [sflag:$0x4] =	stream.indirect.gather [hbm4b:s2+s7], $0x80, s25, s7, $0xb8;
	[tilespmem:$0x1F880] =	vst v63  }
0x6c7: {  	_ =	swait.ge [sflag:s11], $0x3E80  }
0x6c8: {  	[sflag:s11] =	ssyncset.done $0x0  }
0x6c9: {  	s28 =	rddreg [dreg:$0x18];
	[sflag:s11] =	ssyncadd.s32 $0xFFFFC180  }
0x6ca: {  	[spmem:s1] =	stream.indirect.scatter.add.f32 [tilespmem:s8], [sflag:$0x6], $0x80, s28, s7, $0xb8;
	[tilespmem:$0x1F880] =	vst v63  }
0x6cb: {  	_ =	swait.ge [sflag:s5], $0x3E80  }
0x6cc: {  	[sflag:s5] =	ssyncset.done $0x0  }
0x6cd: {  	s29 =	simm.s32 $0x3100;
	[sflag:s5] =	ssyncadd.s32 $0xFFFFC180  }
0x6ce: {  	[tilespmem:s8], [sflag:$0x3] =	stream.indirect.gather [hbm4b:s2+s7], $0x80, s29, s7, $0xb8;
	[tilespmem:$0x1F880] =	vst v63  }
0x6cf: {  	_ =	swait.ge [sflag:s10], $0x3E80  }
0x6d0: {  	[sflag:s10] =	ssyncset.done $0x0  }
0x6d1: {  	s30 =	rddreg [dreg:$0x19];
	[sflag:s10] =	ssyncadd.s32 $0xFFFFC180  }
0x6d2: {  	[spmem:s1] =	stream.indirect.scatter.add.f32 [tilespmem:s9], [sflag:$0x6], $0x80, s30, s7, $0xb8;
	[tilespmem:$0x1F880] =	vst v63  }
0x6d3: {  	_ =	swait.ge [sflag:s5], $0x3E80  }
0x6d4: {  	[sflag:s5] =	ssyncset.done $0x0  }
0x6d5: {  	s31 =	simm.s32 $0x3180;
	[sflag:s5] =	ssyncadd.s32 $0xFFFFC180  }
0x6d6: {  	[tilespmem:s9], [sflag:$0x4] =	stream.indirect.gather [hbm4b:s2+s7], $0x80, s31, s7, $0xb8;
	[tilespmem:$0x1F880] =	vst v63  }
0x6d7: {  	_ =	swait.ge [sflag:s11], $0x3E80  }
0x6d8: {  	[sflag:s11] =	ssyncset.done $0x0  }
0x6d9: {  	s17 =	rddreg [dreg:$0x1a];
	[sflag:s11] =	ssyncadd.s32 $0xFFFFC180  }
0x6da: {  	[spmem:s1] =	stream.indirect.scatter.add.f32 [tilespmem:s8], [sflag:$0x6], $0x80, s17, s7, $0xb8;
	[tilespmem:$0x1F880] =	vst v63  }
0x6db: {  	_ =	swait.ge [sflag:s5], $0x3E80  }
0x6dc: {  	[sflag:s5] =	ssyncset.done $0x0  }
0x6dd: {  	[sflag:s5] =	ssyncadd.s32 $0xFFFFC180  }
0x6de: {  	_ =	swait.ge [sflag:s15], $0xA00  }
0x6df: {  	[sflag:s15] =	ssyncset.done $0x0  }
0x6e0: {  	[sflag:s15] =	ssyncadd.s32 $0xFFFFF600  }
0x6e1: {  	[tilespmem:s8], [sflag:$0x3] =	stream.indirect.gather [hbm4b:s2+s7], $0x80, s16, s7, $0xb8;
	[tilespmem:$0x1F880] =	vst v63  }
0x6e2: {  	_ =	swait.ge [sflag:s10], $0x3E80  }
0x6e3: {  	[sflag:s10] =	ssyncset.done $0x0  }
0x6e4: {  	s18 =	rddreg [dreg:$0x1b];
	[sflag:s10] =	ssyncadd.s32 $0xFFFFC180  }
0x6e5: {  	[spmem:s1] =	stream.indirect.scatter.add.f32 [tilespmem:s9], [sflag:$0x6], $0x80, s18, s7, $0xb8;
	[tilespmem:$0x1F880] =	vst v63  }
0x6e6: {  	_ =	swait.ge [sflag:s5], $0x3E80  }
0x6e7: {  	[sflag:s5] =	ssyncset.done $0x0  }
0x6e8: {  	s21 =	rddreg [dreg:$0x7];
	[sflag:s5] =	ssyncadd.s32 $0xFFFFC180  }
0x6e9: {  	[tilespmem:s12], [sflag:$0x1] =	stream.linear.gather [hbm4b:s21+s14], $0xA00, $0x38;
	[tilespmem:$0x1F880] =	vst v63  }
0x6ea: {  	s22 =	simm.s32 $0x3480  }
0x6eb: {  	[tilespmem:s9], [sflag:$0x4] =	stream.indirect.gather [hbm4b:s2+s7], $0x80, s22, s7, $0xb8;
	[tilespmem:$0x1F880] =	vst v63  }
0x6ec: {  	_ =	swait.ge [sflag:s11], $0x3E80  }
0x6ed: {  	[sflag:s11] =	ssyncset.done $0x0  }
0x6ee: {  	s23 =	rddreg [dreg:$0x1c];
	[sflag:s11] =	ssyncadd.s32 $0xFFFFC180  }
0x6ef: {  	[spmem:s1] =	stream.indirect.scatter.add.f32 [tilespmem:s8], [sflag:$0x6], $0x80, s23, s7, $0xb8;
	[tilespmem:$0x1F880] =	vst v63  }
0x6f0: {  	_ =	swait.ge [sflag:s5], $0x3E80  }
0x6f1: {  	[sflag:s5] =	ssyncset.done $0x0  }
0x6f2: {  	s25 =	simm.s32 $0x3500;
	[sflag:s5] =	ssyncadd.s32 $0xFFFFC180  }
0x6f3: {  	[tilespmem:s8], [sflag:$0x3] =	stream.indirect.gather [hbm4b:s2+s7], $0x80, s25, s7, $0xb8;
	[tilespmem:$0x1F880] =	vst v63  }
0x6f4: {  	_ =	swait.ge [sflag:s10], $0x3E80  }
0x6f5: {  	[sflag:s10] =	ssyncset.done $0x0  }
0x6f6: {  	s28 =	rddreg [dreg:$0x1d];
	[sflag:s10] =	ssyncadd.s32 $0xFFFFC180  }
0x6f7: {  	[spmem:s1] =	stream.indirect.scatter.add.f32 [tilespmem:s9], [sflag:$0x6], $0x80, s28, s7, $0xb8;
	[tilespmem:$0x1F880] =	vst v63  }
0x6f8: {  	_ =	swait.ge [sflag:s5], $0x3E80  }
0x6f9: {  	[sflag:s5] =	ssyncset.done $0x0  }
0x6fa: {  	s29 =	simm.s32 $0x3580;
	[sflag:s5] =	ssyncadd.s32 $0xFFFFC180  }
0x6fb: {  	[tilespmem:s9], [sflag:$0x4] =	stream.indirect.gather [hbm4b:s2+s7], $0x80, s29, s7, $0xb8;
	[tilespmem:$0x1F880] =	vst v63  }
0x6fc: {  	_ =	swait.ge [sflag:s11], $0x3E80  }
0x6fd: {  	[sflag:s11] =	ssyncset.done $0x0  }
0x6fe: {  	s30 =	rddreg [dreg:$0x1e];
	[sflag:s11] =	ssyncadd.s32 $0xFFFFC180  }
0x6ff: {  	[spmem:s1] =	stream.indirect.scatter.add.f32 [tilespmem:s8], [sflag:$0x6], $0x80, s30, s7, $0xb8;
	[tilespmem:$0x1F880] =	vst v63  }
0x700: {  	_ =	swait.ge [sflag:s5], $0x3E80  }
0x701: {  	[sflag:s5] =	ssyncset.done $0x0  }
0x702: {  	s31 =	simm.s32 $0x3600;
	[sflag:s5] =	ssyncadd.s32 $0xFFFFC180  }
0x703: {  	[tilespmem:s8], [sflag:$0x3] =	stream.indirect.gather [hbm4b:s2+s7], $0x80, s31, s7, $0xb8;
	[tilespmem:$0x1F880] =	vst v63  }
0x704: {  	_ =	swait.ge [sflag:s10], $0x3E80  }
0x705: {  	[sflag:s10] =	ssyncset.done $0x0  }
0x706: {  	s16 =	rddreg [dreg:$0x1f];
	[sflag:s10] =	ssyncadd.s32 $0xFFFFC180  }
0x707: {  	[spmem:s1] =	stream.indirect.scatter.add.f32 [tilespmem:s9], [sflag:$0x6], $0x80, s16, s7, $0xb8;
	[tilespmem:$0x1F880] =	vst v63  }
0x708: {  	_ =	swait.ge [sflag:s5], $0x3E80  }
0x709: {  	[sflag:s5] =	ssyncset.done $0x0  }
0x70a: {  	s17 =	simm.s32 $0x3680;
	[sflag:s5] =	ssyncadd.s32 $0xFFFFC180  }
0x70b: {  	[tilespmem:s9], [sflag:$0x4] =	stream.indirect.gather [hbm4b:s2+s7], $0x80, s17, s7, $0xb8;
	[tilespmem:$0x1F880] =	vst v63  }
0x70c: {  	_ =	swait.ge [sflag:s11], $0x3E80  }
0x70d: {  	s18 =	sld [smem:$0x7C4]  }
0x70e: {  	[sflag:s11] =	ssyncset.done $0x0  }
0x70f: {  	[sflag:s11] =	ssyncadd.s32 $0xFFFFC180  }
0x710: {  	[spmem:s1] =	stream.indirect.scatter.add.f32 [tilespmem:s8], [sflag:$0x6], $0x80, s18, s7, $0xb8;
	[tilespmem:$0x1F880] =	vst v63  }
0x711: {  	_ =	swait.ge [sflag:s5], $0x3E80  }
0x712: {  	[sflag:s5] =	ssyncset.done $0x0  }
0x713: {  	s20 =	simm.s32 $0x3700;
	[sflag:s5] =	ssyncadd.s32 $0xFFFFC180  }
0x714: {  	[tilespmem:s8], [sflag:$0x3] =	stream.indirect.gather [hbm4b:s2+s7], $0x80, s20, s7, $0xb8;
	[tilespmem:$0x1F880] =	vst v63  }
0x715: {  	_ =	swait.ge [sflag:s10], $0x3E80  }
0x716: {  	s21 =	sld [smem:$0x7C5]  }
0x717: {  	[sflag:s10] =	ssyncset.done $0x0  }
0x718: {  	[sflag:s10] =	ssyncadd.s32 $0xFFFFC180  }
0x719: {  	[spmem:s1] =	stream.indirect.scatter.add.f32 [tilespmem:s9], [sflag:$0x6], $0x80, s21, s7, $0xb8;
	[tilespmem:$0x1F880] =	vst v63  }
0x71a: {  	_ =	swait.ge [sflag:s5], $0x3E80  }
0x71b: {  	[sflag:s5] =	ssyncset.done $0x0  }
0x71c: {  	s22 =	simm.s32 $0x3780;
	[sflag:s5] =	ssyncadd.s32 $0xFFFFC180  }
0x71d: {  	[tilespmem:s9], [sflag:$0x4] =	stream.indirect.gather [hbm4b:s2+s7], $0x80, s22, s7, $0xb8;
	[tilespmem:$0x1F880] =	vst v63  }
0x71e: {  	_ =	swait.ge [sflag:s11], $0x3E80  }
0x71f: {  	s23 =	sld [smem:$0x7C6]  }
0x720: {  	[sflag:s11] =	ssyncset.done $0x0  }
0x721: {  	[sflag:s11] =	ssyncadd.s32 $0xFFFFC180  }
0x722: {  	[spmem:s1] =	stream.indirect.scatter.add.f32 [tilespmem:s8], [sflag:$0x6], $0x80, s23, s7, $0xb8;
	[tilespmem:$0x1F880] =	vst v63  }
0x723: {  	_ =	swait.ge [sflag:s5], $0x3E80  }
0x724: {  	[sflag:s5] =	ssyncset.done $0x0  }
0x725: {  	s25 =	simm.s32 $0x3800;
	[sflag:s5] =	ssyncadd.s32 $0xFFFFC180  }
0x726: {  	[tilespmem:s8], [sflag:$0x3] =	stream.indirect.gather [hbm4b:s2+s7], $0x80, s25, s7, $0xb8;
	[tilespmem:$0x1F880] =	vst v63  }
0x727: {  	_ =	swait.ge [sflag:s10], $0x3E80  }
0x728: {  	s28 =	sld [smem:$0x7C7]  }
0x729: {  	[sflag:s10] =	ssyncset.done $0x0  }
0x72a: {  	[sflag:s10] =	ssyncadd.s32 $0xFFFFC180  }
0x72b: {  	[spmem:s1] =	stream.indirect.scatter.add.f32 [tilespmem:s9], [sflag:$0x6], $0x80, s28, s7, $0xb8;
	[tilespmem:$0x1F880] =	vst v63  }
0x72c: {  	_ =	swait.ge [sflag:s5], $0x3E80  }
0x72d: {  	[sflag:s5] =	ssyncset.done $0x0  }
0x72e: {  	s25 =	simm.s32 $0x3880;
	[sflag:s5] =	ssyncadd.s32 $0xFFFFC180  }
0x72f: {  	[tilespmem:s9], [sflag:$0x4] =	stream.indirect.gather [hbm4b:s2+s7], $0x80, s25, s7, $0xb8;
	[tilespmem:$0x1F880] =	vst v63  }
0x730: {  	_ =	swait.ge [sflag:s11], $0x3E80  }
0x731: {  	s29 =	sld [smem:$0x7C8]  }
0x732: {  	[sflag:s11] =	ssyncset.done $0x0  }
0x733: {  	[sflag:s11] =	ssyncadd.s32 $0xFFFFC180  }
0x734: {  	[spmem:s1] =	stream.indirect.scatter.add.f32 [tilespmem:s8], [sflag:$0x6], $0x80, s29, s7, $0xb8;
	[tilespmem:$0x1F880] =	vst v63  }
0x735: {  	_ =	swait.ge [sflag:s5], $0x3E80  }
0x736: {  	[sflag:s5] =	ssyncset.done $0x0  }
0x737: {  	s31 =	simm.s32 $0x3900;
	[sflag:s5] =	ssyncadd.s32 $0xFFFFC180  }
0x738: {  	[tilespmem:s8], [sflag:$0x3] =	stream.indirect.gather [hbm4b:s2+s7], $0x80, s31, s7, $0xb8;
	[tilespmem:$0x1F880] =	vst v63  }
0x739: {  	_ =	swait.ge [sflag:s10], $0x3E80  }
0x73a: {  	s30 =	sld [smem:$0x7C9]  }
0x73b: {  	[sflag:s10] =	ssyncset.done $0x0  }
0x73c: {  	[sflag:s10] =	ssyncadd.s32 $0xFFFFC180  }
0x73d: {  	[spmem:s1] =	stream.indirect.scatter.add.f32 [tilespmem:s9], [sflag:$0x6], $0x80, s30, s7, $0xb8;
	[tilespmem:$0x1F880] =	vst v63  }
0x73e: {  	_ =	swait.ge [sflag:s5], $0x3E80  }
0x73f: {  	[sflag:s5] =	ssyncset.done $0x0  }
0x740: {  	s30 =	simm.s32 $0x3980;
	[sflag:s5] =	ssyncadd.s32 $0xFFFFC180  }
0x741: {  	[tilespmem:s9], [sflag:$0x4] =	stream.indirect.gather [hbm4b:s2+s7], $0x80, s30, s7, $0xb8;
	[tilespmem:$0x1F880] =	vst v63  }
0x742: {  	_ =	swait.ge [sflag:s11], $0x3E80  }
0x743: {  	s16 =	sld [smem:$0x7CA]  }
0x744: {  	[sflag:s11] =	ssyncset.done $0x0  }
0x745: {  	[sflag:s11] =	ssyncadd.s32 $0xFFFFC180  }
0x746: {  	[spmem:s1] =	stream.indirect.scatter.add.f32 [tilespmem:s8], [sflag:$0x6], $0x80, s16, s7, $0xb8;
	[tilespmem:$0x1F880] =	vst v63  }
0x747: {  	_ =	swait.ge [sflag:s5], $0x3E80  }
0x748: {  	[sflag:s5] =	ssyncset.done $0x0  }
0x749: {  	s18 =	simm.s32 $0x3A00;
	[sflag:s5] =	ssyncadd.s32 $0xFFFFC180  }
0x74a: {  	[tilespmem:s8], [sflag:$0x3] =	stream.indirect.gather [hbm4b:s2+s7], $0x80, s18, s7, $0xb8;
	[tilespmem:$0x1F880] =	vst v63  }
0x74b: {  	_ =	swait.ge [sflag:s10], $0x3E80  }
0x74c: {  	s17 =	sld [smem:$0x7CB]  }
0x74d: {  	[sflag:s10] =	ssyncset.done $0x0  }
0x74e: {  	[sflag:s10] =	ssyncadd.s32 $0xFFFFC180  }
0x74f: {  	[spmem:s1] =	stream.indirect.scatter.add.f32 [tilespmem:s9], [sflag:$0x6], $0x80, s17, s7, $0xb8;
	[tilespmem:$0x1F880] =	vst v63  }
0x750: {  	_ =	swait.ge [sflag:s5], $0x3E80  }
0x751: {  	[sflag:s5] =	ssyncset.done $0x0  }
0x752: {  	s17 =	simm.s32 $0x3A80;
	[sflag:s5] =	ssyncadd.s32 $0xFFFFC180  }
0x753: {  	[tilespmem:s9], [sflag:$0x4] =	stream.indirect.gather [hbm4b:s2+s7], $0x80, s17, s7, $0xb8;
	[tilespmem:$0x1F880] =	vst v63  }
0x754: {  	_ =	swait.ge [sflag:s11], $0x3E80  }
0x755: {  	s21 =	sld [smem:$0x7CC]  }
0x756: {  	[sflag:s11] =	ssyncset.done $0x0  }
0x757: {  	[sflag:s11] =	ssyncadd.s32 $0xFFFFC180  }
0x758: {  	[spmem:s1] =	stream.indirect.scatter.add.f32 [tilespmem:s8], [sflag:$0x6], $0x80, s21, s7, $0xb8;
	[tilespmem:$0x1F880] =	vst v63  }
0x759: {  	_ =	swait.ge [sflag:s5], $0x3E80  }
0x75a: {  	[sflag:s5] =	ssyncset.done $0x0  }
0x75b: {  	s16 =	simm.s32 $0x3B00;
	[sflag:s5] =	ssyncadd.s32 $0xFFFFC180  }
0x75c: {  	[tilespmem:s8], [sflag:$0x3] =	stream.indirect.gather [hbm4b:s2+s7], $0x80, s16, s7, $0xb8;
	[tilespmem:$0x1F880] =	vst v63  }
0x75d: {  	_ =	swait.ge [sflag:s10], $0x3E80  }
0x75e: {  	s22 =	sld [smem:$0x7CD]  }
0x75f: {  	[sflag:s10] =	ssyncset.done $0x0  }
0x760: {  	[sflag:s10] =	ssyncadd.s32 $0xFFFFC180  }
0x761: {  	[spmem:s1] =	stream.indirect.scatter.add.f32 [tilespmem:s9], [sflag:$0x6], $0x80, s22, s7, $0xb8;
	[tilespmem:$0x1F880] =	vst v63  }
0x762: {  	_ =	swait.ge [sflag:s5], $0x3E80  }
0x763: {  	[sflag:s5] =	ssyncset.done $0x0  }
0x764: {  	s23 =	simm.s32 $0x3B80;
	[sflag:s5] =	ssyncadd.s32 $0xFFFFC180  }
0x765: {  	[tilespmem:s9], [sflag:$0x4] =	stream.indirect.gather [hbm4b:s2+s7], $0x80, s23, s7, $0xb8;
	[tilespmem:$0x1F880] =	vst v63  }
0x766: {  	_ =	swait.ge [sflag:s11], $0x3E80  }
0x767: {  	s28 =	sld [smem:$0x7CE]  }
0x768: {  	[sflag:s11] =	ssyncset.done $0x0  }
0x769: {  	[sflag:s11] =	ssyncadd.s32 $0xFFFFC180  }
0x76a: {  	[spmem:s1] =	stream.indirect.scatter.add.f32 [tilespmem:s8], [sflag:$0x6], $0x80, s28, s7, $0xb8;
	[tilespmem:$0x1F880] =	vst v63  }
0x76b: {  	_ =	swait.ge [sflag:s5], $0x3E80  }
0x76c: {  	[sflag:s5] =	ssyncset.done $0x0  }
0x76d: {  	s28 =	simm.s32 $0x3C00;
	[sflag:s5] =	ssyncadd.s32 $0xFFFFC180  }
0x76e: {  	[tilespmem:s8], [sflag:$0x3] =	stream.indirect.gather [hbm4b:s2+s7], $0x80, s28, s7, $0xb8;
	[tilespmem:$0x1F880] =	vst v63  }
0x76f: {  	_ =	swait.ge [sflag:s10], $0x3E80  }
0x770: {  	s21 =	sld [smem:$0x7CF]  }
0x771: {  	[sflag:s10] =	ssyncset.done $0x0  }
0x772: {  	[sflag:s10] =	ssyncadd.s32 $0xFFFFC180  }
0x773: {  	[spmem:s1] =	stream.indirect.scatter.add.f32 [tilespmem:s9], [sflag:$0x6], $0x80, s21, s7, $0xb8;
	[tilespmem:$0x1F880] =	vst v63  }
0x774: {  	_ =	swait.ge [sflag:s5], $0x3E80  }
0x775: {  	[sflag:s5] =	ssyncset.done $0x0  }
0x776: {  	s23 =	simm.s32 $0x3C80;
	[sflag:s5] =	ssyncadd.s32 $0xFFFFC180  }
0x777: {  	[tilespmem:s9], [sflag:$0x4] =	stream.indirect.gather [hbm4b:s2+s7], $0x80, s23, s7, $0xb8;
	[tilespmem:$0x1F880] =	vst v63  }
0x778: {  	_ =	swait.ge [sflag:s11], $0x3E80  }
0x779: {  	s22 =	sld [smem:$0x7D0]  }
0x77a: {  	[sflag:s11] =	ssyncset.done $0x0  }
0x77b: {  	[sflag:s11] =	ssyncadd.s32 $0xFFFFC180  }
0x77c: {  	[spmem:s1] =	stream.indirect.scatter.add.f32 [tilespmem:s8], [sflag:$0x6], $0x80, s22, s7, $0xb8;
	[tilespmem:$0x1F880] =	vst v63  }
0x77d: {  	_ =	swait.ge [sflag:s5], $0x3E80  }
0x77e: {  	[sflag:s5] =	ssyncset.done $0x0  }
0x77f: {  	s22 =	simm.s32 $0x3D00;
	[sflag:s5] =	ssyncadd.s32 $0xFFFFC180  }
0x780: {  	[tilespmem:s8], [sflag:$0x3] =	stream.indirect.gather [hbm4b:s2+s7], $0x80, s22, s7, $0xb8;
	[tilespmem:$0x1F880] =	vst v63  }
0x781: {  	_ =	swait.ge [sflag:s10], $0x3E80  }
0x782: {  	s21 =	sld [smem:$0x7D1]  }
0x783: {  	[sflag:s10] =	ssyncset.done $0x0  }
0x784: {  	[sflag:s10] =	ssyncadd.s32 $0xFFFFC180  }
0x785: {  	[spmem:s1] =	stream.indirect.scatter.add.f32 [tilespmem:s9], [sflag:$0x6], $0x80, s21, s7, $0xb8;
	[tilespmem:$0x1F880] =	vst v63  }
0x786: {  	_ =	swait.ge [sflag:s5], $0x3E80  }
0x787: {  	[sflag:s5] =	ssyncset.done $0x0  }
0x788: {  	s21 =	simm.s32 $0x3D80;
	[sflag:s5] =	ssyncadd.s32 $0xFFFFC180  }
0x789: {  	[tilespmem:s9], [sflag:$0x4] =	stream.indirect.gather [hbm4b:s2+s7], $0x80, s21, s7, $0xb8;
	[tilespmem:$0x1F880] =	vst v63  }
0x78a: {  	_ =	swait.ge [sflag:s11], $0x3E80  }
0x78b: {  	s20 =	sld [smem:$0x7D2]  }
0x78c: {  	[sflag:s11] =	ssyncset.done $0x0  }
0x78d: {  	[sflag:s11] =	ssyncadd.s32 $0xFFFFC180  }
0x78e: {  	[spmem:s1] =	stream.indirect.scatter.add.f32 [tilespmem:s8], [sflag:$0x6], $0x80, s20, s7, $0xb8;
	[tilespmem:$0x1F880] =	vst v63  }
0x78f: {  	_ =	swait.ge [sflag:s5], $0x3E80  }
0x790: {  	[sflag:s5] =	ssyncset.done $0x0  }
0x791: {  	[sflag:s5] =	ssyncadd.s32 $0xFFFFC180  }
0x792: {  	_ =	swait.ge [sflag:s3], $0xA00  }
0x793: {  	[sflag:s3] =	ssyncset.done $0x0  }
0x794: {  	[sflag:s3] =	ssyncadd.s32 $0xFFFFF600  }
0x795: {  	[tilespmem:s8], [sflag:$0x3] =	stream.indirect.gather [hbm4b:s2+s7], $0x80, s12, s7, $0xb8;
	[tilespmem:$0x1F880] =	vst v63  }
0x796: {  	_ =	swait.ge [sflag:s10], $0x3E80  }
0x797: {  	s3 =	sld [smem:$0x7D3]  }
0x798: {  	[sflag:s10] =	ssyncset.done $0x0  }
0x799: {  	[sflag:s10] =	ssyncadd.s32 $0xFFFFC180  }
0x79a: {  	[spmem:s1] =	stream.indirect.scatter.add.f32 [tilespmem:s9], [sflag:$0x6], $0x80, s3, s7, $0xb8;
	[tilespmem:$0x1F880] =	vst v63  }
0x79b: {  	_ =	swait.ge [sflag:s5], $0x3E80  }
0x79c: {  	[sflag:s5] =	ssyncset.done $0x0  }
0x79d: {  	s29 =	simm.s32 $0x3400;
	s20 =	rddreg [dreg:$0x8];
	[sflag:s5] =	ssyncadd.s32 $0xFFFFC180  }
0x79e: {  	[tilespmem:s29], [sflag:$0x2] =	stream.linear.gather [hbm4b:s20+s14], $0xA00, $0x38;
	[tilespmem:$0x1F880] =	vst v63  }
0x79f: {  	_ = 	snop  }
0x7a0: {  	[tilespmem:s9], [sflag:$0x4] =	stream.indirect.gather [hbm4b:s2+s7], $0x80, s0, s7, $0xb8;
	[tilespmem:$0x1F880] =	vst v63  }
0x7a1: {  	_ =	swait.ge [sflag:s11], $0x3E80  }
0x7a2: {  	s3 =	sld [smem:$0x7D4]  }
0x7a3: {  	[sflag:s11] =	ssyncset.done $0x0  }
0x7a4: {  	[sflag:s11] =	ssyncadd.s32 $0xFFFFC180  }
0x7a5: {  	[spmem:s1] =	stream.indirect.scatter.add.f32 [tilespmem:s8], [sflag:$0x6], $0x80, s3, s7, $0xb8;
	[tilespmem:$0x1F880] =	vst v63  }
0x7a6: {  	_ =	swait.ge [sflag:s5], $0x3E80  }
0x7a7: {  	[sflag:s5] =	ssyncset.done $0x0  }
0x7a8: {  	[sflag:s5] =	ssyncadd.s32 $0xFFFFC180  }
0x7a9: {  	[tilespmem:s8], [sflag:$0x3] =	stream.indirect.gather [hbm4b:s2+s7], $0x80, s13, s7, $0xb8;
	[tilespmem:$0x1F880] =	vst v63  }
0x7aa: {  	_ =	swait.ge [sflag:s10], $0x3E80  }
0x7ab: {  	s14 =	sld [smem:$0x7D5]  }
0x7ac: {  	[sflag:s10] =	ssyncset.done $0x0  }
0x7ad: {  	[sflag:s10] =	ssyncadd.s32 $0xFFFFC180  }
0x7ae: {  	[spmem:s1] =	stream.indirect.scatter.add.f32 [tilespmem:s9], [sflag:$0x6], $0x80, s14, s7, $0xb8;
	[tilespmem:$0x1F880] =	vst v63  }
0x7af: {  	_ =	swait.ge [sflag:s5], $0x3E80  }
0x7b0: {  	[sflag:s5] =	ssyncset.done $0x0  }
0x7b1: {  	s20 =	simm.s32 $0x2980;
	[sflag:s5] =	ssyncadd.s32 $0xFFFFC180  }
0x7b2: {  	[tilespmem:s9], [sflag:$0x4] =	stream.indirect.gather [hbm4b:s2+s7], $0x80, s20, s7, $0xb8;
	[tilespmem:$0x1F880] =	vst v63  }
0x7b3: {  	_ =	swait.ge [sflag:s11], $0x3E80  }
0x7b4: {  	s3 =	sld [smem:$0x7D6]  }
0x7b5: {  	[sflag:s11] =	ssyncset.done $0x0  }
0x7b6: {  	[sflag:s11] =	ssyncadd.s32 $0xFFFFC180  }
0x7b7: {  	[spmem:s1] =	stream.indirect.scatter.add.f32 [tilespmem:s8], [sflag:$0x6], $0x80, s3, s7, $0xb8;
	[tilespmem:$0x1F880] =	vst v63  }
0x7b8: {  	_ =	swait.ge [sflag:s5], $0x3E80  }
0x7b9: {  	[sflag:s5] =	ssyncset.done $0x0  }
0x7ba: {  	s13 =	simm.s32 $0x2A00;
	[sflag:s5] =	ssyncadd.s32 $0xFFFFC180  }
0x7bb: {  	[tilespmem:s8], [sflag:$0x3] =	stream.indirect.gather [hbm4b:s2+s7], $0x80, s13, s7, $0xb8;
	[tilespmem:$0x1F880] =	vst v63  }
0x7bc: {  	_ =	swait.ge [sflag:s10], $0x3E80  }
0x7bd: {  	s14 =	sld [smem:$0x7D7]  }
0x7be: {  	[sflag:s10] =	ssyncset.done $0x0  }
0x7bf: {  	[sflag:s10] =	ssyncadd.s32 $0xFFFFC180  }
0x7c0: {  	[spmem:s1] =	stream.indirect.scatter.add.f32 [tilespmem:s9], [sflag:$0x6], $0x80, s14, s7, $0xb8;
	[tilespmem:$0x1F880] =	vst v63  }
0x7c1: {  	_ =	swait.ge [sflag:s5], $0x3E80  }
0x7c2: {  	[sflag:s5] =	ssyncset.done $0x0  }
0x7c3: {  	s20 =	simm.s32 $0x2A80;
	[sflag:s5] =	ssyncadd.s32 $0xFFFFC180  }
0x7c4: {  	[tilespmem:s9], [sflag:$0x4] =	stream.indirect.gather [hbm4b:s2+s7], $0x80, s20, s7, $0xb8;
	[tilespmem:$0x1F880] =	vst v63  }
0x7c5: {  	_ =	swait.ge [sflag:s11], $0x3E80  }
0x7c6: {  	s3 =	sld [smem:$0x7D8]  }
0x7c7: {  	[sflag:s11] =	ssyncset.done $0x0  }
0x7c8: {  	[sflag:s11] =	ssyncadd.s32 $0xFFFFC180  }
0x7c9: {  	[spmem:s1] =	stream.indirect.scatter.add.f32 [tilespmem:s8], [sflag:$0x6], $0x80, s3, s7, $0xb8;
	[tilespmem:$0x1F880] =	vst v63  }
0x7ca: {  	_ =	swait.ge [sflag:s5], $0x3E80  }
0x7cb: {  	[sflag:s5] =	ssyncset.done $0x0  }
0x7cc: {  	s12 =	simm.s32 $0x2B00;
	[sflag:s5] =	ssyncadd.s32 $0xFFFFC180  }
0x7cd: {  	[tilespmem:s8], [sflag:$0x3] =	stream.indirect.gather [hbm4b:s2+s7], $0x80, s12, s7, $0xb8;
	[tilespmem:$0x1F880] =	vst v63  }
0x7ce: {  	_ =	swait.ge [sflag:s10], $0x3E80  }
0x7cf: {  	s13 =	sld [smem:$0x7D9]  }
0x7d0: {  	[sflag:s10] =	ssyncset.done $0x0  }
0x7d1: {  	[sflag:s10] =	ssyncadd.s32 $0xFFFFC180  }
0x7d2: {  	[spmem:s1] =	stream.indirect.scatter.add.f32 [tilespmem:s9], [sflag:$0x6], $0x80, s13, s7, $0xb8;
	[tilespmem:$0x1F880] =	vst v63  }
0x7d3: {  	_ =	swait.ge [sflag:s5], $0x3E80  }
0x7d4: {  	[sflag:s5] =	ssyncset.done $0x0  }
0x7d5: {  	s14 =	simm.s32 $0x2B80;
	[sflag:s5] =	ssyncadd.s32 $0xFFFFC180  }
0x7d6: {  	[tilespmem:s9], [sflag:$0x4] =	stream.indirect.gather [hbm4b:s2+s7], $0x80, s14, s7, $0xb8;
	[tilespmem:$0x1F880] =	vst v63  }
0x7d7: {  	_ =	swait.ge [sflag:s11], $0x3E80  }
0x7d8: {  	s20 =	sld [smem:$0x7DA]  }
0x7d9: {  	[sflag:s11] =	ssyncset.done $0x0  }
0x7da: {  	[sflag:s11] =	ssyncadd.s32 $0xFFFFC180  }
0x7db: {  	[spmem:s1] =	stream.indirect.scatter.add.f32 [tilespmem:s8], [sflag:$0x6], $0x80, s20, s7, $0xb8;
	[tilespmem:$0x1F880] =	vst v63  }
0x7dc: {  	_ =	swait.ge [sflag:s5], $0x3E80  }
0x7dd: {  	[sflag:s5] =	ssyncset.done $0x0  }
0x7de: {  	s3 =	simm.s32 $0x2C00;
	[sflag:s5] =	ssyncadd.s32 $0xFFFFC180  }
0x7df: {  	[tilespmem:s8], [sflag:$0x3] =	stream.indirect.gather [hbm4b:s2+s7], $0x80, s3, s7, $0xb8;
	[tilespmem:$0x1F880] =	vst v63  }
0x7e0: {  	_ =	swait.ge [sflag:s10], $0x3E80  }
0x7e1: {  	s12 =	sld [smem:$0x7DB]  }
0x7e2: {  	[sflag:s10] =	ssyncset.done $0x0  }
0x7e3: {  	[sflag:s10] =	ssyncadd.s32 $0xFFFFC180  }
0x7e4: {  	[spmem:s1] =	stream.indirect.scatter.add.f32 [tilespmem:s9], [sflag:$0x6], $0x80, s12, s7, $0xb8;
	[tilespmem:$0x1F880] =	vst v63  }
0x7e5: {  	_ =	swait.ge [sflag:s5], $0x3E80  }
0x7e6: {  	[sflag:s5] =	ssyncset.done $0x0  }
0x7e7: {  	s13 =	simm.s32 $0x2C80;
	[sflag:s5] =	ssyncadd.s32 $0xFFFFC180  }
0x7e8: {  	[tilespmem:s9], [sflag:$0x4] =	stream.indirect.gather [hbm4b:s2+s7], $0x80, s13, s7, $0xb8;
	[tilespmem:$0x1F880] =	vst v63  }
0x7e9: {  	_ =	swait.ge [sflag:s11], $0x3E80  }
0x7ea: {  	s14 =	sld [smem:$0x7DC]  }
0x7eb: {  	[sflag:s11] =	ssyncset.done $0x0  }
0x7ec: {  	[sflag:s11] =	ssyncadd.s32 $0xFFFFC180  }
0x7ed: {  	[spmem:s1] =	stream.indirect.scatter.add.f32 [tilespmem:s8], [sflag:$0x6], $0x80, s14, s7, $0xb8;
	[tilespmem:$0x1F880] =	vst v63  }
0x7ee: {  	_ =	swait.ge [sflag:s5], $0x3E80  }
0x7ef: {  	[sflag:s5] =	ssyncset.done $0x0  }
0x7f0: {  	s20 =	simm.s32 $0x2D00;
	[sflag:s5] =	ssyncadd.s32 $0xFFFFC180  }
0x7f1: {  	[tilespmem:s8], [sflag:$0x3] =	stream.indirect.gather [hbm4b:s2+s7], $0x80, s20, s7, $0xb8;
	[tilespmem:$0x1F880] =	vst v63  }
0x7f2: {  	_ =	swait.ge [sflag:s10], $0x3E80  }
0x7f3: {  	s3 =	sld [smem:$0x7DD]  }
0x7f4: {  	[sflag:s10] =	ssyncset.done $0x0  }
0x7f5: {  	[sflag:s10] =	ssyncadd.s32 $0xFFFFC180  }
0x7f6: {  	[spmem:s1] =	stream.indirect.scatter.add.f32 [tilespmem:s9], [sflag:$0x6], $0x80, s3, s7, $0xb8;
	[tilespmem:$0x1F880] =	vst v63  }
0x7f7: {  	_ =	swait.ge [sflag:s5], $0x3E80  }
0x7f8: {  	[sflag:s5] =	ssyncset.done $0x0  }
0x7f9: {  	s12 =	simm.s32 $0x2D80;
	[sflag:s5] =	ssyncadd.s32 $0xFFFFC180  }
0x7fa: {  	[tilespmem:s9], [sflag:$0x4] =	stream.indirect.gather [hbm4b:s2+s7], $0x80, s12, s7, $0xb8;
	[tilespmem:$0x1F880] =	vst v63  }
0x7fb: {  	_ =	swait.ge [sflag:s11], $0x3E80  }
0x7fc: {  	s13 =	sld [smem:$0x7DE]  }
0x7fd: {  	[sflag:s11] =	ssyncset.done $0x0  }
0x7fe: {  	[sflag:s11] =	ssyncadd.s32 $0xFFFFC180  }
0x7ff: {  	[spmem:s1] =	stream.indirect.scatter.add.f32 [tilespmem:s8], [sflag:$0x6], $0x80, s13, s7, $0xb8;
	[tilespmem:$0x1F880] =	vst v63  }
0x800: {  	_ =	swait.ge [sflag:s5], $0x3E80  }
0x801: {  	[sflag:s5] =	ssyncset.done $0x0  }
0x802: {  	s14 =	simm.s32 $0x2E00;
	[sflag:s5] =	ssyncadd.s32 $0xFFFFC180  }
0x803: {  	[tilespmem:s8], [sflag:$0x3] =	stream.indirect.gather [hbm4b:s2+s7], $0x80, s14, s7, $0xb8;
	[tilespmem:$0x1F880] =	vst v63  }
0x804: {  	_ =	swait.ge [sflag:s10], $0x3E80  }
0x805: {  	s20 =	sld [smem:$0x7DF]  }
0x806: {  	[sflag:s10] =	ssyncset.done $0x0  }
0x807: {  	[sflag:s10] =	ssyncadd.s32 $0xFFFFC180  }
0x808: {  	[spmem:s1] =	stream.indirect.scatter.add.f32 [tilespmem:s9], [sflag:$0x6], $0x80, s20, s7, $0xb8;
	[tilespmem:$0x1F880] =	vst v63  }
0x809: {  	_ =	swait.ge [sflag:s5], $0x3E80  }
0x80a: {  	[sflag:s5] =	ssyncset.done $0x0  }
0x80b: {  	s3 =	simm.s32 $0x2E80;
	[sflag:s5] =	ssyncadd.s32 $0xFFFFC180  }
0x80c: {  	[tilespmem:s9], [sflag:$0x4] =	stream.indirect.gather [hbm4b:s2+s7], $0x80, s3, s7, $0xb8;
	[tilespmem:$0x1F880] =	vst v63  }
0x80d: {  	_ =	swait.ge [sflag:s11], $0x3E80  }
0x80e: {  	s12 =	sld [smem:$0x7E0]  }
0x80f: {  	[sflag:s11] =	ssyncset.done $0x0  }
0x810: {  	[sflag:s11] =	ssyncadd.s32 $0xFFFFC180  }
0x811: {  	[spmem:s1] =	stream.indirect.scatter.add.f32 [tilespmem:s8], [sflag:$0x6], $0x80, s12, s7, $0xb8;
	[tilespmem:$0x1F880] =	vst v63  }
0x812: {  	_ =	swait.ge [sflag:s5], $0x3E80  }
0x813: {  	[sflag:s5] =	ssyncset.done $0x0  }
0x814: {  	s13 =	simm.s32 $0x2F00;
	[sflag:s5] =	ssyncadd.s32 $0xFFFFC180  }
0x815: {  	[tilespmem:s8], [sflag:$0x3] =	stream.indirect.gather [hbm4b:s2+s7], $0x80, s13, s7, $0xb8;
	[tilespmem:$0x1F880] =	vst v63  }
0x816: {  	_ =	swait.ge [sflag:s10], $0x3E80  }
0x817: {  	s14 =	sld [smem:$0x7E1]  }
0x818: {  	[sflag:s10] =	ssyncset.done $0x0  }
0x819: {  	[sflag:s10] =	ssyncadd.s32 $0xFFFFC180  }
0x81a: {  	[spmem:s1] =	stream.indirect.scatter.add.f32 [tilespmem:s9], [sflag:$0x6], $0x80, s14, s7, $0xb8;
	[tilespmem:$0x1F880] =	vst v63  }
0x81b: {  	_ =	swait.ge [sflag:s5], $0x3E80  }
0x81c: {  	[sflag:s5] =	ssyncset.done $0x0  }
0x81d: {  	s20 =	simm.s32 $0x2F80;
	[sflag:s5] =	ssyncadd.s32 $0xFFFFC180  }
0x81e: {  	[tilespmem:s9], [sflag:$0x4] =	stream.indirect.gather [hbm4b:s2+s7], $0x80, s20, s7, $0xb8;
	[tilespmem:$0x1F880] =	vst v63  }
0x81f: {  	_ =	swait.ge [sflag:s11], $0x3E80  }
0x820: {  	s3 =	sld [smem:$0x7E2]  }
0x821: {  	[sflag:s11] =	ssyncset.done $0x0  }
0x822: {  	[sflag:s11] =	ssyncadd.s32 $0xFFFFC180  }
0x823: {  	[spmem:s1] =	stream.indirect.scatter.add.f32 [tilespmem:s8], [sflag:$0x6], $0x80, s3, s7, $0xb8;
	[tilespmem:$0x1F880] =	vst v63  }
0x824: {  	_ =	swait.ge [sflag:s5], $0x3E80  }
0x825: {  	[sflag:s5] =	ssyncset.done $0x0  }
0x826: {  	s12 =	simm.s32 $0x3000;
	[sflag:s5] =	ssyncadd.s32 $0xFFFFC180  }
0x827: {  	[tilespmem:s8], [sflag:$0x3] =	stream.indirect.gather [hbm4b:s2+s7], $0x80, s12, s7, $0xb8;
	[tilespmem:$0x1F880] =	vst v63  }
0x828: {  	_ =	swait.ge [sflag:s10], $0x3E80  }
0x829: {  	s13 =	sld [smem:$0x7E3]  }
0x82a: {  	[sflag:s10] =	ssyncset.done $0x0  }
0x82b: {  	[sflag:s10] =	ssyncadd.s32 $0xFFFFC180  }
0x82c: {  	[spmem:s1] =	stream.indirect.scatter.add.f32 [tilespmem:s9], [sflag:$0x6], $0x80, s13, s7, $0xb8;
	[tilespmem:$0x1F880] =	vst v63  }
0x82d: {  	_ =	swait.ge [sflag:s5], $0x3E80  }
0x82e: {  	[sflag:s5] =	ssyncset.done $0x0  }
0x82f: {  	s14 =	simm.s32 $0x3080;
	[sflag:s5] =	ssyncadd.s32 $0xFFFFC180  }
0x830: {  	[tilespmem:s9], [sflag:$0x4] =	stream.indirect.gather [hbm4b:s2+s7], $0x80, s14, s7, $0xb8;
	[tilespmem:$0x1F880] =	vst v63  }
0x831: {  	_ =	swait.ge [sflag:s11], $0x3E80  }
0x832: {  	s20 =	sld [smem:$0x7E4]  }
0x833: {  	[sflag:s11] =	ssyncset.done $0x0  }
0x834: {  	[sflag:s11] =	ssyncadd.s32 $0xFFFFC180  }
0x835: {  	[spmem:s1] =	stream.indirect.scatter.add.f32 [tilespmem:s8], [sflag:$0x6], $0x80, s20, s7, $0xb8;
	[tilespmem:$0x1F880] =	vst v63  }
0x836: {  	_ =	swait.ge [sflag:s5], $0x3E80  }
0x837: {  	[sflag:s5] =	ssyncset.done $0x0  }
0x838: {  	s3 =	simm.s32 $0x3100;
	[sflag:s5] =	ssyncadd.s32 $0xFFFFC180  }
0x839: {  	[tilespmem:s8], [sflag:$0x3] =	stream.indirect.gather [hbm4b:s2+s7], $0x80, s3, s7, $0xb8;
	[tilespmem:$0x1F880] =	vst v63  }
0x83a: {  	_ =	swait.ge [sflag:s10], $0x3E80  }
0x83b: {  	s12 =	sld [smem:$0x7E5]  }
0x83c: {  	[sflag:s10] =	ssyncset.done $0x0  }
0x83d: {  	[sflag:s10] =	ssyncadd.s32 $0xFFFFC180  }
0x83e: {  	[spmem:s1] =	stream.indirect.scatter.add.f32 [tilespmem:s9], [sflag:$0x6], $0x80, s12, s7, $0xb8;
	[tilespmem:$0x1F880] =	vst v63  }
0x83f: {  	_ =	swait.ge [sflag:s5], $0x3E80  }
0x840: {  	[sflag:s5] =	ssyncset.done $0x0  }
0x841: {  	s13 =	simm.s32 $0x3180;
	[sflag:s5] =	ssyncadd.s32 $0xFFFFC180  }
0x842: {  	[tilespmem:s9], [sflag:$0x4] =	stream.indirect.gather [hbm4b:s2+s7], $0x80, s13, s7, $0xb8;
	[tilespmem:$0x1F880] =	vst v63  }
0x843: {  	_ =	swait.ge [sflag:s11], $0x3E80  }
0x844: {  	s14 =	sld [smem:$0x7E6]  }
0x845: {  	[sflag:s11] =	ssyncset.done $0x0  }
0x846: {  	[sflag:s11] =	ssyncadd.s32 $0xFFFFC180  }
0x847: {  	[spmem:s1] =	stream.indirect.scatter.add.f32 [tilespmem:s8], [sflag:$0x6], $0x80, s14, s7, $0xb8;
	[tilespmem:$0x1F880] =	vst v63  }
0x848: {  	_ =	swait.ge [sflag:s5], $0x3E80  }
0x849: {  	[sflag:s5] =	ssyncset.done $0x0  }
0x84a: {  	[sflag:s5] =	ssyncadd.s32 $0xFFFFC180  }
0x84b: {  	_ =	swait.ge [sflag:s15], $0xA00  }
0x84c: {  	[sflag:s15] =	ssyncset.done $0x0  }
0x84d: {  	[sflag:s15] =	ssyncadd.s32 $0xFFFFF600  }
0x84e: {  	[tilespmem:s8], [sflag:$0x3] =	stream.indirect.gather [hbm4b:s2+s7], $0x80, s29, s7, $0xb8;
	[tilespmem:$0x1F880] =	vst v63  }
0x84f: {  	_ =	swait.ge [sflag:s10], $0x3E80  }
0x850: {  	s15 =	sld [smem:$0x7E7]  }
0x851: {  	[sflag:s10] =	ssyncset.done $0x0  }
0x852: {  	[sflag:s10] =	ssyncadd.s32 $0xFFFFC180  }
0x853: {  	[spmem:s1] =	stream.indirect.scatter.add.f32 [tilespmem:s9], [sflag:$0x6], $0x80, s15, s7, $0xb8;
	[tilespmem:$0x1F880] =	vst v63  }
0x854: {  	_ =	swait.ge [sflag:s5], $0x3E80  }
0x855: {  	[sflag:s5] =	ssyncset.done $0x0  }
0x856: {  	s20 =	simm.s32 $0x3480;
	[sflag:s5] =	ssyncadd.s32 $0xFFFFC180  }
0x857: {  	[tilespmem:s9], [sflag:$0x4] =	stream.indirect.gather [hbm4b:s2+s7], $0x80, s20, s7, $0xb8;
	[tilespmem:$0x1F880] =	vst v63  }
0x858: {  	_ =	swait.ge [sflag:s11], $0x3E80  }
0x859: {  	s29 =	sld [smem:$0x7E8]  }
0x85a: {  	[sflag:s11] =	ssyncset.done $0x0  }
0x85b: {  	[sflag:s11] =	ssyncadd.s32 $0xFFFFC180  }
0x85c: {  	[spmem:s1] =	stream.indirect.scatter.add.f32 [tilespmem:s8], [sflag:$0x6], $0x80, s29, s7, $0xb8;
	[tilespmem:$0x1F880] =	vst v63  }
0x85d: {  	_ =	swait.ge [sflag:s5], $0x3E80  }
0x85e: {  	[sflag:s5] =	ssyncset.done $0x0  }
0x85f: {  	s3 =	simm.s32 $0x3500;
	[sflag:s5] =	ssyncadd.s32 $0xFFFFC180  }
0x860: {  	[tilespmem:s8], [sflag:$0x3] =	stream.indirect.gather [hbm4b:s2+s7], $0x80, s3, s7, $0xb8;
	[tilespmem:$0x1F880] =	vst v63  }
0x861: {  	_ =	swait.ge [sflag:s10], $0x3E80  }
0x862: {  	s12 =	sld [smem:$0x7E9]  }
0x863: {  	[sflag:s10] =	ssyncset.done $0x0  }
0x864: {  	[sflag:s10] =	ssyncadd.s32 $0xFFFFC180  }
0x865: {  	[spmem:s1] =	stream.indirect.scatter.add.f32 [tilespmem:s9], [sflag:$0x6], $0x80, s12, s7, $0xb8;
	[tilespmem:$0x1F880] =	vst v63  }
0x866: {  	_ =	swait.ge [sflag:s5], $0x3E80  }
0x867: {  	[sflag:s5] =	ssyncset.done $0x0  }
0x868: {  	s13 =	simm.s32 $0x3580;
	[sflag:s5] =	ssyncadd.s32 $0xFFFFC180  }
0x869: {  	[tilespmem:s9], [sflag:$0x4] =	stream.indirect.gather [hbm4b:s2+s7], $0x80, s13, s7, $0xb8;
	[tilespmem:$0x1F880] =	vst v63  }
0x86a: {  	_ =	swait.ge [sflag:s11], $0x3E80  }
0x86b: {  	s14 =	sld [smem:$0x7EA]  }
0x86c: {  	[sflag:s11] =	ssyncset.done $0x0  }
0x86d: {  	[sflag:s11] =	ssyncadd.s32 $0xFFFFC180  }
0x86e: {  	[spmem:s1] =	stream.indirect.scatter.add.f32 [tilespmem:s8], [sflag:$0x6], $0x80, s14, s7, $0xb8;
	[tilespmem:$0x1F880] =	vst v63  }
0x86f: {  	_ =	swait.ge [sflag:s5], $0x3E80  }
0x870: {  	[sflag:s5] =	ssyncset.done $0x0  }
0x871: {  	s15 =	simm.s32 $0x3600;
	[sflag:s5] =	ssyncadd.s32 $0xFFFFC180  }
0x872: {  	[tilespmem:s8], [sflag:$0x3] =	stream.indirect.gather [hbm4b:s2+s7], $0x80, s15, s7, $0xb8;
	[tilespmem:$0x1F880] =	vst v63  }
0x873: {  	_ =	swait.ge [sflag:s10], $0x3E80  }
0x874: {  	s20 =	sld [smem:$0x7EB]  }
0x875: {  	[sflag:s10] =	ssyncset.done $0x0  }
0x876: {  	[sflag:s10] =	ssyncadd.s32 $0xFFFFC180  }
0x877: {  	[spmem:s1] =	stream.indirect.scatter.add.f32 [tilespmem:s9], [sflag:$0x6], $0x80, s20, s7, $0xb8;
	[tilespmem:$0x1F880] =	vst v63  }
0x878: {  	_ =	swait.ge [sflag:s5], $0x3E80  }
0x879: {  	[sflag:s5] =	ssyncset.done $0x0  }
0x87a: {  	s29 =	simm.s32 $0x3680;
	[sflag:s5] =	ssyncadd.s32 $0xFFFFC180  }
0x87b: {  	[tilespmem:s9], [sflag:$0x4] =	stream.indirect.gather [hbm4b:s2+s7], $0x80, s29, s7, $0xb8;
	[tilespmem:$0x1F880] =	vst v63  }
0x87c: {  	_ =	swait.ge [sflag:s11], $0x3E80  }
0x87d: {  	s3 =	sld [smem:$0x7EC]  }
0x87e: {  	[sflag:s11] =	ssyncset.done $0x0  }
0x87f: {  	[sflag:s11] =	ssyncadd.s32 $0xFFFFC180  }
0x880: {  	[spmem:s1] =	stream.indirect.scatter.add.f32 [tilespmem:s8], [sflag:$0x6], $0x80, s3, s7, $0xb8;
	[tilespmem:$0x1F880] =	vst v63  }
0x881: {  	_ =	swait.ge [sflag:s5], $0x3E80  }
0x882: {  	[sflag:s5] =	ssyncset.done $0x0  }
0x883: {  	s12 =	simm.s32 $0x3700;
	[sflag:s5] =	ssyncadd.s32 $0xFFFFC180  }
0x884: {  	[tilespmem:s8], [sflag:$0x3] =	stream.indirect.gather [hbm4b:s2+s7], $0x80, s12, s7, $0xb8;
	[tilespmem:$0x1F880] =	vst v63  }
0x885: {  	_ =	swait.ge [sflag:s10], $0x3E80  }
0x886: {  	s13 =	sld [smem:$0x7ED]  }
0x887: {  	[sflag:s10] =	ssyncset.done $0x0  }
0x888: {  	[sflag:s10] =	ssyncadd.s32 $0xFFFFC180  }
0x889: {  	[spmem:s1] =	stream.indirect.scatter.add.f32 [tilespmem:s9], [sflag:$0x6], $0x80, s13, s7, $0xb8;
	[tilespmem:$0x1F880] =	vst v63  }
0x88a: {  	_ =	swait.ge [sflag:s5], $0x3E80  }
0x88b: {  	[sflag:s5] =	ssyncset.done $0x0  }
0x88c: {  	s14 =	simm.s32 $0x3780;
	[sflag:s5] =	ssyncadd.s32 $0xFFFFC180  }
0x88d: {  	[tilespmem:s9], [sflag:$0x4] =	stream.indirect.gather [hbm4b:s2+s7], $0x80, s14, s7, $0xb8;
	[tilespmem:$0x1F880] =	vst v63  }
0x88e: {  	_ =	swait.ge [sflag:s11], $0x3E80  }
0x88f: {  	s15 =	sld [smem:$0x7EE]  }
0x890: {  	[sflag:s11] =	ssyncset.done $0x0  }
0x891: {  	[sflag:s11] =	ssyncadd.s32 $0xFFFFC180  }
0x892: {  	[spmem:s1] =	stream.indirect.scatter.add.f32 [tilespmem:s8], [sflag:$0x6], $0x80, s15, s7, $0xb8;
	[tilespmem:$0x1F880] =	vst v63  }
0x893: {  	_ =	swait.ge [sflag:s5], $0x3E80  }
0x894: {  	[sflag:s5] =	ssyncset.done $0x0  }
0x895: {  	s20 =	simm.s32 $0x3800;
	[sflag:s5] =	ssyncadd.s32 $0xFFFFC180  }
0x896: {  	[tilespmem:s8], [sflag:$0x3] =	stream.indirect.gather [hbm4b:s2+s7], $0x80, s20, s7, $0xb8;
	[tilespmem:$0x1F880] =	vst v63  }
0x897: {  	_ =	swait.ge [sflag:s10], $0x3E80  }
0x898: {  	s29 =	sld [smem:$0x7EF]  }
0x899: {  	[sflag:s10] =	ssyncset.done $0x0  }
0x89a: {  	[sflag:s10] =	ssyncadd.s32 $0xFFFFC180  }
0x89b: {  	[spmem:s1] =	stream.indirect.scatter.add.f32 [tilespmem:s9], [sflag:$0x6], $0x80, s29, s7, $0xb8;
	[tilespmem:$0x1F880] =	vst v63  }
0x89c: {  	_ =	swait.ge [sflag:s5], $0x3E80  }
0x89d: {  	[sflag:s5] =	ssyncset.done $0x0  }
0x89e: {  	[sflag:s5] =	ssyncadd.s32 $0xFFFFC180  }
0x89f: {  	[tilespmem:s9], [sflag:$0x4] =	stream.indirect.gather [hbm4b:s2+s7], $0x80, s25, s7, $0xb8;
	[tilespmem:$0x1F880] =	vst v63  }
0x8a0: {  	_ =	swait.ge [sflag:s11], $0x3E80  }
0x8a1: {  	s3 =	sld [smem:$0x7F0]  }
0x8a2: {  	[sflag:s11] =	ssyncset.done $0x0  }
0x8a3: {  	[sflag:s11] =	ssyncadd.s32 $0xFFFFC180  }
0x8a4: {  	[spmem:s1] =	stream.indirect.scatter.add.f32 [tilespmem:s8], [sflag:$0x6], $0x80, s3, s7, $0xb8;
	[tilespmem:$0x1F880] =	vst v63  }
0x8a5: {  	_ =	swait.ge [sflag:s5], $0x3E80  }
0x8a6: {  	[sflag:s5] =	ssyncset.done $0x0  }
0x8a7: {  	[sflag:s5] =	ssyncadd.s32 $0xFFFFC180  }
0x8a8: {  	[tilespmem:s8], [sflag:$0x3] =	stream.indirect.gather [hbm4b:s2+s7], $0x80, s31, s7, $0xb8;
	[tilespmem:$0x1F880] =	vst v63  }
0x8a9: {  	_ =	swait.ge [sflag:s10], $0x3E80  }
0x8aa: {  	s12 =	sld [smem:$0x7F1]  }
0x8ab: {  	[sflag:s10] =	ssyncset.done $0x0  }
0x8ac: {  	[sflag:s10] =	ssyncadd.s32 $0xFFFFC180  }
0x8ad: {  	[spmem:s1] =	stream.indirect.scatter.add.f32 [tilespmem:s9], [sflag:$0x6], $0x80, s12, s7, $0xb8;
	[tilespmem:$0x1F880] =	vst v63  }
0x8ae: {  	_ =	swait.ge [sflag:s5], $0x3E80  }
0x8af: {  	[sflag:s5] =	ssyncset.done $0x0  }
0x8b0: {  	[sflag:s5] =	ssyncadd.s32 $0xFFFFC180  }
0x8b1: {  	[tilespmem:s9], [sflag:$0x4] =	stream.indirect.gather [hbm4b:s2+s7], $0x80, s30, s7, $0xb8;
	[tilespmem:$0x1F880] =	vst v63  }
0x8b2: {  	_ =	swait.ge [sflag:s11], $0x3E80  }
0x8b3: {  	s13 =	sld [smem:$0x7F2]  }
0x8b4: {  	[sflag:s11] =	ssyncset.done $0x0  }
0x8b5: {  	[sflag:s11] =	ssyncadd.s32 $0xFFFFC180  }
0x8b6: {  	[spmem:s1] =	stream.indirect.scatter.add.f32 [tilespmem:s8], [sflag:$0x6], $0x80, s13, s7, $0xb8;
	[tilespmem:$0x1F880] =	vst v63  }
0x8b7: {  	_ =	swait.ge [sflag:s5], $0x3E80  }
0x8b8: {  	[sflag:s5] =	ssyncset.done $0x0  }
0x8b9: {  	[sflag:s5] =	ssyncadd.s32 $0xFFFFC180  }
0x8ba: {  	[tilespmem:s8], [sflag:$0x3] =	stream.indirect.gather [hbm4b:s2+s7], $0x80, s18, s7, $0xb8;
	[tilespmem:$0x1F880] =	vst v63  }
0x8bb: {  	_ =	swait.ge [sflag:s10], $0x3E80  }
0x8bc: {  	s14 =	sld [smem:$0x7F3]  }
0x8bd: {  	[sflag:s10] =	ssyncset.done $0x0  }
0x8be: {  	[sflag:s10] =	ssyncadd.s32 $0xFFFFC180  }
0x8bf: {  	[spmem:s1] =	stream.indirect.scatter.add.f32 [tilespmem:s9], [sflag:$0x6], $0x80, s14, s7, $0xb8;
	[tilespmem:$0x1F880] =	vst v63  }
0x8c0: {  	_ =	swait.ge [sflag:s5], $0x3E80  }
0x8c1: {  	[sflag:s5] =	ssyncset.done $0x0  }
0x8c2: {  	[sflag:s5] =	ssyncadd.s32 $0xFFFFC180  }
0x8c3: {  	[tilespmem:s9], [sflag:$0x4] =	stream.indirect.gather [hbm4b:s2+s7], $0x80, s17, s7, $0xb8;
	[tilespmem:$0x1F880] =	vst v63  }
0x8c4: {  	_ =	swait.ge [sflag:s11], $0x3E80  }
0x8c5: {  	s15 =	sld [smem:$0x7F4]  }
0x8c6: {  	[sflag:s11] =	ssyncset.done $0x0  }
0x8c7: {  	[sflag:s11] =	ssyncadd.s32 $0xFFFFC180  }
0x8c8: {  	[spmem:s1] =	stream.indirect.scatter.add.f32 [tilespmem:s8], [sflag:$0x6], $0x80, s15, s7, $0xb8;
	[tilespmem:$0x1F880] =	vst v63  }
0x8c9: {  	_ =	swait.ge [sflag:s5], $0x3E80  }
0x8ca: {  	[sflag:s5] =	ssyncset.done $0x0  }
0x8cb: {  	[sflag:s5] =	ssyncadd.s32 $0xFFFFC180  }
0x8cc: {  	[tilespmem:s8], [sflag:$0x3] =	stream.indirect.gather [hbm4b:s2+s7], $0x80, s16, s7, $0xb8;
	[tilespmem:$0x1F880] =	vst v63  }
0x8cd: {  	_ =	swait.ge [sflag:s10], $0x3E80  }
0x8ce: {  	s16 =	sld [smem:$0x7F5]  }
0x8cf: {  	[sflag:s10] =	ssyncset.done $0x0  }
0x8d0: {  	[sflag:s10] =	ssyncadd.s32 $0xFFFFC180  }
0x8d1: {  	[spmem:s1] =	stream.indirect.scatter.add.f32 [tilespmem:s9], [sflag:$0x6], $0x80, s16, s7, $0xb8;
	[tilespmem:$0x1F880] =	vst v63  }
0x8d2: {  	_ =	swait.ge [sflag:s5], $0x3E80  }
0x8d3: {  	[sflag:s5] =	ssyncset.done $0x0  }
0x8d4: {  	s17 =	simm.s32 $0x3B80;
	[sflag:s5] =	ssyncadd.s32 $0xFFFFC180  }
0x8d5: {  	[tilespmem:s9], [sflag:$0x4] =	stream.indirect.gather [hbm4b:s2+s7], $0x80, s17, s7, $0xb8;
	[tilespmem:$0x1F880] =	vst v63  }
0x8d6: {  	_ =	swait.ge [sflag:s11], $0x3E80  }
0x8d7: {  	s18 =	sld [smem:$0x7F6]  }
0x8d8: {  	[sflag:s11] =	ssyncset.done $0x0  }
0x8d9: {  	[sflag:s11] =	ssyncadd.s32 $0xFFFFC180  }
0x8da: {  	[spmem:s1] =	stream.indirect.scatter.add.f32 [tilespmem:s8], [sflag:$0x6], $0x80, s18, s7, $0xb8;
	[tilespmem:$0x1F880] =	vst v63  }
0x8db: {  	_ =	swait.ge [sflag:s5], $0x3E80  }
0x8dc: {  	[sflag:s5] =	ssyncset.done $0x0  }
0x8dd: {  	[sflag:s5] =	ssyncadd.s32 $0xFFFFC180  }
0x8de: {  	[tilespmem:s8], [sflag:$0x3] =	stream.indirect.gather [hbm4b:s2+s7], $0x80, s28, s7, $0xb8;
	[tilespmem:$0x1F880] =	vst v63  }
0x8df: {  	_ =	swait.ge [sflag:s10], $0x3E80  }
0x8e0: {  	s20 =	sld [smem:$0x7F7]  }
0x8e1: {  	[sflag:s10] =	ssyncset.done $0x0  }
0x8e2: {  	[sflag:s10] =	ssyncadd.s32 $0xFFFFC180  }
0x8e3: {  	[spmem:s1] =	stream.indirect.scatter.add.f32 [tilespmem:s9], [sflag:$0x6], $0x80, s20, s7, $0xb8;
	[tilespmem:$0x1F880] =	vst v63  }
0x8e4: {  	_ =	swait.ge [sflag:s5], $0x3E80  }
0x8e5: {  	[sflag:s5] =	ssyncset.done $0x0  }
0x8e6: {  	[sflag:s5] =	ssyncadd.s32 $0xFFFFC180  }
0x8e7: {  	[tilespmem:s9], [sflag:$0x4] =	stream.indirect.gather [hbm4b:s2+s7], $0x80, s23, s7, $0xb8;
	[tilespmem:$0x1F880] =	vst v63  }
0x8e8: {  	_ =	swait.ge [sflag:s11], $0x3E80  }
0x8e9: {  	s25 =	sld [smem:$0x7F8]  }
0x8ea: {  	[sflag:s11] =	ssyncset.done $0x0  }
0x8eb: {  	[sflag:s11] =	ssyncadd.s32 $0xFFFFC180  }
0x8ec: {  	[spmem:s1] =	stream.indirect.scatter.add.f32 [tilespmem:s8], [sflag:$0x6], $0x80, s25, s7, $0xb8;
	[tilespmem:$0x1F880] =	vst v63  }
0x8ed: {  	_ =	swait.ge [sflag:s5], $0x3E80  }
0x8ee: {  	[sflag:s5] =	ssyncset.done $0x0  }
0x8ef: {  	[sflag:s5] =	ssyncadd.s32 $0xFFFFC180  }
0x8f0: {  	[tilespmem:s8], [sflag:$0x3] =	stream.indirect.gather [hbm4b:s2+s7], $0x80, s22, s7, $0xb8;
	[tilespmem:$0x1F880] =	vst v63  }
0x8f1: {  	_ =	swait.ge [sflag:s10], $0x3E80  }
0x8f2: {  	s28 =	sld [smem:$0x7F9]  }
0x8f3: {  	[sflag:s10] =	ssyncset.done $0x0  }
0x8f4: {  	[sflag:s10] =	ssyncadd.s32 $0xFFFFC180  }
0x8f5: {  	[spmem:s1] =	stream.indirect.scatter.add.f32 [tilespmem:s9], [sflag:$0x6], $0x80, s28, s7, $0xb8;
	[tilespmem:$0x1F880] =	vst v63  }
0x8f6: {  	_ =	swait.ge [sflag:s5], $0x3E80  }
0x8f7: {  	[sflag:s5] =	ssyncset.done $0x0  }
0x8f8: {  	[sflag:s5] =	ssyncadd.s32 $0xFFFFC180  }
0x8f9: {  	[tilespmem:s9], [sflag:$0x4] =	stream.indirect.gather [hbm4b:s2+s7], $0x80, s21, s7, $0xb8;
	[tilespmem:$0x1F880] =	vst v63  }
0x8fa: {  	_ =	swait.ge [sflag:s11], $0x3E80  }
0x8fb: {  	s29 =	sld [smem:$0x7FA]  }
0x8fc: {  	[sflag:s11] =	ssyncset.done $0x0  }
0x8fd: {  	[sflag:s11] =	ssyncadd.s32 $0xFFFFC180  }
0x8fe: {  	[spmem:s1] =	stream.indirect.scatter.add.f32 [tilespmem:s8], [sflag:$0x6], $0x80, s29, s7, $0xb8;
	[tilespmem:$0x1F880] =	vst v63  }
0x8ff: {  	_ =	swait.ge [sflag:s5], $0x3E80  }
0x900: {  	[sflag:s5] =	ssyncset.done $0x0  }
0x901: {  	[sflag:s5] =	ssyncadd.s32 $0xFFFFC180  }
0x902: {  	_ =	swait.ge [sflag:s10], $0x3E80  }
0x903: {  	s30 =	sld [smem:$0x7FB]  }
0x904: {  	[sflag:s10] =	ssyncset.done $0x0  }
0x905: {  	[sflag:s10] =	ssyncadd.s32 $0xFFFFC180  }
0x906: {  	[spmem:s1] =	stream.indirect.scatter.add.f32 [tilespmem:s9], [sflag:$0x6], $0x80, s30, s7, $0xb8;
	[tilespmem:$0x1F880] =	vst v63  }
0x907: {  	_ =	swait.ge [sflag:s5], $0x3E80  }
0x908: {  	[sflag:s5] =	ssyncset.done $0x0  }
0x909: {  	[sflag:s5] =	ssyncadd.s32 $0xFFFFC180  }
0x90a: {  	[bflag:$0x0] =	sbarrier.arrive $0xFFFF  }
0x90b: {  	s31 =	sld [smem:$0x7FC];
	_ =	sdelay $0x2  }
0x90c: {  	[hbm:s31], [sflag:s26] =	dma.local [spmem:s4], $0x2700  }
0x90d: {  	_ =	swait.ge [sflag:s5], $0x2700  }
0x90e: {  	s0 =	sld [smem:$0x7FD]  }
0x90f: {  	[sflag:s5] =	ssyncset.done $0x0  }
0x910: {  	[sflag:s5] =	ssyncadd.s32 $0xFFFFD900  }
0x911: {  	[hbm:s0], [sflag:s26] =	dma.local @!p0 [spmem:s6], $0x100  }
0x912: {  	_ =	swait.ge @!p0 [sflag:s19], $0x100  }
0x913: {  	[sflag:s19] =	ssyncset.done @!p0 $0x0  }
0x914: {  	[sflag:s19] =	ssyncadd.s32 @!p0 $0xFFFFFF00  }
0x915: {  	_ =	sfence.sel $0x180000  }
0x916: {  	[bflag:$0x0] =	sbarrier.arrive $0xFFFF  }
0x917: {  	_ =	strace $0x90000047  }
0x918: {  	s0 =	sadd.s32 @!p0 $0x100000, s24;
	[bflag:$0x2] =	sbarrier.arrive $0xFFFF  }
0x919: {  	[sflag:s0] =	ssyncadd.tile.s32 @!p0 $0x1;
	_ =	shalt  }
.LBB2_1:
.Ltmp3:
0x91a: {  	(pc) =	sbr.rel .LBB2_6-.Ltmp3, $2  }
0x91b: {  	_ =	sdelay $0x2  }
0x91c: {  	_ = 	snop  }
.LBB2_7:
.Ltmp4:
0x91d: {  	(pc) =	sbr.rel .LBB2_6-.Ltmp4, $3  }
0x91e: {  	_ =	sdelay $0x1  }
0x91f: {  	s24 =	rddreg [dreg:$0x3];
	s20 =	simm.s32 $0x5;
	s12 =	simm.s32 $0x2800  }
0x920: {  	s17 =	sld [smem:$0x7BF];
	s15 =	simm.s32 $0x2;
	s3 =	simm.s32 $0x1  }
.Lfunc_end2:
_tile_overlayer_lowered:
.L_overlay_start_2:
0x921: {  	(tag) =	ssettag $0x2  }
0x922: {  	s0 =	rddreg [dreg:$0x0];
	s2 =	stileid.u32  }
0x923: {  	s1 =	rddreg [dreg:$0x1];
	p0 =	sne.s32 s2, $0x0  }
0x924: {  	s3 =	rddreg [dreg:$0x2];
	[bflag:$0x3] =	sbarrier.arrive $0xFFFF;
	s2 =	simm.s32 @!p0 $0x1C06  }
0x925: {  	[timem:s3], [sflag:s2] =	dma.local @!p0 [hbm:s0], s1  }
0x926: {  	s0 =	simm.s32 @!p0 $0x6  }
0x927: {  	_ =	swait.ge @!p0 [sflag:s0], s1  }
0x928: {  	s1 =	ssub.s32 @!p0 $0x0, s1;
	[sflag:s0] =	ssyncset.done @!p0 $0x0  }
0x929: {  	[sflag:s0] =	ssyncadd.s32 @!p0 s1  }
0x92a: {  	[bflag:$0x3] =	sbarrier.arrive $0xFFFF  }
0x92b: {  	_ =	shalt  }

</sc_bundles>
